<compile_context>
chip_gen: v7x
topology: tpu7x:2x2x1
jax: 0.10.2.dev20260603
libtpu: 0.0.44.dev20260713+nightly
codegen_flags: <defaults>
</compile_context>

<pallas_src>
import functools

import jax
import jax.numpy as jnp
from jax import lax
from jax.experimental import pallas as pl
from jax.experimental.pallas import tpu as pltpu
from jax.experimental.pallas import tpu_sc as plsc

_NC = 2
_NS = 16
_L = 16
_CHUNK = 80
_RPT = 640
_NP = _NS * _RPT


def _mesh():
    return plsc.VectorSubcoreMesh(core_axis_name="c", subcore_axis_name="s")


@functools.cache
def _deg_kernel(ept):
    cpt = ept // _CHUNK

    @functools.partial(
        pl.kernel,
        out_type=jax.ShapeDtypeStruct((_NC, _NP), jnp.float32),
        mesh=_mesh(),
        scratch_types=[
            pltpu.VMEM((ept,), jnp.int32),
            pltpu.VMEM((_CHUNK,), jnp.int32),
            pltpu.VMEM((_CHUNK,), jnp.float32),
            pltpu.VMEM((_RPT,), jnp.float32),
            pltpu.VMEM_SHARED((_NP,), jnp.float32),
        ],
    )
    def deg(dst_e, out, idx_v, chunk_v, ones_v, zeros_v, acc):
        c = lax.axis_index("c")
        s = lax.axis_index("s")
        tid = c * _NS + s
        for i in range(_RPT // _L):
            zeros_v[pl.ds(i * _L, _L)] = jnp.zeros((_L,), jnp.float32)
        for i in range(_CHUNK // _L):
            ones_v[pl.ds(i * _L, _L)] = jnp.ones((_L,), jnp.float32)
        pltpu.sync_copy(zeros_v, acc.at[pl.ds(s * _RPT, _RPT)])
        pltpu.sync_copy(dst_e.at[pl.ds(tid * ept, ept)], idx_v)
        plsc.subcore_barrier()

        def body(j, carry):
            for k in range(_CHUNK // _L):
                sl = pl.ds(k * _L, _L)
                chunk_v[sl] = idx_v[pl.ds(j * _CHUNK + k * _L, _L)]
            pltpu.sync_copy(ones_v, acc.at[chunk_v], add=True)
            return carry

        lax.fori_loop(0, cpt, body, 0)
        plsc.subcore_barrier()
        pltpu.sync_copy(acc.at[pl.ds(s * _RPT, _RPT)],
                        out.at[c, pl.ds(s * _RPT, _RPT)])

    return deg


_SUP = 32


@functools.cache
def _agg_kernel(n, ept, f, split_edges):
    tpt = ept if split_edges else 2 * ept
    sup_e = _SUP * _CHUNK
    nsup = tpt // sup_e
    last = n - (_NS - 1) * _RPT

    total = nsup * _SUP

    @functools.partial(
        pl.kernel,
        out_type=jax.ShapeDtypeStruct((_NC, _NP, f), jnp.float32),
        mesh=_mesh(),
        scratch_types=[
            pltpu.VMEM((sup_e,), jnp.int32),
            pltpu.VMEM((sup_e,), jnp.int32),
            pltpu.VMEM((2, _CHUNK), jnp.int32),
            pltpu.VMEM((2, _CHUNK), jnp.int32),
            pltpu.VMEM((2, _CHUNK, f), jnp.float32),
            pltpu.VMEM_SHARED((_NP, f), jnp.float32),
            pltpu.SemaphoreType.DMA,
            pltpu.SemaphoreType.DMA,
        ],
    )
    def agg(xs, src_e, dst_e, out, src_v, dst_v, adj_v, chunk_v, rows_v,
            acc, gsem, ssem):
        c = lax.axis_index("c")
        s = lax.axis_index("s")
        base = 0 if split_edges else c * n
        ebase = (c * _NS + s) * ept if split_edges else s * tpt

        @pl.when(s < _NS - 1)
        def _():
            pltpu.sync_copy(xs.at[pl.ds(base + s * _RPT, _RPT)],
                            acc.at[pl.ds(s * _RPT, _RPT)])

        @pl.when(s == _NS - 1)
        def _():
            pltpu.sync_copy(xs.at[pl.ds(base + (_NS - 1) * _RPT, last)],
                            acc.at[pl.ds((_NS - 1) * _RPT, last)])

        pltpu.sync_copy(src_e.at[pl.ds(ebase, sup_e)], src_v)
        pltpu.sync_copy(dst_e.at[pl.ds(ebase, sup_e)], dst_v)
        plsc.subcore_barrier()

        def body(g, carry):
            j = g % _SUP
            b = g % 2

            @pl.when((j == 0) & (g > 0))
            def _():
                off = ebase + (g // _SUP) * sup_e
                pltpu.sync_copy(src_e.at[pl.ds(off, sup_e)], src_v)
                pltpu.sync_copy(dst_e.at[pl.ds(off, sup_e)], dst_v)

            @pl.when(g >= 2)
            def _():
                pltpu.make_async_copy(rows_v.at[b], acc.at[chunk_v.at[b]],
                                      ssem).wait()

            for k in range(_CHUNK // _L):
                sl = pl.ds(k * _L, _L)
                esl = pl.ds(j * _CHUNK + k * _L, _L)
                adj_v[b, sl] = src_v[esl] + base
                chunk_v[b, sl] = dst_v[esl]
            pltpu.async_copy(xs.at[adj_v.at[b]], rows_v.at[b], gsem).wait()
            pltpu.async_copy(rows_v.at[b], acc.at[chunk_v.at[b]], ssem,
                             add=True)
            return carry

        lax.fori_loop(0, total, body, 0)
        for b in range(2):
            pltpu.make_async_copy(rows_v.at[b], acc.at[chunk_v.at[b]],
                                  ssem).wait()
        plsc.subcore_barrier()
        pltpu.sync_copy(acc.at[pl.ds(s * _RPT, _RPT)],
                        out.at[c, pl.ds(s * _RPT, _RPT)])

    return agg


def _prep(x, deg_t):
    n, fin = x.shape
    r = 1000
    nb = n // r

    def body(x_ref, d_ref, xs_ref, dinv_ref):
        deg = d_ref[:, 0:1] + d_ref[:, 1:2] + 1.0
        dinv = lax.rsqrt(jnp.maximum(deg, 1.0))
        xs_ref[...] = x_ref[...] * dinv
        dinv_ref[...] = dinv

    return pl.pallas_call(
        body,
        grid=(nb,),
        in_specs=[
            pl.BlockSpec((r, fin), lambda rb: (rb, 0)),
            pl.BlockSpec((r, 2), lambda rb: (rb, 0)),
        ],
        out_specs=[
            pl.BlockSpec((r, fin), lambda rb: (rb, 0)),
            pl.BlockSpec((r, 1), lambda rb: (rb, 0)),
        ],
        out_shape=[
            jax.ShapeDtypeStruct((n, fin), jnp.float32),
            jax.ShapeDtypeStruct((n, 1), jnp.float32),
        ],
    )(x, deg_t)


def _mid(s1p, xs, dinv, w, b):
    n, fin = xs.shape
    r = 1000
    nb = n // r
    fout = w.shape[1]
    foh = fout // 2

    def body(s_ref, x_ref, d_ref, w_ref, b_ref, o_ref):
        a = (s_ref[0] + s_ref[1] - x_ref[...]) * d_ref[...]
        h = jnp.dot(a, w_ref[...], preferred_element_type=jnp.float32)
        h = jnp.maximum(h + b_ref[...], 0.0) * d_ref[...]
        o_ref[0] = h[:, :foh]
        o_ref[1] = h[:, foh:]

    return pl.pallas_call(
        body,
        grid=(nb,),
        in_specs=[
            pl.BlockSpec((2, r, fin), lambda rb: (0, rb, 0)),
            pl.BlockSpec((r, fin), lambda rb: (rb, 0)),
            pl.BlockSpec((r, 1), lambda rb: (rb, 0)),
            pl.BlockSpec(w.shape, lambda rb: (0, 0)),
            pl.BlockSpec((1, fout), lambda rb: (0, 0)),
        ],
        out_specs=pl.BlockSpec((2, r, foh), lambda rb: (0, rb, 0)),
        out_shape=jax.ShapeDtypeStruct((2, n, foh), jnp.float32),
    )(s1p, xs, dinv, w, b)


def _out(s2, dinv, w, b):
    n = dinv.shape[0]
    fh = s2.shape[2]
    r = 1000
    nb = n // r
    fout = w.shape[1]

    def body(s_ref, d_ref, w_ref, b_ref, o_ref):
        a = jnp.concatenate([s_ref[0], s_ref[1]], axis=1) * d_ref[...]
        h = jnp.dot(a, w_ref[...], preferred_element_type=jnp.float32)
        o_ref[...] = jnp.maximum(h + b_ref[...], 0.0)

    return pl.pallas_call(
        body,
        grid=(nb,),
        in_specs=[
            pl.BlockSpec((2, r, fh), lambda rb: (0, rb, 0)),
            pl.BlockSpec((r, 1), lambda rb: (rb, 0)),
            pl.BlockSpec(w.shape, lambda rb: (0, 0)),
            pl.BlockSpec((1, fout), lambda rb: (0, 0)),
        ],
        out_specs=pl.BlockSpec((r, fout), lambda rb: (rb, 0)),
        out_shape=jax.ShapeDtypeStruct((n, fout), jnp.float32),
    )(s2, dinv, w, b)


def kernel(x, edge_index, W1, b1, W2, b2):
    n, fin = x.shape
    e = edge_index.shape[1]
    ei = edge_index.astype(jnp.int32)

    tiles = _NC * _NS
    base_ept = e // tiles
    ept = -(-base_ept // (_SUP * _CHUNK)) * (_SUP * _CHUNK)
    pad = ept - base_ept
    assert pad <= _NP - n, "edge padding must fit accumulator pad rows"
    ei3 = ei.reshape(2, tiles, base_ept)
    src_pad = jnp.concatenate(
        [ei3[0], jnp.zeros((tiles, pad), jnp.int32)], axis=1).reshape(-1)
    dst_fill = n + jnp.arange(pad, dtype=jnp.int32)
    dst_pad = jnp.concatenate(
        [ei3[1], jnp.broadcast_to(dst_fill, (tiles, pad))],
        axis=1).reshape(-1)

    deg_part = _deg_kernel(ept)(dst_pad)
    deg_t = deg_part[:, :n].T
    xs, dinv = _prep(x, deg_t)
    s1p = _agg_kernel(n, ept, fin, True)(xs, src_pad, dst_pad)
    hs = _mid(s1p, xs, dinv, W1, b1.reshape(1, -1))
    fh = W1.shape[1] // 2
    s2 = _agg_kernel(n, ept, fh, False)(hs.reshape(2 * n, fh),
                                        src_pad, dst_pad)
    return _out(s2, dinv, W2, b2.reshape(1, -1))

# --- scband reference (transcript-rebuilt; emitter-appended) ---
"""Pipeline reference for scband-gnn-28767690948719 (READ-ONLY COPY).

The authoritative reference and input builder live on the scoring server;
editing this copy changes nothing except your own understanding.
"""

import jax, jax.numpy as jnp
import numpy as np

N_NODES = 10000


def gcn_conv(x, edge_index, W, b):
    n = x.shape[0]
    h = x @ W
    src = edge_index[0]
    dst = edge_index[1]
    loop = jnp.arange(n, dtype=edge_index.dtype)
    src = jnp.concatenate([src, loop])
    dst = jnp.concatenate([dst, loop])
    deg = jnp.zeros((n,), dtype=h.dtype).at[dst].add(1.0)
    dinv = 1.0 / jnp.sqrt(jnp.clip(deg, 1.0))
    norm = dinv[src] * dinv[dst]
    out = jnp.zeros((n, W.shape[1]), dtype=h.dtype).at[dst].add(h[src] * norm[:, None])
    return out + b


def setup_inputs(seed: int = 0) -> dict:
    key = jax.random.key(seed)
    k_x, k_e, k_w1, k_b1, k_w2, k_b2 = jax.random.split(key, 6)
    in_channels = 128
    hidden_dim = 256
    n_edges = 320000
    x = jax.random.normal(k_x, (N_NODES, in_channels), dtype=jnp.float32)
    edge_index = jax.random.randint(k_e, (2, n_edges), 0, N_NODES, dtype=jnp.int64)
    s1 = 1.0 / np.sqrt(in_channels)
    s2 = 1.0 / np.sqrt(hidden_dim)
    W1 = jax.random.uniform(k_w1, (in_channels, hidden_dim), minval=-s1, maxval=s1, dtype=jnp.float32)
    b1 = jax.random.uniform(k_b1, (hidden_dim,), minval=-s1, maxval=s1, dtype=jnp.float32)
    W2 = jax.random.uniform(k_w2, (hidden_dim, hidden_dim), minval=-s2, maxval=s2, dtype=jnp.float32)
    b2 = jax.random.uniform(k_b2, (hidden_dim,), minval=-s2, maxval=s2, dtype=jnp.float32)
    return {"x": x, "edge_index": edge_index, "W1": W1, "b1": b1, "W2": W2, "b2": b2}


def reference(x, edge_index, W1, b1, W2, b2):
    h = gcn_conv(x, edge_index, W1, b1)
    h = jax.nn.relu(h)
    h = gcn_conv(h, edge_index, W2, b2)
    h = jax.nn.relu(h)
    return h

if __name__ == "__main__":
    import jax
    _d = setup_inputs()
    print(jax.jit(kernel)(*tuple(_d.values())))

</pallas_src>

<mosaic_0001>
#map = affine_map<(d0, d1) -> (0, 0)>
#map1 = affine_map<(d0, d1) -> (0)>
#map2 = affine_map<(d0, d1) -> (0, 0, 0)>
module attributes {stable_mosaic.version = 14 : i64} {
  func.func @agg(%arg0: i32, %arg1: i32, %arg2: memref<10000x128xf32, #tpu.memory_space<hbm>>, %arg3: memref<327680xi32, #tpu.memory_space<hbm>>, %arg4: memref<327680xi32, #tpu.memory_space<hbm>>, %arg5: memref<2x10240x128xf32, #tpu.memory_space<hbm>>, %arg6: memref<2560xi32, #tpu.memory_space<vmem>>, %arg7: memref<2560xi32, #tpu.memory_space<vmem>>, %arg8: memref<2x80xi32, #tpu.memory_space<vmem>>, %arg9: memref<2x80xi32, #tpu.memory_space<vmem>>, %arg10: memref<2x80x128xf32, #tpu.memory_space<vmem>>, %arg11: memref<10240x128xf32, #tpu.memory_space<vmem_shared>>, %arg12: memref<!tpu.dma_semaphore, #tpu.memory_space<semaphore_mem>>, %arg13: memref<!tpu.dma_semaphore, #tpu.memory_space<semaphore_mem>>) attributes {dimension_semantics = [#tpu.dimension_semantics<core_parallel>, #tpu.dimension_semantics<subcore_parallel>], iteration_bounds = array<i64: 2, 16>, scalar_prefetch = 0 : i64, scratch_operands = 8 : i64, tpu.core_type = #tpu.core_type<sc_vector_subcore>, window_params = [{transform_indices = #map}, {transform_indices = #map1}, {transform_indices = #map1}, {transform_indices = #map2}]} {
    %mul3A = arith.constant 16 : i32
    %mul3A_0 = arith.muli %arg0, %mul3A : i32
    %add3A = arith.addi %mul3A_0, %arg1 : i32
    %mul3A_1 = arith.constant 10240 : i32
    %mul3A_2 = arith.muli %add3A, %mul3A_1 : i32
    %lt3A = arith.constant 15 : i32
    %lt3A_3 = arith.cmpi slt, %arg1, %lt3A : i32
    %convert_element_type3A = arith.extui %lt3A_3 : i1 to i32
    %cond3A = arith.constant 0 : i32
    %cond3A_4 = arith.cmpi ne, %convert_element_type3A, %cond3A : i32
    scf.if %cond3A_4 {
      %mul3A_42 = arith.constant 640 : i32
      %mul3A_43 = arith.muli %arg1, %mul3A_42 : i32
      %add3A_44 = arith.constant 0 : i32
      %add3A_45 = arith.addi %add3A_44, %mul3A_43 : i32
      %mul3A_46 = arith.constant 640 : i32
      %mul3A_47 = arith.muli %arg1, %mul3A_46 : i32
      "tpu.region"() ({
        %run_scoped3A = tpu.sem_alloc : memref<!tpu.dma_semaphore, #tpu.memory_space<semaphore_mem>>
        %dma_start3A = arith.constant 0 : i32
        %dma_start3A_48 = tpu.memref_slice %arg11[%mul3A_47, %dma_start3A] : memref<10240x128xf32, #tpu.memory_space<vmem_shared>> -> memref<640x128xf32, #tpu.memory_space<vmem_shared>>
        %dma_start3A_49 = arith.constant 0 : i32
        %dma_start3A_50 = tpu.memref_slice %arg2[%add3A_45, %dma_start3A_49] : memref<10000x128xf32, #tpu.memory_space<hbm>> -> memref<640x128xf32, #tpu.memory_space<hbm>>
        tpu.enqueue_dma source(%dma_start3A_50 : memref<640x128xf32, #tpu.memory_space<hbm>>) target(%dma_start3A_48 : memref<640x128xf32, #tpu.memory_space<vmem_shared>>) target_semaphore(%run_scoped3A : memref<!tpu.dma_semaphore, #tpu.memory_space<semaphore_mem>>)
        %dma_wait3A_51 = arith.constant 0 : i32
        %dma_wait3A_52 = tpu.memref_slice %arg11[%mul3A_47, %dma_wait3A_51] : memref<10240x128xf32, #tpu.memory_space<vmem_shared>> -> memref<640x128xf32, #tpu.memory_space<vmem_shared>>
        %dma_wait3A_53 = arith.constant 0 : i32
        %dma_wait3A_54 = tpu.memref_slice %arg2[%add3A_45, %dma_wait3A_53] : memref<10000x128xf32, #tpu.memory_space<hbm>> -> memref<640x128xf32, #tpu.memory_space<hbm>>
        tpu.wait_dma2 semaphore(%run_scoped3A : memref<!tpu.dma_semaphore, #tpu.memory_space<semaphore_mem>>) src(%dma_wait3A_54 : memref<640x128xf32, #tpu.memory_space<hbm>>) dst(%dma_wait3A_52 : memref<640x128xf32, #tpu.memory_space<vmem_shared>>)
        tpu.yield
      }) : () -> ()
    } else {
    }
    %eq3A = arith.constant 15 : i32
    %eq3A_5 = arith.cmpi eq, %arg1, %eq3A : i32
    %convert_element_type3A_6 = arith.extui %eq3A_5 : i1 to i32
    %cond3A_7 = arith.constant 0 : i32
    %cond3A_8 = arith.cmpi ne, %convert_element_type3A_6, %cond3A_7 : i32
    scf.if %cond3A_8 {
      "tpu.region"() ({
        %run_scoped3A = tpu.sem_alloc : memref<!tpu.dma_semaphore, #tpu.memory_space<semaphore_mem>>
        %dma_start3A = arith.constant 9600 : i32
        %dma_start3A_42 = arith.constant 0 : i32
        %dma_start3A_43 = tpu.memref_slice %arg11[%dma_start3A, %dma_start3A_42] : memref<10240x128xf32, #tpu.memory_space<vmem_shared>> -> memref<400x128xf32, #tpu.memory_space<vmem_shared>>
        %dma_start3A_44 = arith.constant 9600 : i32
        %dma_start3A_45 = arith.constant 0 : i32
        %dma_start3A_46 = tpu.memref_slice %arg2[%dma_start3A_44, %dma_start3A_45] : memref<10000x128xf32, #tpu.memory_space<hbm>> -> memref<400x128xf32, #tpu.memory_space<hbm>>
        tpu.enqueue_dma source(%dma_start3A_46 : memref<400x128xf32, #tpu.memory_space<hbm>>) target(%dma_start3A_43 : memref<400x128xf32, #tpu.memory_space<vmem_shared>>) target_semaphore(%run_scoped3A : memref<!tpu.dma_semaphore, #tpu.memory_space<semaphore_mem>>)
        %dma_wait3A_47 = arith.constant 9600 : i32
        %dma_wait3A_48 = arith.constant 0 : i32
        %dma_wait3A_49 = tpu.memref_slice %arg11[%dma_wait3A_47, %dma_wait3A_48] : memref<10240x128xf32, #tpu.memory_space<vmem_shared>> -> memref<400x128xf32, #tpu.memory_space<vmem_shared>>
        %dma_wait3A_50 = arith.constant 9600 : i32
        %dma_wait3A_51 = arith.constant 0 : i32
        %dma_wait3A_52 = tpu.memref_slice %arg2[%dma_wait3A_50, %dma_wait3A_51] : memref<10000x128xf32, #tpu.memory_space<hbm>> -> memref<400x128xf32, #tpu.memory_space<hbm>>
        tpu.wait_dma2 semaphore(%run_scoped3A : memref<!tpu.dma_semaphore, #tpu.memory_space<semaphore_mem>>) src(%dma_wait3A_52 : memref<400x128xf32, #tpu.memory_space<hbm>>) dst(%dma_wait3A_49 : memref<400x128xf32, #tpu.memory_space<vmem_shared>>)
        tpu.yield
      }) : () -> ()
    } else {
    }
    "tpu.region"() ({
      %run_scoped3A = tpu.sem_alloc : memref<!tpu.dma_semaphore, #tpu.memory_space<semaphore_mem>>
      %dma_start3A = tpu.memref_slice %arg3[%mul3A_2] : memref<327680xi32, #tpu.memory_space<hbm>> -> memref<2560xi32, #tpu.memory_space<hbm>>
      %dma_start3A_42 = tpu.memref_slice %arg3[%mul3A_2] : memref<327680xi32, #tpu.memory_space<hbm>> -> memref<2560xi32, #tpu.memory_space<hbm>>
      tpu.enqueue_dma source(%dma_start3A_42 : memref<2560xi32, #tpu.memory_space<hbm>>) target(%arg6 : memref<2560xi32, #tpu.memory_space<vmem>>) target_semaphore(%run_scoped3A : memref<!tpu.dma_semaphore, #tpu.memory_space<semaphore_mem>>)
      %dma_wait3A_43 = tpu.memref_slice %arg3[%mul3A_2] : memref<327680xi32, #tpu.memory_space<hbm>> -> memref<2560xi32, #tpu.memory_space<hbm>>
      %dma_wait3A_44 = tpu.memref_slice %arg3[%mul3A_2] : memref<327680xi32, #tpu.memory_space<hbm>> -> memref<2560xi32, #tpu.memory_space<hbm>>
      tpu.wait_dma2 semaphore(%run_scoped3A : memref<!tpu.dma_semaphore, #tpu.memory_space<semaphore_mem>>) src(%dma_wait3A_44 : memref<2560xi32, #tpu.memory_space<hbm>>) dst(%arg6 : memref<2560xi32, #tpu.memory_space<vmem>>)
      tpu.yield
    }) : () -> ()
    "tpu.region"() ({
      %run_scoped3A = tpu.sem_alloc : memref<!tpu.dma_semaphore, #tpu.memory_space<semaphore_mem>>
      %dma_start3A = tpu.memref_slice %arg4[%mul3A_2] : memref<327680xi32, #tpu.memory_space<hbm>> -> memref<2560xi32, #tpu.memory_space<hbm>>
      %dma_start3A_42 = tpu.memref_slice %arg4[%mul3A_2] : memref<327680xi32, #tpu.memory_space<hbm>> -> memref<2560xi32, #tpu.memory_space<hbm>>
      tpu.enqueue_dma source(%dma_start3A_42 : memref<2560xi32, #tpu.memory_space<hbm>>) target(%arg7 : memref<2560xi32, #tpu.memory_space<vmem>>) target_semaphore(%run_scoped3A : memref<!tpu.dma_semaphore, #tpu.memory_space<semaphore_mem>>)
      %dma_wait3A_43 = tpu.memref_slice %arg4[%mul3A_2] : memref<327680xi32, #tpu.memory_space<hbm>> -> memref<2560xi32, #tpu.memory_space<hbm>>
      %dma_wait3A_44 = tpu.memref_slice %arg4[%mul3A_2] : memref<327680xi32, #tpu.memory_space<hbm>> -> memref<2560xi32, #tpu.memory_space<hbm>>
      tpu.wait_dma2 semaphore(%run_scoped3A : memref<!tpu.dma_semaphore, #tpu.memory_space<semaphore_mem>>) src(%dma_wait3A_44 : memref<2560xi32, #tpu.memory_space<hbm>>) dst(%arg7 : memref<2560xi32, #tpu.memory_space<vmem>>)
      tpu.yield
    }) : () -> ()
    %barrier3A = arith.constant 0 : index
    tpu.barrier barrier_id(%barrier3A)
    %scan3A = arith.constant 0 : i32
    %scan3A_9 = arith.constant 0 : i32
    %scan3A_10 = arith.constant 128 : i32
    %scan3A_11 = arith.addi %scan3A_9, %scan3A_10 : i32
    %scan3A_12 = arith.constant 1 : i32
    scf.for %scan3A_42 = %scan3A_9 to %scan3A_11 step %scan3A_12  : i32 {
      %jit3A = arith.constant 32 : i32
      %eq3A_43 = arith.constant 0 : i32
      %eq3A_44 = arith.cmpi eq, %jit3A, %eq3A_43 : i32
      %jit3A_45 = arith.constant 1 : i32
      %select_n3A = arith.select %eq3A_44, %jit3A_45, %jit3A : i32
      %rem3A = arith.remsi %scan3A_42, %select_n3A : i32
      %ne3A = arith.constant 0 : i32
      %ne3A_46 = arith.cmpi ne, %rem3A, %ne3A : i32
      %lt3A_47 = arith.constant 0 : i32
      %lt3A_48 = arith.cmpi slt, %rem3A, %lt3A_47 : i32
      %lt3A_49 = arith.constant 0 : i32
      %lt3A_50 = arith.cmpi slt, %select_n3A, %lt3A_49 : i32
      %ne3A_51 = arith.xori %lt3A_48, %lt3A_50 : i1
      %and3A = arith.andi %ne3A_51, %ne3A_46 : i1
      %add3A_52 = arith.addi %rem3A, %select_n3A : i32
      %select_n3A_53 = arith.select %and3A, %add3A_52, %rem3A : i32
      %jit3A_54 = arith.constant 2 : i32
      %eq3A_55 = arith.constant 0 : i32
      %eq3A_56 = arith.cmpi eq, %jit3A_54, %eq3A_55 : i32
      %jit3A_57 = arith.constant 1 : i32
      %select_n3A_58 = arith.select %eq3A_56, %jit3A_57, %jit3A_54 : i32
      %rem3A_59 = arith.remsi %scan3A_42, %select_n3A_58 : i32
      %ne3A_60 = arith.constant 0 : i32
      %ne3A_61 = arith.cmpi ne, %rem3A_59, %ne3A_60 : i32
      %lt3A_62 = arith.constant 0 : i32
      %lt3A_63 = arith.cmpi slt, %rem3A_59, %lt3A_62 : i32
      %lt3A_64 = arith.constant 0 : i32
      %lt3A_65 = arith.cmpi slt, %select_n3A_58, %lt3A_64 : i32
      %ne3A_66 = arith.xori %lt3A_63, %lt3A_65 : i1
      %and3A_67 = arith.andi %ne3A_66, %ne3A_61 : i1
      %add3A_68 = arith.addi %rem3A_59, %select_n3A_58 : i32
      %select_n3A_69 = arith.select %and3A_67, %add3A_68, %rem3A_59 : i32
      %eq3A_70 = arith.constant 0 : i32
      %eq3A_71 = arith.cmpi eq, %select_n3A_53, %eq3A_70 : i32
      %gt3A = arith.constant 0 : i32
      %gt3A_72 = arith.cmpi sgt, %scan3A_42, %gt3A : i32
      %and3A_73 = arith.andi %eq3A_71, %gt3A_72 : i1
      %convert_element_type3A_74 = arith.extui %and3A_73 : i1 to i32
      %cond3A_75 = arith.constant 0 : i32
      %cond3A_76 = arith.cmpi ne, %convert_element_type3A_74, %cond3A_75 : i32
      scf.if %cond3A_76 {
        %jit3A_223 = arith.constant 32 : i32
        %div3A = arith.divsi %scan3A_42, %jit3A_223 : i32
        %sign3A = arith.constant 0 : i32
        %sign3A_224 = arith.cmpi sgt, %scan3A_42, %sign3A : i32
        %sign3A_225 = arith.extui %sign3A_224 : i1 to i32
        %sign3A_226 = arith.constant 0 : i32
        %sign3A_227 = arith.cmpi slt, %scan3A_42, %sign3A_226 : i32
        %sign3A_228 = arith.extui %sign3A_227 : i1 to i32
        %sign3A_229 = arith.subi %sign3A_225, %sign3A_228 : i32
        %sign3A_230 = arith.constant 0 : i32
        %sign3A_231 = arith.cmpi sgt, %jit3A_223, %sign3A_230 : i32
        %sign3A_232 = arith.extui %sign3A_231 : i1 to i32
        %sign3A_233 = arith.constant 0 : i32
        %sign3A_234 = arith.cmpi slt, %jit3A_223, %sign3A_233 : i32
        %sign3A_235 = arith.extui %sign3A_234 : i1 to i32
        %sign3A_236 = arith.subi %sign3A_232, %sign3A_235 : i32
        %ne3A_237 = arith.cmpi ne, %sign3A_229, %sign3A_236 : i32
        %rem3A_238 = arith.remsi %scan3A_42, %jit3A_223 : i32
        %ne3A_239 = arith.constant 0 : i32
        %ne3A_240 = arith.cmpi ne, %rem3A_238, %ne3A_239 : i32
        %and3A_241 = arith.andi %ne3A_237, %ne3A_240 : i1
        %sub3A = arith.constant 1 : i32
        %sub3A_242 = arith.subi %div3A, %sub3A : i32
        %select_n3A_243 = arith.select %and3A_241, %sub3A_242, %div3A : i32
        %mul3A_244 = arith.constant 2560 : i32
        %mul3A_245 = arith.muli %select_n3A_243, %mul3A_244 : i32
        %add3A_246 = arith.addi %mul3A_2, %mul3A_245 : i32
        "tpu.region"() ({
          %run_scoped3A = tpu.sem_alloc : memref<!tpu.dma_semaphore, #tpu.memory_space<semaphore_mem>>
          %dma_start3A_247 = tpu.memref_slice %arg3[%add3A_246] : memref<327680xi32, #tpu.memory_space<hbm>> -> memref<2560xi32, #tpu.memory_space<hbm>>
          %dma_start3A_248 = tpu.memref_slice %arg3[%add3A_246] : memref<327680xi32, #tpu.memory_space<hbm>> -> memref<2560xi32, #tpu.memory_space<hbm>>
          tpu.enqueue_dma source(%dma_start3A_248 : memref<2560xi32, #tpu.memory_space<hbm>>) target(%arg6 : memref<2560xi32, #tpu.memory_space<vmem>>) target_semaphore(%run_scoped3A : memref<!tpu.dma_semaphore, #tpu.memory_space<semaphore_mem>>)
          %dma_wait3A_249 = tpu.memref_slice %arg3[%add3A_246] : memref<327680xi32, #tpu.memory_space<hbm>> -> memref<2560xi32, #tpu.memory_space<hbm>>
          %dma_wait3A_250 = tpu.memref_slice %arg3[%add3A_246] : memref<327680xi32, #tpu.memory_space<hbm>> -> memref<2560xi32, #tpu.memory_space<hbm>>
          tpu.wait_dma2 semaphore(%run_scoped3A : memref<!tpu.dma_semaphore, #tpu.memory_space<semaphore_mem>>) src(%dma_wait3A_250 : memref<2560xi32, #tpu.memory_space<hbm>>) dst(%arg6 : memref<2560xi32, #tpu.memory_space<vmem>>)
          tpu.yield
        }) : () -> ()
        "tpu.region"() ({
          %run_scoped3A = tpu.sem_alloc : memref<!tpu.dma_semaphore, #tpu.memory_space<semaphore_mem>>
          %dma_start3A_247 = tpu.memref_slice %arg4[%add3A_246] : memref<327680xi32, #tpu.memory_space<hbm>> -> memref<2560xi32, #tpu.memory_space<hbm>>
          %dma_start3A_248 = tpu.memref_slice %arg4[%add3A_246] : memref<327680xi32, #tpu.memory_space<hbm>> -> memref<2560xi32, #tpu.memory_space<hbm>>
          tpu.enqueue_dma source(%dma_start3A_248 : memref<2560xi32, #tpu.memory_space<hbm>>) target(%arg7 : memref<2560xi32, #tpu.memory_space<vmem>>) target_semaphore(%run_scoped3A : memref<!tpu.dma_semaphore, #tpu.memory_space<semaphore_mem>>)
          %dma_wait3A_249 = tpu.memref_slice %arg4[%add3A_246] : memref<327680xi32, #tpu.memory_space<hbm>> -> memref<2560xi32, #tpu.memory_space<hbm>>
          %dma_wait3A_250 = tpu.memref_slice %arg4[%add3A_246] : memref<327680xi32, #tpu.memory_space<hbm>> -> memref<2560xi32, #tpu.memory_space<hbm>>
          tpu.wait_dma2 semaphore(%run_scoped3A : memref<!tpu.dma_semaphore, #tpu.memory_space<semaphore_mem>>) src(%dma_wait3A_250 : memref<2560xi32, #tpu.memory_space<hbm>>) dst(%arg7 : memref<2560xi32, #tpu.memory_space<vmem>>)
          tpu.yield
        }) : () -> ()
      } else {
      }
      %ge3A = arith.constant 2 : i32
      %ge3A_77 = arith.cmpi sge, %scan3A_42, %ge3A : i32
      %convert_element_type3A_78 = arith.extui %ge3A_77 : i1 to i32
      %cond3A_79 = arith.constant 0 : i32
      %cond3A_80 = arith.cmpi ne, %convert_element_type3A_78, %cond3A_79 : i32
      scf.if %cond3A_80 {
        %dma_wait3A_223 = arith.constant 0 : i32
        %dma_wait3A_224 = arith.constant 0 : i32
        %dma_wait3A_225 = tpu.memref_slice %arg10[%select_n3A_69, %dma_wait3A_223, %dma_wait3A_224] : memref<2x80x128xf32, #tpu.memory_space<vmem>> -> memref<1x80x128xf32, #tpu.memory_space<vmem>>
        %dma_wait3A_226 = tpu.memref_squeeze %dma_wait3A_225 : memref<1x80x128xf32, #tpu.memory_space<vmem>> -> memref<80x128xf32, #tpu.memory_space<vmem>>
        %dma_wait3A_227 = arith.constant 0 : i32
        %dma_wait3A_228 = tpu.memref_slice %arg9[%select_n3A_69, %dma_wait3A_227] : memref<2x80xi32, #tpu.memory_space<vmem>> -> memref<1x80xi32, #tpu.memory_space<vmem>>
        %dma_wait3A_229 = tpu.memref_squeeze %dma_wait3A_228 : memref<1x80xi32, #tpu.memory_space<vmem>> -> memref<80xi32, #tpu.memory_space<vmem>>
        %dma_wait3A_230 = arith.constant 0 : i32
        %dma_wait3A_231 = arith.constant 0 : i32
        %dma_wait3A_232 = tpu.memref_slice %arg11[%dma_wait3A_230, %dma_wait3A_231] : memref<10240x128xf32, #tpu.memory_space<vmem_shared>> -> memref<10240x128xf32, #tpu.memory_space<vmem_shared>>
        tpu.wait_indirect_dma semaphore(%arg13 : memref<!tpu.dma_semaphore, #tpu.memory_space<semaphore_mem>>) src(%dma_wait3A_226 : memref<80x128xf32, #tpu.memory_space<vmem>>) dst(%dma_wait3A_232 : memref<10240x128xf32, #tpu.memory_space<vmem_shared>>)
      } else {
      }
      %mul3A_81 = arith.constant 80 : i32
      %mul3A_82 = arith.muli %select_n3A_53, %mul3A_81 : i32
      %add3A_83 = arith.constant 0 : i32
      %add3A_84 = arith.addi %mul3A_82, %add3A_83 : i32
      %get3A = arith.index_cast %add3A_84 : i32 to index
      %get3A_85 = tpu.vector_load %arg6[%get3A] {strides = array<i32>} : memref<2560xi32, #tpu.memory_space<vmem>>, vector<16xi32>,
      %get3A_86 = vector.shape_cast %get3A_85 : vector<16xi32> to vector<16xi32>
      %add3A_87 = arith.constant 0 : i32
      %add3A_88 = vector.broadcast %add3A_87 : i32 to vector<16xi32>
      %add3A_89 = arith.addi %get3A_86, %add3A_88 : vector<16xi32>
      %swap3A = arith.index_cast %select_n3A_69 : i32 to index
      %swap3A_90 = arith.constant 0 : index
      %swap3A_91 = tpu.vector_load %arg8[%swap3A, %swap3A_90] {strides = array<i32>} : memref<2x80xi32, #tpu.memory_space<vmem>>, vector<1x16xi32>,
      %swap3A_92 = vector.shape_cast %swap3A_91 : vector<1x16xi32> to vector<16xi32>
      %swap3A_93 = vector.shape_cast %add3A_89 : vector<16xi32> to vector<1x16xi32>
      tpu.vector_store %arg8[%swap3A, %swap3A_90], %swap3A_93 {strides = array<i32>} : memref<2x80xi32, #tpu.memory_space<vmem>>, vector<1x16xi32>,
      %get3A_94 = arith.index_cast %add3A_84 : i32 to index
      %get3A_95 = tpu.vector_load %arg7[%get3A_94] {strides = array<i32>} : memref<2560xi32, #tpu.memory_space<vmem>>, vector<16xi32>,
      %get3A_96 = vector.shape_cast %get3A_95 : vector<16xi32> to vector<16xi32>
      %swap3A_97 = arith.index_cast %select_n3A_69 : i32 to index
      %swap3A_98 = arith.constant 0 : index
      %swap3A_99 = tpu.vector_load %arg9[%swap3A_97, %swap3A_98] {strides = array<i32>} : memref<2x80xi32, #tpu.memory_space<vmem>>, vector<1x16xi32>,
      %swap3A_100 = vector.shape_cast %swap3A_99 : vector<1x16xi32> to vector<16xi32>
      %swap3A_101 = vector.shape_cast %get3A_96 : vector<16xi32> to vector<1x16xi32>
      tpu.vector_store %arg9[%swap3A_97, %swap3A_98], %swap3A_101 {strides = array<i32>} : memref<2x80xi32, #tpu.memory_space<vmem>>, vector<1x16xi32>,
      %mul3A_102 = arith.constant 80 : i32
      %mul3A_103 = arith.muli %select_n3A_53, %mul3A_102 : i32
      %add3A_104 = arith.constant 16 : i32
      %add3A_105 = arith.addi %mul3A_103, %add3A_104 : i32
      %get3A_106 = arith.index_cast %add3A_105 : i32 to index
      %get3A_107 = tpu.vector_load %arg6[%get3A_106] {strides = array<i32>} : memref<2560xi32, #tpu.memory_space<vmem>>, vector<16xi32>,
      %get3A_108 = vector.shape_cast %get3A_107 : vector<16xi32> to vector<16xi32>
      %add3A_109 = arith.constant 0 : i32
      %add3A_110 = vector.broadcast %add3A_109 : i32 to vector<16xi32>
      %add3A_111 = arith.addi %get3A_108, %add3A_110 : vector<16xi32>
      %swap3A_112 = arith.index_cast %select_n3A_69 : i32 to index
      %swap3A_113 = arith.constant 16 : index
      %swap3A_114 = tpu.vector_load %arg8[%swap3A_112, %swap3A_113] {strides = array<i32>} : memref<2x80xi32, #tpu.memory_space<vmem>>, vector<1x16xi32>,
      %swap3A_115 = vector.shape_cast %swap3A_114 : vector<1x16xi32> to vector<16xi32>
      %swap3A_116 = vector.shape_cast %add3A_111 : vector<16xi32> to vector<1x16xi32>
      tpu.vector_store %arg8[%swap3A_112, %swap3A_113], %swap3A_116 {strides = array<i32>} : memref<2x80xi32, #tpu.memory_space<vmem>>, vector<1x16xi32>,
      %get3A_117 = arith.index_cast %add3A_105 : i32 to index
      %get3A_118 = tpu.vector_load %arg7[%get3A_117] {strides = array<i32>} : memref<2560xi32, #tpu.memory_space<vmem>>, vector<16xi32>,
      %get3A_119 = vector.shape_cast %get3A_118 : vector<16xi32> to vector<16xi32>
      %swap3A_120 = arith.index_cast %select_n3A_69 : i32 to index
      %swap3A_121 = arith.constant 16 : index
      %swap3A_122 = tpu.vector_load %arg9[%swap3A_120, %swap3A_121] {strides = array<i32>} : memref<2x80xi32, #tpu.memory_space<vmem>>, vector<1x16xi32>,
      %swap3A_123 = vector.shape_cast %swap3A_122 : vector<1x16xi32> to vector<16xi32>
      %swap3A_124 = vector.shape_cast %get3A_119 : vector<16xi32> to vector<1x16xi32>
      tpu.vector_store %arg9[%swap3A_120, %swap3A_121], %swap3A_124 {strides = array<i32>} : memref<2x80xi32, #tpu.memory_space<vmem>>, vector<1x16xi32>,
      %mul3A_125 = arith.constant 80 : i32
      %mul3A_126 = arith.muli %select_n3A_53, %mul3A_125 : i32
      %add3A_127 = arith.constant 32 : i32
      %add3A_128 = arith.addi %mul3A_126, %add3A_127 : i32
      %get3A_129 = arith.index_cast %add3A_128 : i32 to index
      %get3A_130 = tpu.vector_load %arg6[%get3A_129] {strides = array<i32>} : memref<2560xi32, #tpu.memory_space<vmem>>, vector<16xi32>,
      %get3A_131 = vector.shape_cast %get3A_130 : vector<16xi32> to vector<16xi32>
      %add3A_132 = arith.constant 0 : i32
      %add3A_133 = vector.broadcast %add3A_132 : i32 to vector<16xi32>
      %add3A_134 = arith.addi %get3A_131, %add3A_133 : vector<16xi32>
      %swap3A_135 = arith.index_cast %select_n3A_69 : i32 to index
      %swap3A_136 = arith.constant 32 : index
      %swap3A_137 = tpu.vector_load %arg8[%swap3A_135, %swap3A_136] {strides = array<i32>} : memref<2x80xi32, #tpu.memory_space<vmem>>, vector<1x16xi32>,
      %swap3A_138 = vector.shape_cast %swap3A_137 : vector<1x16xi32> to vector<16xi32>
      %swap3A_139 = vector.shape_cast %add3A_134 : vector<16xi32> to vector<1x16xi32>
      tpu.vector_store %arg8[%swap3A_135, %swap3A_136], %swap3A_139 {strides = array<i32>} : memref<2x80xi32, #tpu.memory_space<vmem>>, vector<1x16xi32>,
      %get3A_140 = arith.index_cast %add3A_128 : i32 to index
      %get3A_141 = tpu.vector_load %arg7[%get3A_140] {strides = array<i32>} : memref<2560xi32, #tpu.memory_space<vmem>>, vector<16xi32>,
      %get3A_142 = vector.shape_cast %get3A_141 : vector<16xi32> to vector<16xi32>
      %swap3A_143 = arith.index_cast %select_n3A_69 : i32 to index
      %swap3A_144 = arith.constant 32 : index
      %swap3A_145 = tpu.vector_load %arg9[%swap3A_143, %swap3A_144] {strides = array<i32>} : memref<2x80xi32, #tpu.memory_space<vmem>>, vector<1x16xi32>,
      %swap3A_146 = vector.shape_cast %swap3A_145 : vector<1x16xi32> to vector<16xi32>
      %swap3A_147 = vector.shape_cast %get3A_142 : vector<16xi32> to vector<1x16xi32>
      tpu.vector_store %arg9[%swap3A_143, %swap3A_144], %swap3A_147 {strides = array<i32>} : memref<2x80xi32, #tpu.memory_space<vmem>>, vector<1x16xi32>,
      %mul3A_148 = arith.constant 80 : i32
      %mul3A_149 = arith.muli %select_n3A_53, %mul3A_148 : i32
      %add3A_150 = arith.constant 48 : i32
      %add3A_151 = arith.addi %mul3A_149, %add3A_150 : i32
      %get3A_152 = arith.index_cast %add3A_151 : i32 to index
      %get3A_153 = tpu.vector_load %arg6[%get3A_152] {strides = array<i32>} : memref<2560xi32, #tpu.memory_space<vmem>>, vector<16xi32>,
      %get3A_154 = vector.shape_cast %get3A_153 : vector<16xi32> to vector<16xi32>
      %add3A_155 = arith.constant 0 : i32
      %add3A_156 = vector.broadcast %add3A_155 : i32 to vector<16xi32>
      %add3A_157 = arith.addi %get3A_154, %add3A_156 : vector<16xi32>
      %swap3A_158 = arith.index_cast %select_n3A_69 : i32 to index
      %swap3A_159 = arith.constant 48 : index
      %swap3A_160 = tpu.vector_load %arg8[%swap3A_158, %swap3A_159] {strides = array<i32>} : memref<2x80xi32, #tpu.memory_space<vmem>>, vector<1x16xi32>,
      %swap3A_161 = vector.shape_cast %swap3A_160 : vector<1x16xi32> to vector<16xi32>
      %swap3A_162 = vector.shape_cast %add3A_157 : vector<16xi32> to vector<1x16xi32>
      tpu.vector_store %arg8[%swap3A_158, %swap3A_159], %swap3A_162 {strides = array<i32>} : memref<2x80xi32, #tpu.memory_space<vmem>>, vector<1x16xi32>,
      %get3A_163 = arith.index_cast %add3A_151 : i32 to index
      %get3A_164 = tpu.vector_load %arg7[%get3A_163] {strides = array<i32>} : memref<2560xi32, #tpu.memory_space<vmem>>, vector<16xi32>,
      %get3A_165 = vector.shape_cast %get3A_164 : vector<16xi32> to vector<16xi32>
      %swap3A_166 = arith.index_cast %select_n3A_69 : i32 to index
      %swap3A_167 = arith.constant 48 : index
      %swap3A_168 = tpu.vector_load %arg9[%swap3A_166, %swap3A_167] {strides = array<i32>} : memref<2x80xi32, #tpu.memory_space<vmem>>, vector<1x16xi32>,
      %swap3A_169 = vector.shape_cast %swap3A_168 : vector<1x16xi32> to vector<16xi32>
      %swap3A_170 = vector.shape_cast %get3A_165 : vector<16xi32> to vector<1x16xi32>
      tpu.vector_store %arg9[%swap3A_166, %swap3A_167], %swap3A_170 {strides = array<i32>} : memref<2x80xi32, #tpu.memory_space<vmem>>, vector<1x16xi32>,
      %mul3A_171 = arith.constant 80 : i32
      %mul3A_172 = arith.muli %select_n3A_53, %mul3A_171 : i32
      %add3A_173 = arith.constant 64 : i32
      %add3A_174 = arith.addi %mul3A_172, %add3A_173 : i32
      %get3A_175 = arith.index_cast %add3A_174 : i32 to index
      %get3A_176 = tpu.vector_load %arg6[%get3A_175] {strides = array<i32>} : memref<2560xi32, #tpu.memory_space<vmem>>, vector<16xi32>,
      %get3A_177 = vector.shape_cast %get3A_176 : vector<16xi32> to vector<16xi32>
      %add3A_178 = arith.constant 0 : i32
      %add3A_179 = vector.broadcast %add3A_178 : i32 to vector<16xi32>
      %add3A_180 = arith.addi %get3A_177, %add3A_179 : vector<16xi32>
      %swap3A_181 = arith.index_cast %select_n3A_69 : i32 to index
      %swap3A_182 = arith.constant 64 : index
      %swap3A_183 = tpu.vector_load %arg8[%swap3A_181, %swap3A_182] {strides = array<i32>} : memref<2x80xi32, #tpu.memory_space<vmem>>, vector<1x16xi32>,
      %swap3A_184 = vector.shape_cast %swap3A_183 : vector<1x16xi32> to vector<16xi32>
      %swap3A_185 = vector.shape_cast %add3A_180 : vector<16xi32> to vector<1x16xi32>
      tpu.vector_store %arg8[%swap3A_181, %swap3A_182], %swap3A_185 {strides = array<i32>} : memref<2x80xi32, #tpu.memory_space<vmem>>, vector<1x16xi32>,
      %get3A_186 = arith.index_cast %add3A_174 : i32 to index
      %get3A_187 = tpu.vector_load %arg7[%get3A_186] {strides = array<i32>} : memref<2560xi32, #tpu.memory_space<vmem>>, vector<16xi32>,
      %get3A_188 = vector.shape_cast %get3A_187 : vector<16xi32> to vector<16xi32>
      %swap3A_189 = arith.index_cast %select_n3A_69 : i32 to index
      %swap3A_190 = arith.constant 64 : index
      %swap3A_191 = tpu.vector_load %arg9[%swap3A_189, %swap3A_190] {strides = array<i32>} : memref<2x80xi32, #tpu.memory_space<vmem>>, vector<1x16xi32>,
      %swap3A_192 = vector.shape_cast %swap3A_191 : vector<1x16xi32> to vector<16xi32>
      %swap3A_193 = vector.shape_cast %get3A_188 : vector<16xi32> to vector<1x16xi32>
      tpu.vector_store %arg9[%swap3A_189, %swap3A_190], %swap3A_193 {strides = array<i32>} : memref<2x80xi32, #tpu.memory_space<vmem>>, vector<1x16xi32>,
      %dma_start3A = arith.constant 0 : i32
      %dma_start3A_194 = arith.constant 0 : i32
      %dma_start3A_195 = tpu.memref_slice %arg10[%select_n3A_69, %dma_start3A, %dma_start3A_194] : memref<2x80x128xf32, #tpu.memory_space<vmem>> -> memref<1x80x128xf32, #tpu.memory_space<vmem>>
      %dma_start3A_196 = tpu.memref_squeeze %dma_start3A_195 : memref<1x80x128xf32, #tpu.memory_space<vmem>> -> memref<80x128xf32, #tpu.memory_space<vmem>>
      %dma_start3A_197 = arith.constant 0 : i32
      %dma_start3A_198 = tpu.memref_slice %arg8[%select_n3A_69, %dma_start3A_197] : memref<2x80xi32, #tpu.memory_space<vmem>> -> memref<1x80xi32, #tpu.memory_space<vmem>>
      %dma_start3A_199 = tpu.memref_squeeze %dma_start3A_198 : memref<1x80xi32, #tpu.memory_space<vmem>> -> memref<80xi32, #tpu.memory_space<vmem>>
      %dma_start3A_200 = arith.constant 0 : i32
      %dma_start3A_201 = arith.constant 0 : i32
      %dma_start3A_202 = tpu.memref_slice %arg2[%dma_start3A_200, %dma_start3A_201] : memref<10000x128xf32, #tpu.memory_space<hbm>> -> memref<10000x128xf32, #tpu.memory_space<hbm>>
      tpu.enqueue_indirect_dma source(%dma_start3A_202 : memref<10000x128xf32, #tpu.memory_space<hbm>>) target(%dma_start3A_196 : memref<80x128xf32, #tpu.memory_space<vmem>>) offsets(%dma_start3A_199 : memref<80xi32, #tpu.memory_space<vmem>>) semaphore(%arg12 : memref<!tpu.dma_semaphore, #tpu.memory_space<semaphore_mem>>)
      %dma_wait3A_203 = arith.constant 0 : i32
      %dma_wait3A_204 = arith.constant 0 : i32
      %dma_wait3A_205 = tpu.memref_slice %arg10[%select_n3A_69, %dma_wait3A_203, %dma_wait3A_204] : memref<2x80x128xf32, #tpu.memory_space<vmem>> -> memref<1x80x128xf32, #tpu.memory_space<vmem>>
      %dma_wait3A_206 = tpu.memref_squeeze %dma_wait3A_205 : memref<1x80x128xf32, #tpu.memory_space<vmem>> -> memref<80x128xf32, #tpu.memory_space<vmem>>
      %dma_wait3A_207 = arith.constant 0 : i32
      %dma_wait3A_208 = tpu.memref_slice %arg8[%select_n3A_69, %dma_wait3A_207] : memref<2x80xi32, #tpu.memory_space<vmem>> -> memref<1x80xi32, #tpu.memory_space<vmem>>
      %dma_wait3A_209 = tpu.memref_squeeze %dma_wait3A_208 : memref<1x80xi32, #tpu.memory_space<vmem>> -> memref<80xi32, #tpu.memory_space<vmem>>
      %dma_wait3A_210 = arith.constant 0 : i32
      %dma_wait3A_211 = arith.constant 0 : i32
      %dma_wait3A_212 = tpu.memref_slice %arg2[%dma_wait3A_210, %dma_wait3A_211] : memref<10000x128xf32, #tpu.memory_space<hbm>> -> memref<10000x128xf32, #tpu.memory_space<hbm>>
      tpu.wait_indirect_dma semaphore(%arg12 : memref<!tpu.dma_semaphore, #tpu.memory_space<semaphore_mem>>) src(%dma_wait3A_212 : memref<10000x128xf32, #tpu.memory_space<hbm>>) dst(%dma_wait3A_206 : memref<80x128xf32, #tpu.memory_space<vmem>>)
      %dma_start3A_213 = arith.constant 0 : i32
      %dma_start3A_214 = arith.constant 0 : i32
      %dma_start3A_215 = tpu.memref_slice %arg10[%select_n3A_69, %dma_start3A_213, %dma_start3A_214] : memref<2x80x128xf32, #tpu.memory_space<vmem>> -> memref<1x80x128xf32, #tpu.memory_space<vmem>>
      %dma_start3A_216 = tpu.memref_squeeze %dma_start3A_215 : memref<1x80x128xf32, #tpu.memory_space<vmem>> -> memref<80x128xf32, #tpu.memory_space<vmem>>
      %dma_start3A_217 = arith.constant 0 : i32
      %dma_start3A_218 = tpu.memref_slice %arg9[%select_n3A_69, %dma_start3A_217] : memref<2x80xi32, #tpu.memory_space<vmem>> -> memref<1x80xi32, #tpu.memory_space<vmem>>
      %dma_start3A_219 = tpu.memref_squeeze %dma_start3A_218 : memref<1x80xi32, #tpu.memory_space<vmem>> -> memref<80xi32, #tpu.memory_space<vmem>>
      %dma_start3A_220 = arith.constant 0 : i32
      %dma_start3A_221 = arith.constant 0 : i32
      %dma_start3A_222 = tpu.memref_slice %arg11[%dma_start3A_220, %dma_start3A_221] : memref<10240x128xf32, #tpu.memory_space<vmem_shared>> -> memref<10240x128xf32, #tpu.memory_space<vmem_shared>>
      tpu.enqueue_indirect_dma source(%dma_start3A_216 : memref<80x128xf32, #tpu.memory_space<vmem>>) target(%dma_start3A_222 : memref<10240x128xf32, #tpu.memory_space<vmem_shared>>) offsets(%dma_start3A_219 : memref<80xi32, #tpu.memory_space<vmem>>) semaphore(%arg13 : memref<!tpu.dma_semaphore, #tpu.memory_space<semaphore_mem>>) {add = true}
    }
    %scan3A_13 = arith.constant 128 : i32
    %dma_wait3A = arith.constant 0 : i32
    %dma_wait3A_14 = arith.constant 0 : i32
    %dma_wait3A_15 = arith.constant 0 : i32
    %dma_wait3A_16 = arith.constant 0 : i32
    %dma_wait3A_17 = tpu.memref_slice %arg10[%dma_wait3A, %dma_wait3A_15, %dma_wait3A_16] : memref<2x80x128xf32, #tpu.memory_space<vmem>> -> memref<1x80x128xf32, #tpu.memory_space<vmem>>
    %dma_wait3A_18 = tpu.memref_squeeze %dma_wait3A_17 : memref<1x80x128xf32, #tpu.memory_space<vmem>> -> memref<80x128xf32, #tpu.memory_space<vmem>>
    %dma_wait3A_19 = arith.constant 0 : i32
    %dma_wait3A_20 = tpu.memref_slice %arg9[%dma_wait3A_14, %dma_wait3A_19] : memref<2x80xi32, #tpu.memory_space<vmem>> -> memref<1x80xi32, #tpu.memory_space<vmem>>
    %dma_wait3A_21 = tpu.memref_squeeze %dma_wait3A_20 : memref<1x80xi32, #tpu.memory_space<vmem>> -> memref<80xi32, #tpu.memory_space<vmem>>
    %dma_wait3A_22 = arith.constant 0 : i32
    %dma_wait3A_23 = arith.constant 0 : i32
    %dma_wait3A_24 = tpu.memref_slice %arg11[%dma_wait3A_22, %dma_wait3A_23] : memref<10240x128xf32, #tpu.memory_space<vmem_shared>> -> memref<10240x128xf32, #tpu.memory_space<vmem_shared>>
    tpu.wait_indirect_dma semaphore(%arg13 : memref<!tpu.dma_semaphore, #tpu.memory_space<semaphore_mem>>) src(%dma_wait3A_18 : memref<80x128xf32, #tpu.memory_space<vmem>>) dst(%dma_wait3A_24 : memref<10240x128xf32, #tpu.memory_space<vmem_shared>>)
    %dma_wait3A_25 = arith.constant 1 : i32
    %dma_wait3A_26 = arith.constant 1 : i32
    %dma_wait3A_27 = arith.constant 0 : i32
    %dma_wait3A_28 = arith.constant 0 : i32
    %dma_wait3A_29 = tpu.memref_slice %arg10[%dma_wait3A_25, %dma_wait3A_27, %dma_wait3A_28] : memref<2x80x128xf32, #tpu.memory_space<vmem>> -> memref<1x80x128xf32, #tpu.memory_space<vmem>>
    %dma_wait3A_30 = tpu.memref_squeeze %dma_wait3A_29 : memref<1x80x128xf32, #tpu.memory_space<vmem>> -> memref<80x128xf32, #tpu.memory_space<vmem>>
    %dma_wait3A_31 = arith.constant 0 : i32
    %dma_wait3A_32 = tpu.memref_slice %arg9[%dma_wait3A_26, %dma_wait3A_31] : memref<2x80xi32, #tpu.memory_space<vmem>> -> memref<1x80xi32, #tpu.memory_space<vmem>>
    %dma_wait3A_33 = tpu.memref_squeeze %dma_wait3A_32 : memref<1x80xi32, #tpu.memory_space<vmem>> -> memref<80xi32, #tpu.memory_space<vmem>>
    %dma_wait3A_34 = arith.constant 0 : i32
    %dma_wait3A_35 = arith.constant 0 : i32
    %dma_wait3A_36 = tpu.memref_slice %arg11[%dma_wait3A_34, %dma_wait3A_35] : memref<10240x128xf32, #tpu.memory_space<vmem_shared>> -> memref<10240x128xf32, #tpu.memory_space<vmem_shared>>
    tpu.wait_indirect_dma semaphore(%arg13 : memref<!tpu.dma_semaphore, #tpu.memory_space<semaphore_mem>>) src(%dma_wait3A_30 : memref<80x128xf32, #tpu.memory_space<vmem>>) dst(%dma_wait3A_36 : memref<10240x128xf32, #tpu.memory_space<vmem_shared>>)
    %barrier3A_37 = arith.constant 0 : index
    tpu.barrier barrier_id(%barrier3A_37)
    %mul3A_38 = arith.constant 640 : i32
    %mul3A_39 = arith.muli %arg1, %mul3A_38 : i32
    %mul3A_40 = arith.constant 640 : i32
    %mul3A_41 = arith.muli %arg1, %mul3A_40 : i32
    "tpu.region"() ({
      %run_scoped3A = tpu.sem_alloc : memref<!tpu.dma_semaphore, #tpu.memory_space<semaphore_mem>>
      %dma_start3A = arith.constant 0 : i32
      %dma_start3A_42 = tpu.memref_slice %arg5[%arg0, %mul3A_41, %dma_start3A] : memref<2x10240x128xf32, #tpu.memory_space<hbm>> -> memref<1x640x128xf32, #tpu.memory_space<hbm>>
      %dma_start3A_43 = tpu.memref_squeeze %dma_start3A_42 : memref<1x640x128xf32, #tpu.memory_space<hbm>> -> memref<640x128xf32, #tpu.memory_space<hbm>>
      %dma_start3A_44 = arith.constant 0 : i32
      %dma_start3A_45 = tpu.memref_slice %arg11[%mul3A_39, %dma_start3A_44] : memref<10240x128xf32, #tpu.memory_space<vmem_shared>> -> memref<640x128xf32, #tpu.memory_space<vmem_shared>>
      tpu.enqueue_dma source(%dma_start3A_45 : memref<640x128xf32, #tpu.memory_space<vmem_shared>>) target(%dma_start3A_43 : memref<640x128xf32, #tpu.memory_space<hbm>>) target_semaphore(%run_scoped3A : memref<!tpu.dma_semaphore, #tpu.memory_space<semaphore_mem>>)
      %dma_wait3A_46 = arith.constant 0 : i32
      %dma_wait3A_47 = tpu.memref_slice %arg5[%arg0, %mul3A_41, %dma_wait3A_46] : memref<2x10240x128xf32, #tpu.memory_space<hbm>> -> memref<1x640x128xf32, #tpu.memory_space<hbm>>
      %dma_wait3A_48 = tpu.memref_squeeze %dma_wait3A_47 : memref<1x640x128xf32, #tpu.memory_space<hbm>> -> memref<640x128xf32, #tpu.memory_space<hbm>>
      %dma_wait3A_49 = arith.constant 0 : i32
      %dma_wait3A_50 = tpu.memref_slice %arg11[%mul3A_39, %dma_wait3A_49] : memref<10240x128xf32, #tpu.memory_space<vmem_shared>> -> memref<640x128xf32, #tpu.memory_space<vmem_shared>>
      tpu.wait_dma2 semaphore(%run_scoped3A : memref<!tpu.dma_semaphore, #tpu.memory_space<semaphore_mem>>) src(%dma_wait3A_50 : memref<640x128xf32, #tpu.memory_space<vmem_shared>>) dst(%dma_wait3A_48 : memref<640x128xf32, #tpu.memory_space<hbm>>)
      tpu.yield
    }) : () -> ()
    return
  }
}

#map = affine_map<(d0, d1) -> (0, 0)>
#map1 = affine_map<(d0, d1) -> (0)>
#map2 = affine_map<(d0, d1) -> (0, 0, 0)>
module attributes {stable_mosaic.version = 14 : i64} {
  func.func @agg(%arg0: i32, %arg1: i32, %arg2: memref<20000x128xf32, #tpu.memory_space<hbm>>, %arg3: memref<327680xi32, #tpu.memory_space<hbm>>, %arg4: memref<327680xi32, #tpu.memory_space<hbm>>, %arg5: memref<2x10240x128xf32, #tpu.memory_space<hbm>>, %arg6: memref<2560xi32, #tpu.memory_space<vmem>>, %arg7: memref<2560xi32, #tpu.memory_space<vmem>>, %arg8: memref<2x80xi32, #tpu.memory_space<vmem>>, %arg9: memref<2x80xi32, #tpu.memory_space<vmem>>, %arg10: memref<2x80x128xf32, #tpu.memory_space<vmem>>, %arg11: memref<10240x128xf32, #tpu.memory_space<vmem_shared>>, %arg12: memref<!tpu.dma_semaphore, #tpu.memory_space<semaphore_mem>>, %arg13: memref<!tpu.dma_semaphore, #tpu.memory_space<semaphore_mem>>) attributes {dimension_semantics = [#tpu.dimension_semantics<core_parallel>, #tpu.dimension_semantics<subcore_parallel>], iteration_bounds = array<i64: 2, 16>, scalar_prefetch = 0 : i64, scratch_operands = 8 : i64, tpu.core_type = #tpu.core_type<sc_vector_subcore>, window_params = [{transform_indices = #map}, {transform_indices = #map1}, {transform_indices = #map1}, {transform_indices = #map2}]} {
    %mul3A = arith.constant 10000 : i32
    %mul3A_0 = arith.muli %arg0, %mul3A : i32
    %mul3A_1 = arith.constant 20480 : i32
    %mul3A_2 = arith.muli %arg1, %mul3A_1 : i32
    %lt3A = arith.constant 15 : i32
    %lt3A_3 = arith.cmpi slt, %arg1, %lt3A : i32
    %convert_element_type3A = arith.extui %lt3A_3 : i1 to i32
    %cond3A = arith.constant 0 : i32
    %cond3A_4 = arith.cmpi ne, %convert_element_type3A, %cond3A : i32
    scf.if %cond3A_4 {
      %mul3A_42 = arith.constant 640 : i32
      %mul3A_43 = arith.muli %arg1, %mul3A_42 : i32
      %add3A = arith.addi %mul3A_0, %mul3A_43 : i32
      %mul3A_44 = arith.constant 640 : i32
      %mul3A_45 = arith.muli %arg1, %mul3A_44 : i32
      "tpu.region"() ({
        %run_scoped3A = tpu.sem_alloc : memref<!tpu.dma_semaphore, #tpu.memory_space<semaphore_mem>>
        %dma_start3A = arith.constant 0 : i32
        %dma_start3A_46 = tpu.memref_slice %arg11[%mul3A_45, %dma_start3A] : memref<10240x128xf32, #tpu.memory_space<vmem_shared>> -> memref<640x128xf32, #tpu.memory_space<vmem_shared>>
        %dma_start3A_47 = arith.constant 0 : i32
        %dma_start3A_48 = tpu.memref_slice %arg2[%add3A, %dma_start3A_47] : memref<20000x128xf32, #tpu.memory_space<hbm>> -> memref<640x128xf32, #tpu.memory_space<hbm>>
        tpu.enqueue_dma source(%dma_start3A_48 : memref<640x128xf32, #tpu.memory_space<hbm>>) target(%dma_start3A_46 : memref<640x128xf32, #tpu.memory_space<vmem_shared>>) target_semaphore(%run_scoped3A : memref<!tpu.dma_semaphore, #tpu.memory_space<semaphore_mem>>)
        %dma_wait3A_49 = arith.constant 0 : i32
        %dma_wait3A_50 = tpu.memref_slice %arg11[%mul3A_45, %dma_wait3A_49] : memref<10240x128xf32, #tpu.memory_space<vmem_shared>> -> memref<640x128xf32, #tpu.memory_space<vmem_shared>>
        %dma_wait3A_51 = arith.constant 0 : i32
        %dma_wait3A_52 = tpu.memref_slice %arg2[%add3A, %dma_wait3A_51] : memref<20000x128xf32, #tpu.memory_space<hbm>> -> memref<640x128xf32, #tpu.memory_space<hbm>>
        tpu.wait_dma2 semaphore(%run_scoped3A : memref<!tpu.dma_semaphore, #tpu.memory_space<semaphore_mem>>) src(%dma_wait3A_52 : memref<640x128xf32, #tpu.memory_space<hbm>>) dst(%dma_wait3A_50 : memref<640x128xf32, #tpu.memory_space<vmem_shared>>)
        tpu.yield
      }) : () -> ()
    } else {
    }
    %eq3A = arith.constant 15 : i32
    %eq3A_5 = arith.cmpi eq, %arg1, %eq3A : i32
    %convert_element_type3A_6 = arith.extui %eq3A_5 : i1 to i32
    %cond3A_7 = arith.constant 0 : i32
    %cond3A_8 = arith.cmpi ne, %convert_element_type3A_6, %cond3A_7 : i32
    scf.if %cond3A_8 {
      %add3A = arith.constant 9600 : i32
      %add3A_42 = arith.addi %mul3A_0, %add3A : i32
      "tpu.region"() ({
        %run_scoped3A = tpu.sem_alloc : memref<!tpu.dma_semaphore, #tpu.memory_space<semaphore_mem>>
        %dma_start3A = arith.constant 9600 : i32
        %dma_start3A_43 = arith.constant 0 : i32
        %dma_start3A_44 = tpu.memref_slice %arg11[%dma_start3A, %dma_start3A_43] : memref<10240x128xf32, #tpu.memory_space<vmem_shared>> -> memref<400x128xf32, #tpu.memory_space<vmem_shared>>
        %dma_start3A_45 = arith.constant 0 : i32
        %dma_start3A_46 = tpu.memref_slice %arg2[%add3A_42, %dma_start3A_45] : memref<20000x128xf32, #tpu.memory_space<hbm>> -> memref<400x128xf32, #tpu.memory_space<hbm>>
        tpu.enqueue_dma source(%dma_start3A_46 : memref<400x128xf32, #tpu.memory_space<hbm>>) target(%dma_start3A_44 : memref<400x128xf32, #tpu.memory_space<vmem_shared>>) target_semaphore(%run_scoped3A : memref<!tpu.dma_semaphore, #tpu.memory_space<semaphore_mem>>)
        %dma_wait3A_47 = arith.constant 9600 : i32
        %dma_wait3A_48 = arith.constant 0 : i32
        %dma_wait3A_49 = tpu.memref_slice %arg11[%dma_wait3A_47, %dma_wait3A_48] : memref<10240x128xf32, #tpu.memory_space<vmem_shared>> -> memref<400x128xf32, #tpu.memory_space<vmem_shared>>
        %dma_wait3A_50 = arith.constant 0 : i32
        %dma_wait3A_51 = tpu.memref_slice %arg2[%add3A_42, %dma_wait3A_50] : memref<20000x128xf32, #tpu.memory_space<hbm>> -> memref<400x128xf32, #tpu.memory_space<hbm>>
        tpu.wait_dma2 semaphore(%run_scoped3A : memref<!tpu.dma_semaphore, #tpu.memory_space<semaphore_mem>>) src(%dma_wait3A_51 : memref<400x128xf32, #tpu.memory_space<hbm>>) dst(%dma_wait3A_49 : memref<400x128xf32, #tpu.memory_space<vmem_shared>>)
        tpu.yield
      }) : () -> ()
    } else {
    }
    "tpu.region"() ({
      %run_scoped3A = tpu.sem_alloc : memref<!tpu.dma_semaphore, #tpu.memory_space<semaphore_mem>>
      %dma_start3A = tpu.memref_slice %arg3[%mul3A_2] : memref<327680xi32, #tpu.memory_space<hbm>> -> memref<2560xi32, #tpu.memory_space<hbm>>
      %dma_start3A_42 = tpu.memref_slice %arg3[%mul3A_2] : memref<327680xi32, #tpu.memory_space<hbm>> -> memref<2560xi32, #tpu.memory_space<hbm>>
      tpu.enqueue_dma source(%dma_start3A_42 : memref<2560xi32, #tpu.memory_space<hbm>>) target(%arg6 : memref<2560xi32, #tpu.memory_space<vmem>>) target_semaphore(%run_scoped3A : memref<!tpu.dma_semaphore, #tpu.memory_space<semaphore_mem>>)
      %dma_wait3A_43 = tpu.memref_slice %arg3[%mul3A_2] : memref<327680xi32, #tpu.memory_space<hbm>> -> memref<2560xi32, #tpu.memory_space<hbm>>
      %dma_wait3A_44 = tpu.memref_slice %arg3[%mul3A_2] : memref<327680xi32, #tpu.memory_space<hbm>> -> memref<2560xi32, #tpu.memory_space<hbm>>
      tpu.wait_dma2 semaphore(%run_scoped3A : memref<!tpu.dma_semaphore, #tpu.memory_space<semaphore_mem>>) src(%dma_wait3A_44 : memref<2560xi32, #tpu.memory_space<hbm>>) dst(%arg6 : memref<2560xi32, #tpu.memory_space<vmem>>)
      tpu.yield
    }) : () -> ()
    "tpu.region"() ({
      %run_scoped3A = tpu.sem_alloc : memref<!tpu.dma_semaphore, #tpu.memory_space<semaphore_mem>>
      %dma_start3A = tpu.memref_slice %arg4[%mul3A_2] : memref<327680xi32, #tpu.memory_space<hbm>> -> memref<2560xi32, #tpu.memory_space<hbm>>
      %dma_start3A_42 = tpu.memref_slice %arg4[%mul3A_2] : memref<327680xi32, #tpu.memory_space<hbm>> -> memref<2560xi32, #tpu.memory_space<hbm>>
      tpu.enqueue_dma source(%dma_start3A_42 : memref<2560xi32, #tpu.memory_space<hbm>>) target(%arg7 : memref<2560xi32, #tpu.memory_space<vmem>>) target_semaphore(%run_scoped3A : memref<!tpu.dma_semaphore, #tpu.memory_space<semaphore_mem>>)
      %dma_wait3A_43 = tpu.memref_slice %arg4[%mul3A_2] : memref<327680xi32, #tpu.memory_space<hbm>> -> memref<2560xi32, #tpu.memory_space<hbm>>
      %dma_wait3A_44 = tpu.memref_slice %arg4[%mul3A_2] : memref<327680xi32, #tpu.memory_space<hbm>> -> memref<2560xi32, #tpu.memory_space<hbm>>
      tpu.wait_dma2 semaphore(%run_scoped3A : memref<!tpu.dma_semaphore, #tpu.memory_space<semaphore_mem>>) src(%dma_wait3A_44 : memref<2560xi32, #tpu.memory_space<hbm>>) dst(%arg7 : memref<2560xi32, #tpu.memory_space<vmem>>)
      tpu.yield
    }) : () -> ()
    %barrier3A = arith.constant 0 : index
    tpu.barrier barrier_id(%barrier3A)
    %scan3A = arith.constant 0 : i32
    %scan3A_9 = arith.constant 0 : i32
    %scan3A_10 = arith.constant 256 : i32
    %scan3A_11 = arith.addi %scan3A_9, %scan3A_10 : i32
    %scan3A_12 = arith.constant 1 : i32
    scf.for %scan3A_42 = %scan3A_9 to %scan3A_11 step %scan3A_12  : i32 {
      %jit3A = arith.constant 32 : i32
      %eq3A_43 = arith.constant 0 : i32
      %eq3A_44 = arith.cmpi eq, %jit3A, %eq3A_43 : i32
      %jit3A_45 = arith.constant 1 : i32
      %select_n3A = arith.select %eq3A_44, %jit3A_45, %jit3A : i32
      %rem3A = arith.remsi %scan3A_42, %select_n3A : i32
      %ne3A = arith.constant 0 : i32
      %ne3A_46 = arith.cmpi ne, %rem3A, %ne3A : i32
      %lt3A_47 = arith.constant 0 : i32
      %lt3A_48 = arith.cmpi slt, %rem3A, %lt3A_47 : i32
      %lt3A_49 = arith.constant 0 : i32
      %lt3A_50 = arith.cmpi slt, %select_n3A, %lt3A_49 : i32
      %ne3A_51 = arith.xori %lt3A_48, %lt3A_50 : i1
      %and3A = arith.andi %ne3A_51, %ne3A_46 : i1
      %add3A = arith.addi %rem3A, %select_n3A : i32
      %select_n3A_52 = arith.select %and3A, %add3A, %rem3A : i32
      %jit3A_53 = arith.constant 2 : i32
      %eq3A_54 = arith.constant 0 : i32
      %eq3A_55 = arith.cmpi eq, %jit3A_53, %eq3A_54 : i32
      %jit3A_56 = arith.constant 1 : i32
      %select_n3A_57 = arith.select %eq3A_55, %jit3A_56, %jit3A_53 : i32
      %rem3A_58 = arith.remsi %scan3A_42, %select_n3A_57 : i32
      %ne3A_59 = arith.constant 0 : i32
      %ne3A_60 = arith.cmpi ne, %rem3A_58, %ne3A_59 : i32
      %lt3A_61 = arith.constant 0 : i32
      %lt3A_62 = arith.cmpi slt, %rem3A_58, %lt3A_61 : i32
      %lt3A_63 = arith.constant 0 : i32
      %lt3A_64 = arith.cmpi slt, %select_n3A_57, %lt3A_63 : i32
      %ne3A_65 = arith.xori %lt3A_62, %lt3A_64 : i1
      %and3A_66 = arith.andi %ne3A_65, %ne3A_60 : i1
      %add3A_67 = arith.addi %rem3A_58, %select_n3A_57 : i32
      %select_n3A_68 = arith.select %and3A_66, %add3A_67, %rem3A_58 : i32
      %eq3A_69 = arith.constant 0 : i32
      %eq3A_70 = arith.cmpi eq, %select_n3A_52, %eq3A_69 : i32
      %gt3A = arith.constant 0 : i32
      %gt3A_71 = arith.cmpi sgt, %scan3A_42, %gt3A : i32
      %and3A_72 = arith.andi %eq3A_70, %gt3A_71 : i1
      %convert_element_type3A_73 = arith.extui %and3A_72 : i1 to i32
      %cond3A_74 = arith.constant 0 : i32
      %cond3A_75 = arith.cmpi ne, %convert_element_type3A_73, %cond3A_74 : i32
      scf.if %cond3A_75 {
        %jit3A_217 = arith.constant 32 : i32
        %div3A = arith.divsi %scan3A_42, %jit3A_217 : i32
        %sign3A = arith.constant 0 : i32
        %sign3A_218 = arith.cmpi sgt, %scan3A_42, %sign3A : i32
        %sign3A_219 = arith.extui %sign3A_218 : i1 to i32
        %sign3A_220 = arith.constant 0 : i32
        %sign3A_221 = arith.cmpi slt, %scan3A_42, %sign3A_220 : i32
        %sign3A_222 = arith.extui %sign3A_221 : i1 to i32
        %sign3A_223 = arith.subi %sign3A_219, %sign3A_222 : i32
        %sign3A_224 = arith.constant 0 : i32
        %sign3A_225 = arith.cmpi sgt, %jit3A_217, %sign3A_224 : i32
        %sign3A_226 = arith.extui %sign3A_225 : i1 to i32
        %sign3A_227 = arith.constant 0 : i32
        %sign3A_228 = arith.cmpi slt, %jit3A_217, %sign3A_227 : i32
        %sign3A_229 = arith.extui %sign3A_228 : i1 to i32
        %sign3A_230 = arith.subi %sign3A_226, %sign3A_229 : i32
        %ne3A_231 = arith.cmpi ne, %sign3A_223, %sign3A_230 : i32
        %rem3A_232 = arith.remsi %scan3A_42, %jit3A_217 : i32
        %ne3A_233 = arith.constant 0 : i32
        %ne3A_234 = arith.cmpi ne, %rem3A_232, %ne3A_233 : i32
        %and3A_235 = arith.andi %ne3A_231, %ne3A_234 : i1
        %sub3A = arith.constant 1 : i32
        %sub3A_236 = arith.subi %div3A, %sub3A : i32
        %select_n3A_237 = arith.select %and3A_235, %sub3A_236, %div3A : i32
        %mul3A_238 = arith.constant 2560 : i32
        %mul3A_239 = arith.muli %select_n3A_237, %mul3A_238 : i32
        %add3A_240 = arith.addi %mul3A_2, %mul3A_239 : i32
        "tpu.region"() ({
          %run_scoped3A = tpu.sem_alloc : memref<!tpu.dma_semaphore, #tpu.memory_space<semaphore_mem>>
          %dma_start3A_241 = tpu.memref_slice %arg3[%add3A_240] : memref<327680xi32, #tpu.memory_space<hbm>> -> memref<2560xi32, #tpu.memory_space<hbm>>
          %dma_start3A_242 = tpu.memref_slice %arg3[%add3A_240] : memref<327680xi32, #tpu.memory_space<hbm>> -> memref<2560xi32, #tpu.memory_space<hbm>>
          tpu.enqueue_dma source(%dma_start3A_242 : memref<2560xi32, #tpu.memory_space<hbm>>) target(%arg6 : memref<2560xi32, #tpu.memory_space<vmem>>) target_semaphore(%run_scoped3A : memref<!tpu.dma_semaphore, #tpu.memory_space<semaphore_mem>>)
          %dma_wait3A_243 = tpu.memref_slice %arg3[%add3A_240] : memref<327680xi32, #tpu.memory_space<hbm>> -> memref<2560xi32, #tpu.memory_space<hbm>>
          %dma_wait3A_244 = tpu.memref_slice %arg3[%add3A_240] : memref<327680xi32, #tpu.memory_space<hbm>> -> memref<2560xi32, #tpu.memory_space<hbm>>
          tpu.wait_dma2 semaphore(%run_scoped3A : memref<!tpu.dma_semaphore, #tpu.memory_space<semaphore_mem>>) src(%dma_wait3A_244 : memref<2560xi32, #tpu.memory_space<hbm>>) dst(%arg6 : memref<2560xi32, #tpu.memory_space<vmem>>)
          tpu.yield
        }) : () -> ()
        "tpu.region"() ({
          %run_scoped3A = tpu.sem_alloc : memref<!tpu.dma_semaphore, #tpu.memory_space<semaphore_mem>>
          %dma_start3A_241 = tpu.memref_slice %arg4[%add3A_240] : memref<327680xi32, #tpu.memory_space<hbm>> -> memref<2560xi32, #tpu.memory_space<hbm>>
          %dma_start3A_242 = tpu.memref_slice %arg4[%add3A_240] : memref<327680xi32, #tpu.memory_space<hbm>> -> memref<2560xi32, #tpu.memory_space<hbm>>
          tpu.enqueue_dma source(%dma_start3A_242 : memref<2560xi32, #tpu.memory_space<hbm>>) target(%arg7 : memref<2560xi32, #tpu.memory_space<vmem>>) target_semaphore(%run_scoped3A : memref<!tpu.dma_semaphore, #tpu.memory_space<semaphore_mem>>)
          %dma_wait3A_243 = tpu.memref_slice %arg4[%add3A_240] : memref<327680xi32, #tpu.memory_space<hbm>> -> memref<2560xi32, #tpu.memory_space<hbm>>
          %dma_wait3A_244 = tpu.memref_slice %arg4[%add3A_240] : memref<327680xi32, #tpu.memory_space<hbm>> -> memref<2560xi32, #tpu.memory_space<hbm>>
          tpu.wait_dma2 semaphore(%run_scoped3A : memref<!tpu.dma_semaphore, #tpu.memory_space<semaphore_mem>>) src(%dma_wait3A_244 : memref<2560xi32, #tpu.memory_space<hbm>>) dst(%arg7 : memref<2560xi32, #tpu.memory_space<vmem>>)
          tpu.yield
        }) : () -> ()
      } else {
      }
      %ge3A = arith.constant 2 : i32
      %ge3A_76 = arith.cmpi sge, %scan3A_42, %ge3A : i32
      %convert_element_type3A_77 = arith.extui %ge3A_76 : i1 to i32
      %cond3A_78 = arith.constant 0 : i32
      %cond3A_79 = arith.cmpi ne, %convert_element_type3A_77, %cond3A_78 : i32
      scf.if %cond3A_79 {
        %dma_wait3A_217 = arith.constant 0 : i32
        %dma_wait3A_218 = arith.constant 0 : i32
        %dma_wait3A_219 = tpu.memref_slice %arg10[%select_n3A_68, %dma_wait3A_217, %dma_wait3A_218] : memref<2x80x128xf32, #tpu.memory_space<vmem>> -> memref<1x80x128xf32, #tpu.memory_space<vmem>>
        %dma_wait3A_220 = tpu.memref_squeeze %dma_wait3A_219 : memref<1x80x128xf32, #tpu.memory_space<vmem>> -> memref<80x128xf32, #tpu.memory_space<vmem>>
        %dma_wait3A_221 = arith.constant 0 : i32
        %dma_wait3A_222 = tpu.memref_slice %arg9[%select_n3A_68, %dma_wait3A_221] : memref<2x80xi32, #tpu.memory_space<vmem>> -> memref<1x80xi32, #tpu.memory_space<vmem>>
        %dma_wait3A_223 = tpu.memref_squeeze %dma_wait3A_222 : memref<1x80xi32, #tpu.memory_space<vmem>> -> memref<80xi32, #tpu.memory_space<vmem>>
        %dma_wait3A_224 = arith.constant 0 : i32
        %dma_wait3A_225 = arith.constant 0 : i32
        %dma_wait3A_226 = tpu.memref_slice %arg11[%dma_wait3A_224, %dma_wait3A_225] : memref<10240x128xf32, #tpu.memory_space<vmem_shared>> -> memref<10240x128xf32, #tpu.memory_space<vmem_shared>>
        tpu.wait_indirect_dma semaphore(%arg13 : memref<!tpu.dma_semaphore, #tpu.memory_space<semaphore_mem>>) src(%dma_wait3A_220 : memref<80x128xf32, #tpu.memory_space<vmem>>) dst(%dma_wait3A_226 : memref<10240x128xf32, #tpu.memory_space<vmem_shared>>)
      } else {
      }
      %mul3A_80 = arith.constant 80 : i32
      %mul3A_81 = arith.muli %select_n3A_52, %mul3A_80 : i32
      %add3A_82 = arith.constant 0 : i32
      %add3A_83 = arith.addi %mul3A_81, %add3A_82 : i32
      %get3A = arith.index_cast %add3A_83 : i32 to index
      %get3A_84 = tpu.vector_load %arg6[%get3A] {strides = array<i32>} : memref<2560xi32, #tpu.memory_space<vmem>>, vector<16xi32>,
      %get3A_85 = vector.shape_cast %get3A_84 : vector<16xi32> to vector<16xi32>
      %add3A_86 = vector.broadcast %mul3A_0 : i32 to vector<16xi32>
      %add3A_87 = arith.addi %get3A_85, %add3A_86 : vector<16xi32>
      %swap3A = arith.index_cast %select_n3A_68 : i32 to index
      %swap3A_88 = arith.constant 0 : index
      %swap3A_89 = tpu.vector_load %arg8[%swap3A, %swap3A_88] {strides = array<i32>} : memref<2x80xi32, #tpu.memory_space<vmem>>, vector<1x16xi32>,
      %swap3A_90 = vector.shape_cast %swap3A_89 : vector<1x16xi32> to vector<16xi32>
      %swap3A_91 = vector.shape_cast %add3A_87 : vector<16xi32> to vector<1x16xi32>
      tpu.vector_store %arg8[%swap3A, %swap3A_88], %swap3A_91 {strides = array<i32>} : memref<2x80xi32, #tpu.memory_space<vmem>>, vector<1x16xi32>,
      %get3A_92 = arith.index_cast %add3A_83 : i32 to index
      %get3A_93 = tpu.vector_load %arg7[%get3A_92] {strides = array<i32>} : memref<2560xi32, #tpu.memory_space<vmem>>, vector<16xi32>,
      %get3A_94 = vector.shape_cast %get3A_93 : vector<16xi32> to vector<16xi32>
      %swap3A_95 = arith.index_cast %select_n3A_68 : i32 to index
      %swap3A_96 = arith.constant 0 : index
      %swap3A_97 = tpu.vector_load %arg9[%swap3A_95, %swap3A_96] {strides = array<i32>} : memref<2x80xi32, #tpu.memory_space<vmem>>, vector<1x16xi32>,
      %swap3A_98 = vector.shape_cast %swap3A_97 : vector<1x16xi32> to vector<16xi32>
      %swap3A_99 = vector.shape_cast %get3A_94 : vector<16xi32> to vector<1x16xi32>
      tpu.vector_store %arg9[%swap3A_95, %swap3A_96], %swap3A_99 {strides = array<i32>} : memref<2x80xi32, #tpu.memory_space<vmem>>, vector<1x16xi32>,
      %mul3A_100 = arith.constant 80 : i32
      %mul3A_101 = arith.muli %select_n3A_52, %mul3A_100 : i32
      %add3A_102 = arith.constant 16 : i32
      %add3A_103 = arith.addi %mul3A_101, %add3A_102 : i32
      %get3A_104 = arith.index_cast %add3A_103 : i32 to index
      %get3A_105 = tpu.vector_load %arg6[%get3A_104] {strides = array<i32>} : memref<2560xi32, #tpu.memory_space<vmem>>, vector<16xi32>,
      %get3A_106 = vector.shape_cast %get3A_105 : vector<16xi32> to vector<16xi32>
      %add3A_107 = vector.broadcast %mul3A_0 : i32 to vector<16xi32>
      %add3A_108 = arith.addi %get3A_106, %add3A_107 : vector<16xi32>
      %swap3A_109 = arith.index_cast %select_n3A_68 : i32 to index
      %swap3A_110 = arith.constant 16 : index
      %swap3A_111 = tpu.vector_load %arg8[%swap3A_109, %swap3A_110] {strides = array<i32>} : memref<2x80xi32, #tpu.memory_space<vmem>>, vector<1x16xi32>,
      %swap3A_112 = vector.shape_cast %swap3A_111 : vector<1x16xi32> to vector<16xi32>
      %swap3A_113 = vector.shape_cast %add3A_108 : vector<16xi32> to vector<1x16xi32>
      tpu.vector_store %arg8[%swap3A_109, %swap3A_110], %swap3A_113 {strides = array<i32>} : memref<2x80xi32, #tpu.memory_space<vmem>>, vector<1x16xi32>,
      %get3A_114 = arith.index_cast %add3A_103 : i32 to index
      %get3A_115 = tpu.vector_load %arg7[%get3A_114] {strides = array<i32>} : memref<2560xi32, #tpu.memory_space<vmem>>, vector<16xi32>,
      %get3A_116 = vector.shape_cast %get3A_115 : vector<16xi32> to vector<16xi32>
      %swap3A_117 = arith.index_cast %select_n3A_68 : i32 to index
      %swap3A_118 = arith.constant 16 : index
      %swap3A_119 = tpu.vector_load %arg9[%swap3A_117, %swap3A_118] {strides = array<i32>} : memref<2x80xi32, #tpu.memory_space<vmem>>, vector<1x16xi32>,
      %swap3A_120 = vector.shape_cast %swap3A_119 : vector<1x16xi32> to vector<16xi32>
      %swap3A_121 = vector.shape_cast %get3A_116 : vector<16xi32> to vector<1x16xi32>
      tpu.vector_store %arg9[%swap3A_117, %swap3A_118], %swap3A_121 {strides = array<i32>} : memref<2x80xi32, #tpu.memory_space<vmem>>, vector<1x16xi32>,
      %mul3A_122 = arith.constant 80 : i32
      %mul3A_123 = arith.muli %select_n3A_52, %mul3A_122 : i32
      %add3A_124 = arith.constant 32 : i32
      %add3A_125 = arith.addi %mul3A_123, %add3A_124 : i32
      %get3A_126 = arith.index_cast %add3A_125 : i32 to index
      %get3A_127 = tpu.vector_load %arg6[%get3A_126] {strides = array<i32>} : memref<2560xi32, #tpu.memory_space<vmem>>, vector<16xi32>,
      %get3A_128 = vector.shape_cast %get3A_127 : vector<16xi32> to vector<16xi32>
      %add3A_129 = vector.broadcast %mul3A_0 : i32 to vector<16xi32>
      %add3A_130 = arith.addi %get3A_128, %add3A_129 : vector<16xi32>
      %swap3A_131 = arith.index_cast %select_n3A_68 : i32 to index
      %swap3A_132 = arith.constant 32 : index
      %swap3A_133 = tpu.vector_load %arg8[%swap3A_131, %swap3A_132] {strides = array<i32>} : memref<2x80xi32, #tpu.memory_space<vmem>>, vector<1x16xi32>,
      %swap3A_134 = vector.shape_cast %swap3A_133 : vector<1x16xi32> to vector<16xi32>
      %swap3A_135 = vector.shape_cast %add3A_130 : vector<16xi32> to vector<1x16xi32>
      tpu.vector_store %arg8[%swap3A_131, %swap3A_132], %swap3A_135 {strides = array<i32>} : memref<2x80xi32, #tpu.memory_space<vmem>>, vector<1x16xi32>,
      %get3A_136 = arith.index_cast %add3A_125 : i32 to index
      %get3A_137 = tpu.vector_load %arg7[%get3A_136] {strides = array<i32>} : memref<2560xi32, #tpu.memory_space<vmem>>, vector<16xi32>,
      %get3A_138 = vector.shape_cast %get3A_137 : vector<16xi32> to vector<16xi32>
      %swap3A_139 = arith.index_cast %select_n3A_68 : i32 to index
      %swap3A_140 = arith.constant 32 : index
      %swap3A_141 = tpu.vector_load %arg9[%swap3A_139, %swap3A_140] {strides = array<i32>} : memref<2x80xi32, #tpu.memory_space<vmem>>, vector<1x16xi32>,
      %swap3A_142 = vector.shape_cast %swap3A_141 : vector<1x16xi32> to vector<16xi32>
      %swap3A_143 = vector.shape_cast %get3A_138 : vector<16xi32> to vector<1x16xi32>
      tpu.vector_store %arg9[%swap3A_139, %swap3A_140], %swap3A_143 {strides = array<i32>} : memref<2x80xi32, #tpu.memory_space<vmem>>, vector<1x16xi32>,
      %mul3A_144 = arith.constant 80 : i32
      %mul3A_145 = arith.muli %select_n3A_52, %mul3A_144 : i32
      %add3A_146 = arith.constant 48 : i32
      %add3A_147 = arith.addi %mul3A_145, %add3A_146 : i32
      %get3A_148 = arith.index_cast %add3A_147 : i32 to index
      %get3A_149 = tpu.vector_load %arg6[%get3A_148] {strides = array<i32>} : memref<2560xi32, #tpu.memory_space<vmem>>, vector<16xi32>,
      %get3A_150 = vector.shape_cast %get3A_149 : vector<16xi32> to vector<16xi32>
      %add3A_151 = vector.broadcast %mul3A_0 : i32 to vector<16xi32>
      %add3A_152 = arith.addi %get3A_150, %add3A_151 : vector<16xi32>
      %swap3A_153 = arith.index_cast %select_n3A_68 : i32 to index
      %swap3A_154 = arith.constant 48 : index
      %swap3A_155 = tpu.vector_load %arg8[%swap3A_153, %swap3A_154] {strides = array<i32>} : memref<2x80xi32, #tpu.memory_space<vmem>>, vector<1x16xi32>,
      %swap3A_156 = vector.shape_cast %swap3A_155 : vector<1x16xi32> to vector<16xi32>
      %swap3A_157 = vector.shape_cast %add3A_152 : vector<16xi32> to vector<1x16xi32>
      tpu.vector_store %arg8[%swap3A_153, %swap3A_154], %swap3A_157 {strides = array<i32>} : memref<2x80xi32, #tpu.memory_space<vmem>>, vector<1x16xi32>,
      %get3A_158 = arith.index_cast %add3A_147 : i32 to index
      %get3A_159 = tpu.vector_load %arg7[%get3A_158] {strides = array<i32>} : memref<2560xi32, #tpu.memory_space<vmem>>, vector<16xi32>,
      %get3A_160 = vector.shape_cast %get3A_159 : vector<16xi32> to vector<16xi32>
      %swap3A_161 = arith.index_cast %select_n3A_68 : i32 to index
      %swap3A_162 = arith.constant 48 : index
      %swap3A_163 = tpu.vector_load %arg9[%swap3A_161, %swap3A_162] {strides = array<i32>} : memref<2x80xi32, #tpu.memory_space<vmem>>, vector<1x16xi32>,
      %swap3A_164 = vector.shape_cast %swap3A_163 : vector<1x16xi32> to vector<16xi32>
      %swap3A_165 = vector.shape_cast %get3A_160 : vector<16xi32> to vector<1x16xi32>
      tpu.vector_store %arg9[%swap3A_161, %swap3A_162], %swap3A_165 {strides = array<i32>} : memref<2x80xi32, #tpu.memory_space<vmem>>, vector<1x16xi32>,
      %mul3A_166 = arith.constant 80 : i32
      %mul3A_167 = arith.muli %select_n3A_52, %mul3A_166 : i32
      %add3A_168 = arith.constant 64 : i32
      %add3A_169 = arith.addi %mul3A_167, %add3A_168 : i32
      %get3A_170 = arith.index_cast %add3A_169 : i32 to index
      %get3A_171 = tpu.vector_load %arg6[%get3A_170] {strides = array<i32>} : memref<2560xi32, #tpu.memory_space<vmem>>, vector<16xi32>,
      %get3A_172 = vector.shape_cast %get3A_171 : vector<16xi32> to vector<16xi32>
      %add3A_173 = vector.broadcast %mul3A_0 : i32 to vector<16xi32>
      %add3A_174 = arith.addi %get3A_172, %add3A_173 : vector<16xi32>
      %swap3A_175 = arith.index_cast %select_n3A_68 : i32 to index
      %swap3A_176 = arith.constant 64 : index
      %swap3A_177 = tpu.vector_load %arg8[%swap3A_175, %swap3A_176] {strides = array<i32>} : memref<2x80xi32, #tpu.memory_space<vmem>>, vector<1x16xi32>,
      %swap3A_178 = vector.shape_cast %swap3A_177 : vector<1x16xi32> to vector<16xi32>
      %swap3A_179 = vector.shape_cast %add3A_174 : vector<16xi32> to vector<1x16xi32>
      tpu.vector_store %arg8[%swap3A_175, %swap3A_176], %swap3A_179 {strides = array<i32>} : memref<2x80xi32, #tpu.memory_space<vmem>>, vector<1x16xi32>,
      %get3A_180 = arith.index_cast %add3A_169 : i32 to index
      %get3A_181 = tpu.vector_load %arg7[%get3A_180] {strides = array<i32>} : memref<2560xi32, #tpu.memory_space<vmem>>, vector<16xi32>,
      %get3A_182 = vector.shape_cast %get3A_181 : vector<16xi32> to vector<16xi32>
      %swap3A_183 = arith.index_cast %select_n3A_68 : i32 to index
      %swap3A_184 = arith.constant 64 : index
      %swap3A_185 = tpu.vector_load %arg9[%swap3A_183, %swap3A_184] {strides = array<i32>} : memref<2x80xi32, #tpu.memory_space<vmem>>, vector<1x16xi32>,
      %swap3A_186 = vector.shape_cast %swap3A_185 : vector<1x16xi32> to vector<16xi32>
      %swap3A_187 = vector.shape_cast %get3A_182 : vector<16xi32> to vector<1x16xi32>
      tpu.vector_store %arg9[%swap3A_183, %swap3A_184], %swap3A_187 {strides = array<i32>} : memref<2x80xi32, #tpu.memory_space<vmem>>, vector<1x16xi32>,
      %dma_start3A = arith.constant 0 : i32
      %dma_start3A_188 = arith.constant 0 : i32
      %dma_start3A_189 = tpu.memref_slice %arg10[%select_n3A_68, %dma_start3A, %dma_start3A_188] : memref<2x80x128xf32, #tpu.memory_space<vmem>> -> memref<1x80x128xf32, #tpu.memory_space<vmem>>
      %dma_start3A_190 = tpu.memref_squeeze %dma_start3A_189 : memref<1x80x128xf32, #tpu.memory_space<vmem>> -> memref<80x128xf32, #tpu.memory_space<vmem>>
      %dma_start3A_191 = arith.constant 0 : i32
      %dma_start3A_192 = tpu.memref_slice %arg8[%select_n3A_68, %dma_start3A_191] : memref<2x80xi32, #tpu.memory_space<vmem>> -> memref<1x80xi32, #tpu.memory_space<vmem>>
      %dma_start3A_193 = tpu.memref_squeeze %dma_start3A_192 : memref<1x80xi32, #tpu.memory_space<vmem>> -> memref<80xi32, #tpu.memory_space<vmem>>
      %dma_start3A_194 = arith.constant 0 : i32
      %dma_start3A_195 = arith.constant 0 : i32
      %dma_start3A_196 = tpu.memref_slice %arg2[%dma_start3A_194, %dma_start3A_195] : memref<20000x128xf32, #tpu.memory_space<hbm>> -> memref<20000x128xf32, #tpu.memory_space<hbm>>
      tpu.enqueue_indirect_dma source(%dma_start3A_196 : memref<20000x128xf32, #tpu.memory_space<hbm>>) target(%dma_start3A_190 : memref<80x128xf32, #tpu.memory_space<vmem>>) offsets(%dma_start3A_193 : memref<80xi32, #tpu.memory_space<vmem>>) semaphore(%arg12 : memref<!tpu.dma_semaphore, #tpu.memory_space<semaphore_mem>>)
      %dma_wait3A_197 = arith.constant 0 : i32
      %dma_wait3A_198 = arith.constant 0 : i32
      %dma_wait3A_199 = tpu.memref_slice %arg10[%select_n3A_68, %dma_wait3A_197, %dma_wait3A_198] : memref<2x80x128xf32, #tpu.memory_space<vmem>> -> memref<1x80x128xf32, #tpu.memory_space<vmem>>
      %dma_wait3A_200 = tpu.memref_squeeze %dma_wait3A_199 : memref<1x80x128xf32, #tpu.memory_space<vmem>> -> memref<80x128xf32, #tpu.memory_space<vmem>>
      %dma_wait3A_201 = arith.constant 0 : i32
      %dma_wait3A_202 = tpu.memref_slice %arg8[%select_n3A_68, %dma_wait3A_201] : memref<2x80xi32, #tpu.memory_space<vmem>> -> memref<1x80xi32, #tpu.memory_space<vmem>>
      %dma_wait3A_203 = tpu.memref_squeeze %dma_wait3A_202 : memref<1x80xi32, #tpu.memory_space<vmem>> -> memref<80xi32, #tpu.memory_space<vmem>>
      %dma_wait3A_204 = arith.constant 0 : i32
      %dma_wait3A_205 = arith.constant 0 : i32
      %dma_wait3A_206 = tpu.memref_slice %arg2[%dma_wait3A_204, %dma_wait3A_205] : memref<20000x128xf32, #tpu.memory_space<hbm>> -> memref<20000x128xf32, #tpu.memory_space<hbm>>
      tpu.wait_indirect_dma semaphore(%arg12 : memref<!tpu.dma_semaphore, #tpu.memory_space<semaphore_mem>>) src(%dma_wait3A_206 : memref<20000x128xf32, #tpu.memory_space<hbm>>) dst(%dma_wait3A_200 : memref<80x128xf32, #tpu.memory_space<vmem>>)
      %dma_start3A_207 = arith.constant 0 : i32
      %dma_start3A_208 = arith.constant 0 : i32
      %dma_start3A_209 = tpu.memref_slice %arg10[%select_n3A_68, %dma_start3A_207, %dma_start3A_208] : memref<2x80x128xf32, #tpu.memory_space<vmem>> -> memref<1x80x128xf32, #tpu.memory_space<vmem>>
      %dma_start3A_210 = tpu.memref_squeeze %dma_start3A_209 : memref<1x80x128xf32, #tpu.memory_space<vmem>> -> memref<80x128xf32, #tpu.memory_space<vmem>>
      %dma_start3A_211 = arith.constant 0 : i32
      %dma_start3A_212 = tpu.memref_slice %arg9[%select_n3A_68, %dma_start3A_211] : memref<2x80xi32, #tpu.memory_space<vmem>> -> memref<1x80xi32, #tpu.memory_space<vmem>>
      %dma_start3A_213 = tpu.memref_squeeze %dma_start3A_212 : memref<1x80xi32, #tpu.memory_space<vmem>> -> memref<80xi32, #tpu.memory_space<vmem>>
      %dma_start3A_214 = arith.constant 0 : i32
      %dma_start3A_215 = arith.constant 0 : i32
      %dma_start3A_216 = tpu.memref_slice %arg11[%dma_start3A_214, %dma_start3A_215] : memref<10240x128xf32, #tpu.memory_space<vmem_shared>> -> memref<10240x128xf32, #tpu.memory_space<vmem_shared>>
      tpu.enqueue_indirect_dma source(%dma_start3A_210 : memref<80x128xf32, #tpu.memory_space<vmem>>) target(%dma_start3A_216 : memref<10240x128xf32, #tpu.memory_space<vmem_shared>>) offsets(%dma_start3A_213 : memref<80xi32, #tpu.memory_space<vmem>>) semaphore(%arg13 : memref<!tpu.dma_semaphore, #tpu.memory_space<semaphore_mem>>) {add = true}
    }
    %scan3A_13 = arith.constant 256 : i32
    %dma_wait3A = arith.constant 0 : i32
    %dma_wait3A_14 = arith.constant 0 : i32
    %dma_wait3A_15 = arith.constant 0 : i32
    %dma_wait3A_16 = arith.constant 0 : i32
    %dma_wait3A_17 = tpu.memref_slice %arg10[%dma_wait3A, %dma_wait3A_15, %dma_wait3A_16] : memref<2x80x128xf32, #tpu.memory_space<vmem>> -> memref<1x80x128xf32, #tpu.memory_space<vmem>>
    %dma_wait3A_18 = tpu.memref_squeeze %dma_wait3A_17 : memref<1x80x128xf32, #tpu.memory_space<vmem>> -> memref<80x128xf32, #tpu.memory_space<vmem>>
    %dma_wait3A_19 = arith.constant 0 : i32
    %dma_wait3A_20 = tpu.memref_slice %arg9[%dma_wait3A_14, %dma_wait3A_19] : memref<2x80xi32, #tpu.memory_space<vmem>> -> memref<1x80xi32, #tpu.memory_space<vmem>>
    %dma_wait3A_21 = tpu.memref_squeeze %dma_wait3A_20 : memref<1x80xi32, #tpu.memory_space<vmem>> -> memref<80xi32, #tpu.memory_space<vmem>>
    %dma_wait3A_22 = arith.constant 0 : i32
    %dma_wait3A_23 = arith.constant 0 : i32
    %dma_wait3A_24 = tpu.memref_slice %arg11[%dma_wait3A_22, %dma_wait3A_23] : memref<10240x128xf32, #tpu.memory_space<vmem_shared>> -> memref<10240x128xf32, #tpu.memory_space<vmem_shared>>
    tpu.wait_indirect_dma semaphore(%arg13 : memref<!tpu.dma_semaphore, #tpu.memory_space<semaphore_mem>>) src(%dma_wait3A_18 : memref<80x128xf32, #tpu.memory_space<vmem>>) dst(%dma_wait3A_24 : memref<10240x128xf32, #tpu.memory_space<vmem_shared>>)
    %dma_wait3A_25 = arith.constant 1 : i32
    %dma_wait3A_26 = arith.constant 1 : i32
    %dma_wait3A_27 = arith.constant 0 : i32
    %dma_wait3A_28 = arith.constant 0 : i32
    %dma_wait3A_29 = tpu.memref_slice %arg10[%dma_wait3A_25, %dma_wait3A_27, %dma_wait3A_28] : memref<2x80x128xf32, #tpu.memory_space<vmem>> -> memref<1x80x128xf32, #tpu.memory_space<vmem>>
    %dma_wait3A_30 = tpu.memref_squeeze %dma_wait3A_29 : memref<1x80x128xf32, #tpu.memory_space<vmem>> -> memref<80x128xf32, #tpu.memory_space<vmem>>
    %dma_wait3A_31 = arith.constant 0 : i32
    %dma_wait3A_32 = tpu.memref_slice %arg9[%dma_wait3A_26, %dma_wait3A_31] : memref<2x80xi32, #tpu.memory_space<vmem>> -> memref<1x80xi32, #tpu.memory_space<vmem>>
    %dma_wait3A_33 = tpu.memref_squeeze %dma_wait3A_32 : memref<1x80xi32, #tpu.memory_space<vmem>> -> memref<80xi32, #tpu.memory_space<vmem>>
    %dma_wait3A_34 = arith.constant 0 : i32
    %dma_wait3A_35 = arith.constant 0 : i32
    %dma_wait3A_36 = tpu.memref_slice %arg11[%dma_wait3A_34, %dma_wait3A_35] : memref<10240x128xf32, #tpu.memory_space<vmem_shared>> -> memref<10240x128xf32, #tpu.memory_space<vmem_shared>>
    tpu.wait_indirect_dma semaphore(%arg13 : memref<!tpu.dma_semaphore, #tpu.memory_space<semaphore_mem>>) src(%dma_wait3A_30 : memref<80x128xf32, #tpu.memory_space<vmem>>) dst(%dma_wait3A_36 : memref<10240x128xf32, #tpu.memory_space<vmem_shared>>)
    %barrier3A_37 = arith.constant 0 : index
    tpu.barrier barrier_id(%barrier3A_37)
    %mul3A_38 = arith.constant 640 : i32
    %mul3A_39 = arith.muli %arg1, %mul3A_38 : i32
    %mul3A_40 = arith.constant 640 : i32
    %mul3A_41 = arith.muli %arg1, %mul3A_40 : i32
    "tpu.region"() ({
      %run_scoped3A = tpu.sem_alloc : memref<!tpu.dma_semaphore, #tpu.memory_space<semaphore_mem>>
      %dma_start3A = arith.constant 0 : i32
      %dma_start3A_42 = tpu.memref_slice %arg5[%arg0, %mul3A_41, %dma_start3A] : memref<2x10240x128xf32, #tpu.memory_space<hbm>> -> memref<1x640x128xf32, #tpu.memory_space<hbm>>
      %dma_start3A_43 = tpu.memref_squeeze %dma_start3A_42 : memref<1x640x128xf32, #tpu.memory_space<hbm>> -> memref<640x128xf32, #tpu.memory_space<hbm>>
      %dma_start3A_44 = arith.constant 0 : i32
      %dma_start3A_45 = tpu.memref_slice %arg11[%mul3A_39, %dma_start3A_44] : memref<10240x128xf32, #tpu.memory_space<vmem_shared>> -> memref<640x128xf32, #tpu.memory_space<vmem_shared>>
      tpu.enqueue_dma source(%dma_start3A_45 : memref<640x128xf32, #tpu.memory_space<vmem_shared>>) target(%dma_start3A_43 : memref<640x128xf32, #tpu.memory_space<hbm>>) target_semaphore(%run_scoped3A : memref<!tpu.dma_semaphore, #tpu.memory_space<semaphore_mem>>)
      %dma_wait3A_46 = arith.constant 0 : i32
      %dma_wait3A_47 = tpu.memref_slice %arg5[%arg0, %mul3A_41, %dma_wait3A_46] : memref<2x10240x128xf32, #tpu.memory_space<hbm>> -> memref<1x640x128xf32, #tpu.memory_space<hbm>>
      %dma_wait3A_48 = tpu.memref_squeeze %dma_wait3A_47 : memref<1x640x128xf32, #tpu.memory_space<hbm>> -> memref<640x128xf32, #tpu.memory_space<hbm>>
      %dma_wait3A_49 = arith.constant 0 : i32
      %dma_wait3A_50 = tpu.memref_slice %arg11[%mul3A_39, %dma_wait3A_49] : memref<10240x128xf32, #tpu.memory_space<vmem_shared>> -> memref<640x128xf32, #tpu.memory_space<vmem_shared>>
      tpu.wait_dma2 semaphore(%run_scoped3A : memref<!tpu.dma_semaphore, #tpu.memory_space<semaphore_mem>>) src(%dma_wait3A_50 : memref<640x128xf32, #tpu.memory_space<vmem_shared>>) dst(%dma_wait3A_48 : memref<640x128xf32, #tpu.memory_space<hbm>>)
      tpu.yield
    }) : () -> ()
    return
  }
}

#map = affine_map<(d0, d1) -> (0)>
#map1 = affine_map<(d0, d1) -> (0, 0)>
module attributes {stable_mosaic.version = 14 : i64} {
  func.func @deg(%arg0: i32, %arg1: i32, %arg2: memref<327680xi32, #tpu.memory_space<hbm>>, %arg3: memref<2x10240xf32, #tpu.memory_space<hbm>>, %arg4: memref<10240xi32, #tpu.memory_space<vmem>>, %arg5: memref<80xi32, #tpu.memory_space<vmem>>, %arg6: memref<80xf32, #tpu.memory_space<vmem>>, %arg7: memref<640xf32, #tpu.memory_space<vmem>>, %arg8: memref<10240xf32, #tpu.memory_space<vmem_shared>>) attributes {dimension_semantics = [#tpu.dimension_semantics<core_parallel>, #tpu.dimension_semantics<subcore_parallel>], iteration_bounds = array<i64: 2, 16>, scalar_prefetch = 0 : i64, scratch_operands = 5 : i64, tpu.core_type = #tpu.core_type<sc_vector_subcore>, window_params = [{transform_indices = #map}, {transform_indices = #map1}]} {
    %mul3A = arith.constant 16 : i32
    %mul3A_0 = arith.muli %arg0, %mul3A : i32
    %add3A = arith.addi %mul3A_0, %arg1 : i32
    %broadcast_in_dim3A = arith.constant 0.000000e+00 : f32
    %broadcast_in_dim3A_1 = vector.broadcast %broadcast_in_dim3A : f32 to vector<16xf32>
    %swap3A = arith.constant 0 : index
    %swap3A_2 = tpu.vector_load %arg7[%swap3A] {strides = array<i32>} : memref<640xf32, #tpu.memory_space<vmem>>, vector<16xf32>,
    %swap3A_3 = vector.shape_cast %swap3A_2 : vector<16xf32> to vector<16xf32>
    %swap3A_4 = vector.shape_cast %broadcast_in_dim3A_1 : vector<16xf32> to vector<16xf32>
    tpu.vector_store %arg7[%swap3A], %swap3A_4 {strides = array<i32>} : memref<640xf32, #tpu.memory_space<vmem>>, vector<16xf32>,
    %broadcast_in_dim3A_5 = arith.constant 0.000000e+00 : f32
    %broadcast_in_dim3A_6 = vector.broadcast %broadcast_in_dim3A_5 : f32 to vector<16xf32>
    %swap3A_7 = arith.constant 16 : index
    %swap3A_8 = tpu.vector_load %arg7[%swap3A_7] {strides = array<i32>} : memref<640xf32, #tpu.memory_space<vmem>>, vector<16xf32>,
    %swap3A_9 = vector.shape_cast %swap3A_8 : vector<16xf32> to vector<16xf32>
    %swap3A_10 = vector.shape_cast %broadcast_in_dim3A_6 : vector<16xf32> to vector<16xf32>
    tpu.vector_store %arg7[%swap3A_7], %swap3A_10 {strides = array<i32>} : memref<640xf32, #tpu.memory_space<vmem>>, vector<16xf32>,
    %broadcast_in_dim3A_11 = arith.constant 0.000000e+00 : f32
    %broadcast_in_dim3A_12 = vector.broadcast %broadcast_in_dim3A_11 : f32 to vector<16xf32>
    %swap3A_13 = arith.constant 32 : index
    %swap3A_14 = tpu.vector_load %arg7[%swap3A_13] {strides = array<i32>} : memref<640xf32, #tpu.memory_space<vmem>>, vector<16xf32>,
    %swap3A_15 = vector.shape_cast %swap3A_14 : vector<16xf32> to vector<16xf32>
    %swap3A_16 = vector.shape_cast %broadcast_in_dim3A_12 : vector<16xf32> to vector<16xf32>
    tpu.vector_store %arg7[%swap3A_13], %swap3A_16 {strides = array<i32>} : memref<640xf32, #tpu.memory_space<vmem>>, vector<16xf32>,
    %broadcast_in_dim3A_17 = arith.constant 0.000000e+00 : f32
    %broadcast_in_dim3A_18 = vector.broadcast %broadcast_in_dim3A_17 : f32 to vector<16xf32>
    %swap3A_19 = arith.constant 48 : index
    %swap3A_20 = tpu.vector_load %arg7[%swap3A_19] {strides = array<i32>} : memref<640xf32, #tpu.memory_space<vmem>>, vector<16xf32>,
    %swap3A_21 = vector.shape_cast %swap3A_20 : vector<16xf32> to vector<16xf32>
    %swap3A_22 = vector.shape_cast %broadcast_in_dim3A_18 : vector<16xf32> to vector<16xf32>
    tpu.vector_store %arg7[%swap3A_19], %swap3A_22 {strides = array<i32>} : memref<640xf32, #tpu.memory_space<vmem>>, vector<16xf32>,
    %broadcast_in_dim3A_23 = arith.constant 0.000000e+00 : f32
    %broadcast_in_dim3A_24 = vector.broadcast %broadcast_in_dim3A_23 : f32 to vector<16xf32>
    %swap3A_25 = arith.constant 64 : index
    %swap3A_26 = tpu.vector_load %arg7[%swap3A_25] {strides = array<i32>} : memref<640xf32, #tpu.memory_space<vmem>>, vector<16xf32>,
    %swap3A_27 = vector.shape_cast %swap3A_26 : vector<16xf32> to vector<16xf32>
    %swap3A_28 = vector.shape_cast %broadcast_in_dim3A_24 : vector<16xf32> to vector<16xf32>
    tpu.vector_store %arg7[%swap3A_25], %swap3A_28 {strides = array<i32>} : memref<640xf32, #tpu.memory_space<vmem>>, vector<16xf32>,
    %broadcast_in_dim3A_29 = arith.constant 0.000000e+00 : f32
    %broadcast_in_dim3A_30 = vector.broadcast %broadcast_in_dim3A_29 : f32 to vector<16xf32>
    %swap3A_31 = arith.constant 80 : index
    %swap3A_32 = tpu.vector_load %arg7[%swap3A_31] {strides = array<i32>} : memref<640xf32, #tpu.memory_space<vmem>>, vector<16xf32>,
    %swap3A_33 = vector.shape_cast %swap3A_32 : vector<16xf32> to vector<16xf32>
    %swap3A_34 = vector.shape_cast %broadcast_in_dim3A_30 : vector<16xf32> to vector<16xf32>
    tpu.vector_store %arg7[%swap3A_31], %swap3A_34 {strides = array<i32>} : memref<640xf32, #tpu.memory_space<vmem>>, vector<16xf32>,
    %broadcast_in_dim3A_35 = arith.constant 0.000000e+00 : f32
    %broadcast_in_dim3A_36 = vector.broadcast %broadcast_in_dim3A_35 : f32 to vector<16xf32>
    %swap3A_37 = arith.constant 96 : index
    %swap3A_38 = tpu.vector_load %arg7[%swap3A_37] {strides = array<i32>} : memref<640xf32, #tpu.memory_space<vmem>>, vector<16xf32>,
    %swap3A_39 = vector.shape_cast %swap3A_38 : vector<16xf32> to vector<16xf32>
    %swap3A_40 = vector.shape_cast %broadcast_in_dim3A_36 : vector<16xf32> to vector<16xf32>
    tpu.vector_store %arg7[%swap3A_37], %swap3A_40 {strides = array<i32>} : memref<640xf32, #tpu.memory_space<vmem>>, vector<16xf32>,
    %broadcast_in_dim3A_41 = arith.constant 0.000000e+00 : f32
    %broadcast_in_dim3A_42 = vector.broadcast %broadcast_in_dim3A_41 : f32 to vector<16xf32>
    %swap3A_43 = arith.constant 112 : index
    %swap3A_44 = tpu.vector_load %arg7[%swap3A_43] {strides = array<i32>} : memref<640xf32, #tpu.memory_space<vmem>>, vector<16xf32>,
    %swap3A_45 = vector.shape_cast %swap3A_44 : vector<16xf32> to vector<16xf32>
    %swap3A_46 = vector.shape_cast %broadcast_in_dim3A_42 : vector<16xf32> to vector<16xf32>
    tpu.vector_store %arg7[%swap3A_43], %swap3A_46 {strides = array<i32>} : memref<640xf32, #tpu.memory_space<vmem>>, vector<16xf32>,
    %broadcast_in_dim3A_47 = arith.constant 0.000000e+00 : f32
    %broadcast_in_dim3A_48 = vector.broadcast %broadcast_in_dim3A_47 : f32 to vector<16xf32>
    %swap3A_49 = arith.constant 128 : index
    %swap3A_50 = tpu.vector_load %arg7[%swap3A_49] {strides = array<i32>} : memref<640xf32, #tpu.memory_space<vmem>>, vector<16xf32>,
    %swap3A_51 = vector.shape_cast %swap3A_50 : vector<16xf32> to vector<16xf32>
    %swap3A_52 = vector.shape_cast %broadcast_in_dim3A_48 : vector<16xf32> to vector<16xf32>
    tpu.vector_store %arg7[%swap3A_49], %swap3A_52 {strides = array<i32>} : memref<640xf32, #tpu.memory_space<vmem>>, vector<16xf32>,
    %broadcast_in_dim3A_53 = arith.constant 0.000000e+00 : f32
    %broadcast_in_dim3A_54 = vector.broadcast %broadcast_in_dim3A_53 : f32 to vector<16xf32>
    %swap3A_55 = arith.constant 144 : index
    %swap3A_56 = tpu.vector_load %arg7[%swap3A_55] {strides = array<i32>} : memref<640xf32, #tpu.memory_space<vmem>>, vector<16xf32>,
    %swap3A_57 = vector.shape_cast %swap3A_56 : vector<16xf32> to vector<16xf32>
    %swap3A_58 = vector.shape_cast %broadcast_in_dim3A_54 : vector<16xf32> to vector<16xf32>
    tpu.vector_store %arg7[%swap3A_55], %swap3A_58 {strides = array<i32>} : memref<640xf32, #tpu.memory_space<vmem>>, vector<16xf32>,
    %broadcast_in_dim3A_59 = arith.constant 0.000000e+00 : f32
    %broadcast_in_dim3A_60 = vector.broadcast %broadcast_in_dim3A_59 : f32 to vector<16xf32>
    %swap3A_61 = arith.constant 160 : index
    %swap3A_62 = tpu.vector_load %arg7[%swap3A_61] {strides = array<i32>} : memref<640xf32, #tpu.memory_space<vmem>>, vector<16xf32>,
    %swap3A_63 = vector.shape_cast %swap3A_62 : vector<16xf32> to vector<16xf32>
    %swap3A_64 = vector.shape_cast %broadcast_in_dim3A_60 : vector<16xf32> to vector<16xf32>
    tpu.vector_store %arg7[%swap3A_61], %swap3A_64 {strides = array<i32>} : memref<640xf32, #tpu.memory_space<vmem>>, vector<16xf32>,
    %broadcast_in_dim3A_65 = arith.constant 0.000000e+00 : f32
    %broadcast_in_dim3A_66 = vector.broadcast %broadcast_in_dim3A_65 : f32 to vector<16xf32>
    %swap3A_67 = arith.constant 176 : index
    %swap3A_68 = tpu.vector_load %arg7[%swap3A_67] {strides = array<i32>} : memref<640xf32, #tpu.memory_space<vmem>>, vector<16xf32>,
    %swap3A_69 = vector.shape_cast %swap3A_68 : vector<16xf32> to vector<16xf32>
    %swap3A_70 = vector.shape_cast %broadcast_in_dim3A_66 : vector<16xf32> to vector<16xf32>
    tpu.vector_store %arg7[%swap3A_67], %swap3A_70 {strides = array<i32>} : memref<640xf32, #tpu.memory_space<vmem>>, vector<16xf32>,
    %broadcast_in_dim3A_71 = arith.constant 0.000000e+00 : f32
    %broadcast_in_dim3A_72 = vector.broadcast %broadcast_in_dim3A_71 : f32 to vector<16xf32>
    %swap3A_73 = arith.constant 192 : index
    %swap3A_74 = tpu.vector_load %arg7[%swap3A_73] {strides = array<i32>} : memref<640xf32, #tpu.memory_space<vmem>>, vector<16xf32>,
    %swap3A_75 = vector.shape_cast %swap3A_74 : vector<16xf32> to vector<16xf32>
    %swap3A_76 = vector.shape_cast %broadcast_in_dim3A_72 : vector<16xf32> to vector<16xf32>
    tpu.vector_store %arg7[%swap3A_73], %swap3A_76 {strides = array<i32>} : memref<640xf32, #tpu.memory_space<vmem>>, vector<16xf32>,
    %broadcast_in_dim3A_77 = arith.constant 0.000000e+00 : f32
    %broadcast_in_dim3A_78 = vector.broadcast %broadcast_in_dim3A_77 : f32 to vector<16xf32>
    %swap3A_79 = arith.constant 208 : index
    %swap3A_80 = tpu.vector_load %arg7[%swap3A_79] {strides = array<i32>} : memref<640xf32, #tpu.memory_space<vmem>>, vector<16xf32>,
    %swap3A_81 = vector.shape_cast %swap3A_80 : vector<16xf32> to vector<16xf32>
    %swap3A_82 = vector.shape_cast %broadcast_in_dim3A_78 : vector<16xf32> to vector<16xf32>
    tpu.vector_store %arg7[%swap3A_79], %swap3A_82 {strides = array<i32>} : memref<640xf32, #tpu.memory_space<vmem>>, vector<16xf32>,
    %broadcast_in_dim3A_83 = arith.constant 0.000000e+00 : f32
    %broadcast_in_dim3A_84 = vector.broadcast %broadcast_in_dim3A_83 : f32 to vector<16xf32>
    %swap3A_85 = arith.constant 224 : index
    %swap3A_86 = tpu.vector_load %arg7[%swap3A_85] {strides = array<i32>} : memref<640xf32, #tpu.memory_space<vmem>>, vector<16xf32>,
    %swap3A_87 = vector.shape_cast %swap3A_86 : vector<16xf32> to vector<16xf32>
    %swap3A_88 = vector.shape_cast %broadcast_in_dim3A_84 : vector<16xf32> to vector<16xf32>
    tpu.vector_store %arg7[%swap3A_85], %swap3A_88 {strides = array<i32>} : memref<640xf32, #tpu.memory_space<vmem>>, vector<16xf32>,
    %broadcast_in_dim3A_89 = arith.constant 0.000000e+00 : f32
    %broadcast_in_dim3A_90 = vector.broadcast %broadcast_in_dim3A_89 : f32 to vector<16xf32>
    %swap3A_91 = arith.constant 240 : index
    %swap3A_92 = tpu.vector_load %arg7[%swap3A_91] {strides = array<i32>} : memref<640xf32, #tpu.memory_space<vmem>>, vector<16xf32>,
    %swap3A_93 = vector.shape_cast %swap3A_92 : vector<16xf32> to vector<16xf32>
    %swap3A_94 = vector.shape_cast %broadcast_in_dim3A_90 : vector<16xf32> to vector<16xf32>
    tpu.vector_store %arg7[%swap3A_91], %swap3A_94 {strides = array<i32>} : memref<640xf32, #tpu.memory_space<vmem>>, vector<16xf32>,
    %broadcast_in_dim3A_95 = arith.constant 0.000000e+00 : f32
    %broadcast_in_dim3A_96 = vector.broadcast %broadcast_in_dim3A_95 : f32 to vector<16xf32>
    %swap3A_97 = arith.constant 256 : index
    %swap3A_98 = tpu.vector_load %arg7[%swap3A_97] {strides = array<i32>} : memref<640xf32, #tpu.memory_space<vmem>>, vector<16xf32>,
    %swap3A_99 = vector.shape_cast %swap3A_98 : vector<16xf32> to vector<16xf32>
    %swap3A_100 = vector.shape_cast %broadcast_in_dim3A_96 : vector<16xf32> to vector<16xf32>
    tpu.vector_store %arg7[%swap3A_97], %swap3A_100 {strides = array<i32>} : memref<640xf32, #tpu.memory_space<vmem>>, vector<16xf32>,
    %broadcast_in_dim3A_101 = arith.constant 0.000000e+00 : f32
    %broadcast_in_dim3A_102 = vector.broadcast %broadcast_in_dim3A_101 : f32 to vector<16xf32>
    %swap3A_103 = arith.constant 272 : index
    %swap3A_104 = tpu.vector_load %arg7[%swap3A_103] {strides = array<i32>} : memref<640xf32, #tpu.memory_space<vmem>>, vector<16xf32>,
    %swap3A_105 = vector.shape_cast %swap3A_104 : vector<16xf32> to vector<16xf32>
    %swap3A_106 = vector.shape_cast %broadcast_in_dim3A_102 : vector<16xf32> to vector<16xf32>
    tpu.vector_store %arg7[%swap3A_103], %swap3A_106 {strides = array<i32>} : memref<640xf32, #tpu.memory_space<vmem>>, vector<16xf32>,
    %broadcast_in_dim3A_107 = arith.constant 0.000000e+00 : f32
    %broadcast_in_dim3A_108 = vector.broadcast %broadcast_in_dim3A_107 : f32 to vector<16xf32>
    %swap3A_109 = arith.constant 288 : index
    %swap3A_110 = tpu.vector_load %arg7[%swap3A_109] {strides = array<i32>} : memref<640xf32, #tpu.memory_space<vmem>>, vector<16xf32>,
    %swap3A_111 = vector.shape_cast %swap3A_110 : vector<16xf32> to vector<16xf32>
    %swap3A_112 = vector.shape_cast %broadcast_in_dim3A_108 : vector<16xf32> to vector<16xf32>
    tpu.vector_store %arg7[%swap3A_109], %swap3A_112 {strides = array<i32>} : memref<640xf32, #tpu.memory_space<vmem>>, vector<16xf32>,
    %broadcast_in_dim3A_113 = arith.constant 0.000000e+00 : f32
    %broadcast_in_dim3A_114 = vector.broadcast %broadcast_in_dim3A_113 : f32 to vector<16xf32>
    %swap3A_115 = arith.constant 304 : index
    %swap3A_116 = tpu.vector_load %arg7[%swap3A_115] {strides = array<i32>} : memref<640xf32, #tpu.memory_space<vmem>>, vector<16xf32>,
    %swap3A_117 = vector.shape_cast %swap3A_116 : vector<16xf32> to vector<16xf32>
    %swap3A_118 = vector.shape_cast %broadcast_in_dim3A_114 : vector<16xf32> to vector<16xf32>
    tpu.vector_store %arg7[%swap3A_115], %swap3A_118 {strides = array<i32>} : memref<640xf32, #tpu.memory_space<vmem>>, vector<16xf32>,
    %broadcast_in_dim3A_119 = arith.constant 0.000000e+00 : f32
    %broadcast_in_dim3A_120 = vector.broadcast %broadcast_in_dim3A_119 : f32 to vector<16xf32>
    %swap3A_121 = arith.constant 320 : index
    %swap3A_122 = tpu.vector_load %arg7[%swap3A_121] {strides = array<i32>} : memref<640xf32, #tpu.memory_space<vmem>>, vector<16xf32>,
    %swap3A_123 = vector.shape_cast %swap3A_122 : vector<16xf32> to vector<16xf32>
    %swap3A_124 = vector.shape_cast %broadcast_in_dim3A_120 : vector<16xf32> to vector<16xf32>
    tpu.vector_store %arg7[%swap3A_121], %swap3A_124 {strides = array<i32>} : memref<640xf32, #tpu.memory_space<vmem>>, vector<16xf32>,
    %broadcast_in_dim3A_125 = arith.constant 0.000000e+00 : f32
    %broadcast_in_dim3A_126 = vector.broadcast %broadcast_in_dim3A_125 : f32 to vector<16xf32>
    %swap3A_127 = arith.constant 336 : index
    %swap3A_128 = tpu.vector_load %arg7[%swap3A_127] {strides = array<i32>} : memref<640xf32, #tpu.memory_space<vmem>>, vector<16xf32>,
    %swap3A_129 = vector.shape_cast %swap3A_128 : vector<16xf32> to vector<16xf32>
    %swap3A_130 = vector.shape_cast %broadcast_in_dim3A_126 : vector<16xf32> to vector<16xf32>
    tpu.vector_store %arg7[%swap3A_127], %swap3A_130 {strides = array<i32>} : memref<640xf32, #tpu.memory_space<vmem>>, vector<16xf32>,
    %broadcast_in_dim3A_131 = arith.constant 0.000000e+00 : f32
    %broadcast_in_dim3A_132 = vector.broadcast %broadcast_in_dim3A_131 : f32 to vector<16xf32>
    %swap3A_133 = arith.constant 352 : index
    %swap3A_134 = tpu.vector_load %arg7[%swap3A_133] {strides = array<i32>} : memref<640xf32, #tpu.memory_space<vmem>>, vector<16xf32>,
    %swap3A_135 = vector.shape_cast %swap3A_134 : vector<16xf32> to vector<16xf32>
    %swap3A_136 = vector.shape_cast %broadcast_in_dim3A_132 : vector<16xf32> to vector<16xf32>
    tpu.vector_store %arg7[%swap3A_133], %swap3A_136 {strides = array<i32>} : memref<640xf32, #tpu.memory_space<vmem>>, vector<16xf32>,
    %broadcast_in_dim3A_137 = arith.constant 0.000000e+00 : f32
    %broadcast_in_dim3A_138 = vector.broadcast %broadcast_in_dim3A_137 : f32 to vector<16xf32>
    %swap3A_139 = arith.constant 368 : index
    %swap3A_140 = tpu.vector_load %arg7[%swap3A_139] {strides = array<i32>} : memref<640xf32, #tpu.memory_space<vmem>>, vector<16xf32>,
    %swap3A_141 = vector.shape_cast %swap3A_140 : vector<16xf32> to vector<16xf32>
    %swap3A_142 = vector.shape_cast %broadcast_in_dim3A_138 : vector<16xf32> to vector<16xf32>
    tpu.vector_store %arg7[%swap3A_139], %swap3A_142 {strides = array<i32>} : memref<640xf32, #tpu.memory_space<vmem>>, vector<16xf32>,
    %broadcast_in_dim3A_143 = arith.constant 0.000000e+00 : f32
    %broadcast_in_dim3A_144 = vector.broadcast %broadcast_in_dim3A_143 : f32 to vector<16xf32>
    %swap3A_145 = arith.constant 384 : index
    %swap3A_146 = tpu.vector_load %arg7[%swap3A_145] {strides = array<i32>} : memref<640xf32, #tpu.memory_space<vmem>>, vector<16xf32>,
    %swap3A_147 = vector.shape_cast %swap3A_146 : vector<16xf32> to vector<16xf32>
    %swap3A_148 = vector.shape_cast %broadcast_in_dim3A_144 : vector<16xf32> to vector<16xf32>
    tpu.vector_store %arg7[%swap3A_145], %swap3A_148 {strides = array<i32>} : memref<640xf32, #tpu.memory_space<vmem>>, vector<16xf32>,
    %broadcast_in_dim3A_149 = arith.constant 0.000000e+00 : f32
    %broadcast_in_dim3A_150 = vector.broadcast %broadcast_in_dim3A_149 : f32 to vector<16xf32>
    %swap3A_151 = arith.constant 400 : index
    %swap3A_152 = tpu.vector_load %arg7[%swap3A_151] {strides = array<i32>} : memref<640xf32, #tpu.memory_space<vmem>>, vector<16xf32>,
    %swap3A_153 = vector.shape_cast %swap3A_152 : vector<16xf32> to vector<16xf32>
    %swap3A_154 = vector.shape_cast %broadcast_in_dim3A_150 : vector<16xf32> to vector<16xf32>
    tpu.vector_store %arg7[%swap3A_151], %swap3A_154 {strides = array<i32>} : memref<640xf32, #tpu.memory_space<vmem>>, vector<16xf32>,
    %broadcast_in_dim3A_155 = arith.constant 0.000000e+00 : f32
    %broadcast_in_dim3A_156 = vector.broadcast %broadcast_in_dim3A_155 : f32 to vector<16xf32>
    %swap3A_157 = arith.constant 416 : index
    %swap3A_158 = tpu.vector_load %arg7[%swap3A_157] {strides = array<i32>} : memref<640xf32, #tpu.memory_space<vmem>>, vector<16xf32>,
    %swap3A_159 = vector.shape_cast %swap3A_158 : vector<16xf32> to vector<16xf32>
    %swap3A_160 = vector.shape_cast %broadcast_in_dim3A_156 : vector<16xf32> to vector<16xf32>
    tpu.vector_store %arg7[%swap3A_157], %swap3A_160 {strides = array<i32>} : memref<640xf32, #tpu.memory_space<vmem>>, vector<16xf32>,
    %broadcast_in_dim3A_161 = arith.constant 0.000000e+00 : f32
    %broadcast_in_dim3A_162 = vector.broadcast %broadcast_in_dim3A_161 : f32 to vector<16xf32>
    %swap3A_163 = arith.constant 432 : index
    %swap3A_164 = tpu.vector_load %arg7[%swap3A_163] {strides = array<i32>} : memref<640xf32, #tpu.memory_space<vmem>>, vector<16xf32>,
    %swap3A_165 = vector.shape_cast %swap3A_164 : vector<16xf32> to vector<16xf32>
    %swap3A_166 = vector.shape_cast %broadcast_in_dim3A_162 : vector<16xf32> to vector<16xf32>
    tpu.vector_store %arg7[%swap3A_163], %swap3A_166 {strides = array<i32>} : memref<640xf32, #tpu.memory_space<vmem>>, vector<16xf32>,
    %broadcast_in_dim3A_167 = arith.constant 0.000000e+00 : f32
    %broadcast_in_dim3A_168 = vector.broadcast %broadcast_in_dim3A_167 : f32 to vector<16xf32>
    %swap3A_169 = arith.constant 448 : index
    %swap3A_170 = tpu.vector_load %arg7[%swap3A_169] {strides = array<i32>} : memref<640xf32, #tpu.memory_space<vmem>>, vector<16xf32>,
    %swap3A_171 = vector.shape_cast %swap3A_170 : vector<16xf32> to vector<16xf32>
    %swap3A_172 = vector.shape_cast %broadcast_in_dim3A_168 : vector<16xf32> to vector<16xf32>
    tpu.vector_store %arg7[%swap3A_169], %swap3A_172 {strides = array<i32>} : memref<640xf32, #tpu.memory_space<vmem>>, vector<16xf32>,
    %broadcast_in_dim3A_173 = arith.constant 0.000000e+00 : f32
    %broadcast_in_dim3A_174 = vector.broadcast %broadcast_in_dim3A_173 : f32 to vector<16xf32>
    %swap3A_175 = arith.constant 464 : index
    %swap3A_176 = tpu.vector_load %arg7[%swap3A_175] {strides = array<i32>} : memref<640xf32, #tpu.memory_space<vmem>>, vector<16xf32>,
    %swap3A_177 = vector.shape_cast %swap3A_176 : vector<16xf32> to vector<16xf32>
    %swap3A_178 = vector.shape_cast %broadcast_in_dim3A_174 : vector<16xf32> to vector<16xf32>
    tpu.vector_store %arg7[%swap3A_175], %swap3A_178 {strides = array<i32>} : memref<640xf32, #tpu.memory_space<vmem>>, vector<16xf32>,
    %broadcast_in_dim3A_179 = arith.constant 0.000000e+00 : f32
    %broadcast_in_dim3A_180 = vector.broadcast %broadcast_in_dim3A_179 : f32 to vector<16xf32>
    %swap3A_181 = arith.constant 480 : index
    %swap3A_182 = tpu.vector_load %arg7[%swap3A_181] {strides = array<i32>} : memref<640xf32, #tpu.memory_space<vmem>>, vector<16xf32>,
    %swap3A_183 = vector.shape_cast %swap3A_182 : vector<16xf32> to vector<16xf32>
    %swap3A_184 = vector.shape_cast %broadcast_in_dim3A_180 : vector<16xf32> to vector<16xf32>
    tpu.vector_store %arg7[%swap3A_181], %swap3A_184 {strides = array<i32>} : memref<640xf32, #tpu.memory_space<vmem>>, vector<16xf32>,
    %broadcast_in_dim3A_185 = arith.constant 0.000000e+00 : f32
    %broadcast_in_dim3A_186 = vector.broadcast %broadcast_in_dim3A_185 : f32 to vector<16xf32>
    %swap3A_187 = arith.constant 496 : index
    %swap3A_188 = tpu.vector_load %arg7[%swap3A_187] {strides = array<i32>} : memref<640xf32, #tpu.memory_space<vmem>>, vector<16xf32>,
    %swap3A_189 = vector.shape_cast %swap3A_188 : vector<16xf32> to vector<16xf32>
    %swap3A_190 = vector.shape_cast %broadcast_in_dim3A_186 : vector<16xf32> to vector<16xf32>
    tpu.vector_store %arg7[%swap3A_187], %swap3A_190 {strides = array<i32>} : memref<640xf32, #tpu.memory_space<vmem>>, vector<16xf32>,
    %broadcast_in_dim3A_191 = arith.constant 0.000000e+00 : f32
    %broadcast_in_dim3A_192 = vector.broadcast %broadcast_in_dim3A_191 : f32 to vector<16xf32>
    %swap3A_193 = arith.constant 512 : index
    %swap3A_194 = tpu.vector_load %arg7[%swap3A_193] {strides = array<i32>} : memref<640xf32, #tpu.memory_space<vmem>>, vector<16xf32>,
    %swap3A_195 = vector.shape_cast %swap3A_194 : vector<16xf32> to vector<16xf32>
    %swap3A_196 = vector.shape_cast %broadcast_in_dim3A_192 : vector<16xf32> to vector<16xf32>
    tpu.vector_store %arg7[%swap3A_193], %swap3A_196 {strides = array<i32>} : memref<640xf32, #tpu.memory_space<vmem>>, vector<16xf32>,
    %broadcast_in_dim3A_197 = arith.constant 0.000000e+00 : f32
    %broadcast_in_dim3A_198 = vector.broadcast %broadcast_in_dim3A_197 : f32 to vector<16xf32>
    %swap3A_199 = arith.constant 528 : index
    %swap3A_200 = tpu.vector_load %arg7[%swap3A_199] {strides = array<i32>} : memref<640xf32, #tpu.memory_space<vmem>>, vector<16xf32>,
    %swap3A_201 = vector.shape_cast %swap3A_200 : vector<16xf32> to vector<16xf32>
    %swap3A_202 = vector.shape_cast %broadcast_in_dim3A_198 : vector<16xf32> to vector<16xf32>
    tpu.vector_store %arg7[%swap3A_199], %swap3A_202 {strides = array<i32>} : memref<640xf32, #tpu.memory_space<vmem>>, vector<16xf32>,
    %broadcast_in_dim3A_203 = arith.constant 0.000000e+00 : f32
    %broadcast_in_dim3A_204 = vector.broadcast %broadcast_in_dim3A_203 : f32 to vector<16xf32>
    %swap3A_205 = arith.constant 544 : index
    %swap3A_206 = tpu.vector_load %arg7[%swap3A_205] {strides = array<i32>} : memref<640xf32, #tpu.memory_space<vmem>>, vector<16xf32>,
    %swap3A_207 = vector.shape_cast %swap3A_206 : vector<16xf32> to vector<16xf32>
    %swap3A_208 = vector.shape_cast %broadcast_in_dim3A_204 : vector<16xf32> to vector<16xf32>
    tpu.vector_store %arg7[%swap3A_205], %swap3A_208 {strides = array<i32>} : memref<640xf32, #tpu.memory_space<vmem>>, vector<16xf32>,
    %broadcast_in_dim3A_209 = arith.constant 0.000000e+00 : f32
    %broadcast_in_dim3A_210 = vector.broadcast %broadcast_in_dim3A_209 : f32 to vector<16xf32>
    %swap3A_211 = arith.constant 560 : index
    %swap3A_212 = tpu.vector_load %arg7[%swap3A_211] {strides = array<i32>} : memref<640xf32, #tpu.memory_space<vmem>>, vector<16xf32>,
    %swap3A_213 = vector.shape_cast %swap3A_212 : vector<16xf32> to vector<16xf32>
    %swap3A_214 = vector.shape_cast %broadcast_in_dim3A_210 : vector<16xf32> to vector<16xf32>
    tpu.vector_store %arg7[%swap3A_211], %swap3A_214 {strides = array<i32>} : memref<640xf32, #tpu.memory_space<vmem>>, vector<16xf32>,
    %broadcast_in_dim3A_215 = arith.constant 0.000000e+00 : f32
    %broadcast_in_dim3A_216 = vector.broadcast %broadcast_in_dim3A_215 : f32 to vector<16xf32>
    %swap3A_217 = arith.constant 576 : index
    %swap3A_218 = tpu.vector_load %arg7[%swap3A_217] {strides = array<i32>} : memref<640xf32, #tpu.memory_space<vmem>>, vector<16xf32>,
    %swap3A_219 = vector.shape_cast %swap3A_218 : vector<16xf32> to vector<16xf32>
    %swap3A_220 = vector.shape_cast %broadcast_in_dim3A_216 : vector<16xf32> to vector<16xf32>
    tpu.vector_store %arg7[%swap3A_217], %swap3A_220 {strides = array<i32>} : memref<640xf32, #tpu.memory_space<vmem>>, vector<16xf32>,
    %broadcast_in_dim3A_221 = arith.constant 0.000000e+00 : f32
    %broadcast_in_dim3A_222 = vector.broadcast %broadcast_in_dim3A_221 : f32 to vector<16xf32>
    %swap3A_223 = arith.constant 592 : index
    %swap3A_224 = tpu.vector_load %arg7[%swap3A_223] {strides = array<i32>} : memref<640xf32, #tpu.memory_space<vmem>>, vector<16xf32>,
    %swap3A_225 = vector.shape_cast %swap3A_224 : vector<16xf32> to vector<16xf32>
    %swap3A_226 = vector.shape_cast %broadcast_in_dim3A_222 : vector<16xf32> to vector<16xf32>
    tpu.vector_store %arg7[%swap3A_223], %swap3A_226 {strides = array<i32>} : memref<640xf32, #tpu.memory_space<vmem>>, vector<16xf32>,
    %broadcast_in_dim3A_227 = arith.constant 0.000000e+00 : f32
    %broadcast_in_dim3A_228 = vector.broadcast %broadcast_in_dim3A_227 : f32 to vector<16xf32>
    %swap3A_229 = arith.constant 608 : index
    %swap3A_230 = tpu.vector_load %arg7[%swap3A_229] {strides = array<i32>} : memref<640xf32, #tpu.memory_space<vmem>>, vector<16xf32>,
    %swap3A_231 = vector.shape_cast %swap3A_230 : vector<16xf32> to vector<16xf32>
    %swap3A_232 = vector.shape_cast %broadcast_in_dim3A_228 : vector<16xf32> to vector<16xf32>
    tpu.vector_store %arg7[%swap3A_229], %swap3A_232 {strides = array<i32>} : memref<640xf32, #tpu.memory_space<vmem>>, vector<16xf32>,
    %broadcast_in_dim3A_233 = arith.constant 0.000000e+00 : f32
    %broadcast_in_dim3A_234 = vector.broadcast %broadcast_in_dim3A_233 : f32 to vector<16xf32>
    %swap3A_235 = arith.constant 624 : index
    %swap3A_236 = tpu.vector_load %arg7[%swap3A_235] {strides = array<i32>} : memref<640xf32, #tpu.memory_space<vmem>>, vector<16xf32>,
    %swap3A_237 = vector.shape_cast %swap3A_236 : vector<16xf32> to vector<16xf32>
    %swap3A_238 = vector.shape_cast %broadcast_in_dim3A_234 : vector<16xf32> to vector<16xf32>
    tpu.vector_store %arg7[%swap3A_235], %swap3A_238 {strides = array<i32>} : memref<640xf32, #tpu.memory_space<vmem>>, vector<16xf32>,
    %broadcast_in_dim3A_239 = arith.constant 1.000000e+00 : f32
    %broadcast_in_dim3A_240 = vector.broadcast %broadcast_in_dim3A_239 : f32 to vector<16xf32>
    %swap3A_241 = arith.constant 0 : index
    %swap3A_242 = tpu.vector_load %arg6[%swap3A_241] {strides = array<i32>} : memref<80xf32, #tpu.memory_space<vmem>>, vector<16xf32>,
    %swap3A_243 = vector.shape_cast %swap3A_242 : vector<16xf32> to vector<16xf32>
    %swap3A_244 = vector.shape_cast %broadcast_in_dim3A_240 : vector<16xf32> to vector<16xf32>
    tpu.vector_store %arg6[%swap3A_241], %swap3A_244 {strides = array<i32>} : memref<80xf32, #tpu.memory_space<vmem>>, vector<16xf32>,
    %broadcast_in_dim3A_245 = arith.constant 1.000000e+00 : f32
    %broadcast_in_dim3A_246 = vector.broadcast %broadcast_in_dim3A_245 : f32 to vector<16xf32>
    %swap3A_247 = arith.constant 16 : index
    %swap3A_248 = tpu.vector_load %arg6[%swap3A_247] {strides = array<i32>} : memref<80xf32, #tpu.memory_space<vmem>>, vector<16xf32>,
    %swap3A_249 = vector.shape_cast %swap3A_248 : vector<16xf32> to vector<16xf32>
    %swap3A_250 = vector.shape_cast %broadcast_in_dim3A_246 : vector<16xf32> to vector<16xf32>
    tpu.vector_store %arg6[%swap3A_247], %swap3A_250 {strides = array<i32>} : memref<80xf32, #tpu.memory_space<vmem>>, vector<16xf32>,
    %broadcast_in_dim3A_251 = arith.constant 1.000000e+00 : f32
    %broadcast_in_dim3A_252 = vector.broadcast %broadcast_in_dim3A_251 : f32 to vector<16xf32>
    %swap3A_253 = arith.constant 32 : index
    %swap3A_254 = tpu.vector_load %arg6[%swap3A_253] {strides = array<i32>} : memref<80xf32, #tpu.memory_space<vmem>>, vector<16xf32>,
    %swap3A_255 = vector.shape_cast %swap3A_254 : vector<16xf32> to vector<16xf32>
    %swap3A_256 = vector.shape_cast %broadcast_in_dim3A_252 : vector<16xf32> to vector<16xf32>
    tpu.vector_store %arg6[%swap3A_253], %swap3A_256 {strides = array<i32>} : memref<80xf32, #tpu.memory_space<vmem>>, vector<16xf32>,
    %broadcast_in_dim3A_257 = arith.constant 1.000000e+00 : f32
    %broadcast_in_dim3A_258 = vector.broadcast %broadcast_in_dim3A_257 : f32 to vector<16xf32>
    %swap3A_259 = arith.constant 48 : index
    %swap3A_260 = tpu.vector_load %arg6[%swap3A_259] {strides = array<i32>} : memref<80xf32, #tpu.memory_space<vmem>>, vector<16xf32>,
    %swap3A_261 = vector.shape_cast %swap3A_260 : vector<16xf32> to vector<16xf32>
    %swap3A_262 = vector.shape_cast %broadcast_in_dim3A_258 : vector<16xf32> to vector<16xf32>
    tpu.vector_store %arg6[%swap3A_259], %swap3A_262 {strides = array<i32>} : memref<80xf32, #tpu.memory_space<vmem>>, vector<16xf32>,
    %broadcast_in_dim3A_263 = arith.constant 1.000000e+00 : f32
    %broadcast_in_dim3A_264 = vector.broadcast %broadcast_in_dim3A_263 : f32 to vector<16xf32>
    %swap3A_265 = arith.constant 64 : index
    %swap3A_266 = tpu.vector_load %arg6[%swap3A_265] {strides = array<i32>} : memref<80xf32, #tpu.memory_space<vmem>>, vector<16xf32>,
    %swap3A_267 = vector.shape_cast %swap3A_266 : vector<16xf32> to vector<16xf32>
    %swap3A_268 = vector.shape_cast %broadcast_in_dim3A_264 : vector<16xf32> to vector<16xf32>
    tpu.vector_store %arg6[%swap3A_265], %swap3A_268 {strides = array<i32>} : memref<80xf32, #tpu.memory_space<vmem>>, vector<16xf32>,
    %mul3A_269 = arith.constant 640 : i32
    %mul3A_270 = arith.muli %arg1, %mul3A_269 : i32
    "tpu.region"() ({
      %run_scoped3A = tpu.sem_alloc : memref<!tpu.dma_semaphore, #tpu.memory_space<semaphore_mem>>
      %dma_start3A = tpu.memref_slice %arg8[%mul3A_270] : memref<10240xf32, #tpu.memory_space<vmem_shared>> -> memref<640xf32, #tpu.memory_space<vmem_shared>>
      %dma_start3A_283 = tpu.memref_slice %arg8[%mul3A_270] : memref<10240xf32, #tpu.memory_space<vmem_shared>> -> memref<640xf32, #tpu.memory_space<vmem_shared>>
      tpu.enqueue_dma source(%arg7 : memref<640xf32, #tpu.memory_space<vmem>>) target(%dma_start3A_283 : memref<640xf32, #tpu.memory_space<vmem_shared>>) target_semaphore(%run_scoped3A : memref<!tpu.dma_semaphore, #tpu.memory_space<semaphore_mem>>)
      %dma_wait3A = tpu.memref_slice %arg8[%mul3A_270] : memref<10240xf32, #tpu.memory_space<vmem_shared>> -> memref<640xf32, #tpu.memory_space<vmem_shared>>
      %dma_wait3A_284 = tpu.memref_slice %arg8[%mul3A_270] : memref<10240xf32, #tpu.memory_space<vmem_shared>> -> memref<640xf32, #tpu.memory_space<vmem_shared>>
      tpu.wait_dma2 semaphore(%run_scoped3A : memref<!tpu.dma_semaphore, #tpu.memory_space<semaphore_mem>>) src(%arg7 : memref<640xf32, #tpu.memory_space<vmem>>) dst(%dma_wait3A_284 : memref<640xf32, #tpu.memory_space<vmem_shared>>)
      tpu.yield
    }) : () -> ()
    %mul3A_271 = arith.constant 10240 : i32
    %mul3A_272 = arith.muli %add3A, %mul3A_271 : i32
    "tpu.region"() ({
      %run_scoped3A = tpu.sem_alloc : memref<!tpu.dma_semaphore, #tpu.memory_space<semaphore_mem>>
      %dma_start3A = tpu.memref_slice %arg2[%mul3A_272] : memref<327680xi32, #tpu.memory_space<hbm>> -> memref<10240xi32, #tpu.memory_space<hbm>>
      %dma_start3A_283 = tpu.memref_slice %arg2[%mul3A_272] : memref<327680xi32, #tpu.memory_space<hbm>> -> memref<10240xi32, #tpu.memory_space<hbm>>
      tpu.enqueue_dma source(%dma_start3A_283 : memref<10240xi32, #tpu.memory_space<hbm>>) target(%arg4 : memref<10240xi32, #tpu.memory_space<vmem>>) target_semaphore(%run_scoped3A : memref<!tpu.dma_semaphore, #tpu.memory_space<semaphore_mem>>)
      %dma_wait3A = tpu.memref_slice %arg2[%mul3A_272] : memref<327680xi32, #tpu.memory_space<hbm>> -> memref<10240xi32, #tpu.memory_space<hbm>>
      %dma_wait3A_284 = tpu.memref_slice %arg2[%mul3A_272] : memref<327680xi32, #tpu.memory_space<hbm>> -> memref<10240xi32, #tpu.memory_space<hbm>>
      tpu.wait_dma2 semaphore(%run_scoped3A : memref<!tpu.dma_semaphore, #tpu.memory_space<semaphore_mem>>) src(%dma_wait3A_284 : memref<10240xi32, #tpu.memory_space<hbm>>) dst(%arg4 : memref<10240xi32, #tpu.memory_space<vmem>>)
      tpu.yield
    }) : () -> ()
    %barrier3A = arith.constant 0 : index
    tpu.barrier barrier_id(%barrier3A)
    %scan3A = arith.constant 0 : i32
    %scan3A_273 = arith.constant 0 : i32
    %scan3A_274 = arith.constant 128 : i32
    %scan3A_275 = arith.addi %scan3A_273, %scan3A_274 : i32
    %scan3A_276 = arith.constant 1 : i32
    scf.for %scan3A_283 = %scan3A_273 to %scan3A_275 step %scan3A_276  : i32 {
      %mul3A_284 = arith.constant 80 : i32
      %mul3A_285 = arith.muli %scan3A_283, %mul3A_284 : i32
      %add3A_286 = arith.constant 0 : i32
      %add3A_287 = arith.addi %mul3A_285, %add3A_286 : i32
      %get3A = arith.index_cast %add3A_287 : i32 to index
      %get3A_288 = tpu.vector_load %arg4[%get3A] {strides = array<i32>} : memref<10240xi32, #tpu.memory_space<vmem>>, vector<16xi32>,
      %get3A_289 = vector.shape_cast %get3A_288 : vector<16xi32> to vector<16xi32>
      %swap3A_290 = arith.constant 0 : index
      %swap3A_291 = tpu.vector_load %arg5[%swap3A_290] {strides = array<i32>} : memref<80xi32, #tpu.memory_space<vmem>>, vector<16xi32>,
      %swap3A_292 = vector.shape_cast %swap3A_291 : vector<16xi32> to vector<16xi32>
      %swap3A_293 = vector.shape_cast %get3A_289 : vector<16xi32> to vector<16xi32>
      tpu.vector_store %arg5[%swap3A_290], %swap3A_293 {strides = array<i32>} : memref<80xi32, #tpu.memory_space<vmem>>, vector<16xi32>,
      %mul3A_294 = arith.constant 80 : i32
      %mul3A_295 = arith.muli %scan3A_283, %mul3A_294 : i32
      %add3A_296 = arith.constant 16 : i32
      %add3A_297 = arith.addi %mul3A_295, %add3A_296 : i32
      %get3A_298 = arith.index_cast %add3A_297 : i32 to index
      %get3A_299 = tpu.vector_load %arg4[%get3A_298] {strides = array<i32>} : memref<10240xi32, #tpu.memory_space<vmem>>, vector<16xi32>,
      %get3A_300 = vector.shape_cast %get3A_299 : vector<16xi32> to vector<16xi32>
      %swap3A_301 = arith.constant 16 : index
      %swap3A_302 = tpu.vector_load %arg5[%swap3A_301] {strides = array<i32>} : memref<80xi32, #tpu.memory_space<vmem>>, vector<16xi32>,
      %swap3A_303 = vector.shape_cast %swap3A_302 : vector<16xi32> to vector<16xi32>
      %swap3A_304 = vector.shape_cast %get3A_300 : vector<16xi32> to vector<16xi32>
      tpu.vector_store %arg5[%swap3A_301], %swap3A_304 {strides = array<i32>} : memref<80xi32, #tpu.memory_space<vmem>>, vector<16xi32>,
      %mul3A_305 = arith.constant 80 : i32
      %mul3A_306 = arith.muli %scan3A_283, %mul3A_305 : i32
      %add3A_307 = arith.constant 32 : i32
      %add3A_308 = arith.addi %mul3A_306, %add3A_307 : i32
      %get3A_309 = arith.index_cast %add3A_308 : i32 to index
      %get3A_310 = tpu.vector_load %arg4[%get3A_309] {strides = array<i32>} : memref<10240xi32, #tpu.memory_space<vmem>>, vector<16xi32>,
      %get3A_311 = vector.shape_cast %get3A_310 : vector<16xi32> to vector<16xi32>
      %swap3A_312 = arith.constant 32 : index
      %swap3A_313 = tpu.vector_load %arg5[%swap3A_312] {strides = array<i32>} : memref<80xi32, #tpu.memory_space<vmem>>, vector<16xi32>,
      %swap3A_314 = vector.shape_cast %swap3A_313 : vector<16xi32> to vector<16xi32>
      %swap3A_315 = vector.shape_cast %get3A_311 : vector<16xi32> to vector<16xi32>
      tpu.vector_store %arg5[%swap3A_312], %swap3A_315 {strides = array<i32>} : memref<80xi32, #tpu.memory_space<vmem>>, vector<16xi32>,
      %mul3A_316 = arith.constant 80 : i32
      %mul3A_317 = arith.muli %scan3A_283, %mul3A_316 : i32
      %add3A_318 = arith.constant 48 : i32
      %add3A_319 = arith.addi %mul3A_317, %add3A_318 : i32
      %get3A_320 = arith.index_cast %add3A_319 : i32 to index
      %get3A_321 = tpu.vector_load %arg4[%get3A_320] {strides = array<i32>} : memref<10240xi32, #tpu.memory_space<vmem>>, vector<16xi32>,
      %get3A_322 = vector.shape_cast %get3A_321 : vector<16xi32> to vector<16xi32>
      %swap3A_323 = arith.constant 48 : index
      %swap3A_324 = tpu.vector_load %arg5[%swap3A_323] {strides = array<i32>} : memref<80xi32, #tpu.memory_space<vmem>>, vector<16xi32>,
      %swap3A_325 = vector.shape_cast %swap3A_324 : vector<16xi32> to vector<16xi32>
      %swap3A_326 = vector.shape_cast %get3A_322 : vector<16xi32> to vector<16xi32>
      tpu.vector_store %arg5[%swap3A_323], %swap3A_326 {strides = array<i32>} : memref<80xi32, #tpu.memory_space<vmem>>, vector<16xi32>,
      %mul3A_327 = arith.constant 80 : i32
      %mul3A_328 = arith.muli %scan3A_283, %mul3A_327 : i32
      %add3A_329 = arith.constant 64 : i32
      %add3A_330 = arith.addi %mul3A_328, %add3A_329 : i32
      %get3A_331 = arith.index_cast %add3A_330 : i32 to index
      %get3A_332 = tpu.vector_load %arg4[%get3A_331] {strides = array<i32>} : memref<10240xi32, #tpu.memory_space<vmem>>, vector<16xi32>,
      %get3A_333 = vector.shape_cast %get3A_332 : vector<16xi32> to vector<16xi32>
      %swap3A_334 = arith.constant 64 : index
      %swap3A_335 = tpu.vector_load %arg5[%swap3A_334] {strides = array<i32>} : memref<80xi32, #tpu.memory_space<vmem>>, vector<16xi32>,
      %swap3A_336 = vector.shape_cast %swap3A_335 : vector<16xi32> to vector<16xi32>
      %swap3A_337 = vector.shape_cast %get3A_333 : vector<16xi32> to vector<16xi32>
      tpu.vector_store %arg5[%swap3A_334], %swap3A_337 {strides = array<i32>} : memref<80xi32, #tpu.memory_space<vmem>>, vector<16xi32>,
      "tpu.region"() ({
        %run_scoped3A = tpu.sem_alloc : memref<!tpu.dma_semaphore, #tpu.memory_space<semaphore_mem>>
        %dma_start3A = arith.constant 0 : i32
        %dma_start3A_338 = tpu.memref_slice %arg8[%dma_start3A] : memref<10240xf32, #tpu.memory_space<vmem_shared>> -> memref<10240xf32, #tpu.memory_space<vmem_shared>>
        tpu.enqueue_indirect_dma source(%arg6 : memref<80xf32, #tpu.memory_space<vmem>>) target(%dma_start3A_338 : memref<10240xf32, #tpu.memory_space<vmem_shared>>) offsets(%arg5 : memref<80xi32, #tpu.memory_space<vmem>>) semaphore(%run_scoped3A : memref<!tpu.dma_semaphore, #tpu.memory_space<semaphore_mem>>) {add = true}
        %dma_wait3A = arith.constant 0 : i32
        %dma_wait3A_339 = tpu.memref_slice %arg8[%dma_wait3A] : memref<10240xf32, #tpu.memory_space<vmem_shared>> -> memref<10240xf32, #tpu.memory_space<vmem_shared>>
        tpu.wait_indirect_dma semaphore(%run_scoped3A : memref<!tpu.dma_semaphore, #tpu.memory_space<semaphore_mem>>) src(%arg6 : memref<80xf32, #tpu.memory_space<vmem>>) dst(%dma_wait3A_339 : memref<10240xf32, #tpu.memory_space<vmem_shared>>)
        tpu.yield
      }) : () -> ()
    }
    %scan3A_277 = arith.constant 128 : i32
    %barrier3A_278 = arith.constant 0 : index
    tpu.barrier barrier_id(%barrier3A_278)
    %mul3A_279 = arith.constant 640 : i32
    %mul3A_280 = arith.muli %arg1, %mul3A_279 : i32
    %mul3A_281 = arith.constant 640 : i32
    %mul3A_282 = arith.muli %arg1, %mul3A_281 : i32
    "tpu.region"() ({
      %run_scoped3A = tpu.sem_alloc : memref<!tpu.dma_semaphore, #tpu.memory_space<semaphore_mem>>
      %dma_start3A = tpu.memref_slice %arg3[%arg0, %mul3A_282] : memref<2x10240xf32, #tpu.memory_space<hbm>> -> memref<1x640xf32, #tpu.memory_space<hbm>>
      %dma_start3A_283 = tpu.memref_squeeze %dma_start3A : memref<1x640xf32, #tpu.memory_space<hbm>> -> memref<640xf32, #tpu.memory_space<hbm>>
      %dma_start3A_284 = tpu.memref_slice %arg8[%mul3A_280] : memref<10240xf32, #tpu.memory_space<vmem_shared>> -> memref<640xf32, #tpu.memory_space<vmem_shared>>
      tpu.enqueue_dma source(%dma_start3A_284 : memref<640xf32, #tpu.memory_space<vmem_shared>>) target(%dma_start3A_283 : memref<640xf32, #tpu.memory_space<hbm>>) target_semaphore(%run_scoped3A : memref<!tpu.dma_semaphore, #tpu.memory_space<semaphore_mem>>)
      %dma_wait3A = tpu.memref_slice %arg3[%arg0, %mul3A_282] : memref<2x10240xf32, #tpu.memory_space<hbm>> -> memref<1x640xf32, #tpu.memory_space<hbm>>
      %dma_wait3A_285 = tpu.memref_squeeze %dma_wait3A : memref<1x640xf32, #tpu.memory_space<hbm>> -> memref<640xf32, #tpu.memory_space<hbm>>
      %dma_wait3A_286 = tpu.memref_slice %arg8[%mul3A_280] : memref<10240xf32, #tpu.memory_space<vmem_shared>> -> memref<640xf32, #tpu.memory_space<vmem_shared>>
      tpu.wait_dma2 semaphore(%run_scoped3A : memref<!tpu.dma_semaphore, #tpu.memory_space<semaphore_mem>>) src(%dma_wait3A_286 : memref<640xf32, #tpu.memory_space<vmem_shared>>) dst(%dma_wait3A_285 : memref<640xf32, #tpu.memory_space<hbm>>)
      tpu.yield
    }) : () -> ()
    return
  }
}

module attributes {stable_mosaic.version = 14 : i64} {
  func.func @body(%arg0: i32, %arg1: memref<1000x128xf32, #tpu.memory_space<vmem>>, %arg2: memref<1000x2xf32, #tpu.memory_space<vmem>>, %arg3: memref<1000x128xf32, #tpu.memory_space<vmem>>, %arg4: memref<1000x1xf32, #tpu.memory_space<vmem>>) attributes {dimension_semantics = [#tpu.dimension_semantics<arbitrary>], iteration_bounds = array<i64: 10>, scalar_prefetch = 0 : i64, scratch_operands = 0 : i64, tpu.core_type = #tpu.core_type<tc>, window_params = [{transform_indices = @transform_0, window_bounds = array<i64: 1000, 128>}, {transform_indices = @transform_1, window_bounds = array<i64: 1000, 2>}, {transform_indices = @transform_2, window_bounds = array<i64: 1000, 128>}, {transform_indices = @transform_3, window_bounds = array<i64: 1000, 1>}]} {
    %get3A = arith.constant 0 : index
    %get3A_0 = arith.constant 0 : index
    %get3A_1 = vector.load %arg2[%get3A, %get3A_0] : memref<1000x2xf32, #tpu.memory_space<vmem>>, vector<1000x1xf32>
    %get3A_2 = arith.constant 0 : index
    %get3A_3 = arith.constant 1 : index
    %get3A_4 = vector.load %arg2[%get3A_2, %get3A_3] : memref<1000x2xf32, #tpu.memory_space<vmem>>, vector<1000x1xf32>
    %add3A = arith.addf %get3A_1, %get3A_4 : vector<1000x1xf32>
    %add3A_5 = arith.constant 1.000000e+00 : f32
    %add3A_6 = vector.broadcast %add3A_5 : f32 to vector<1000x1xf32>
    %add3A_7 = arith.addf %add3A, %add3A_6 : vector<1000x1xf32>
    %max3A = arith.constant 1.000000e+00 : f32
    %max3A_8 = vector.broadcast %max3A : f32 to vector<1000x1xf32>
    %max3A_9 = arith.maximumf %add3A_7, %max3A_8 : vector<1000x1xf32>
    %rsqrt3A = math.rsqrt %max3A_9 : vector<1000x1xf32>
    %get3A_10 = arith.constant 0 : index
    %get3A_11 = arith.constant 0 : index
    %get3A_12 = vector.load %arg1[%get3A_10, %get3A_11] : memref<1000x128xf32, #tpu.memory_space<vmem>>, vector<1000x128xf32>
    %mul3A = vector.broadcast %rsqrt3A : vector<1000x1xf32> to vector<1000x128xf32>
    %mul3A_13 = arith.mulf %get3A_12, %mul3A : vector<1000x128xf32>
    %swap3A = arith.constant 0 : index
    %swap3A_14 = arith.constant 0 : index
    %swap3A_15 = vector.load %arg3[%swap3A, %swap3A_14] : memref<1000x128xf32, #tpu.memory_space<vmem>>, vector<1000x128xf32>
    tpu.vector_store %arg3[%swap3A, %swap3A_14], %mul3A_13 {strides = array<i32>} : memref<1000x128xf32, #tpu.memory_space<vmem>>, vector<1000x128xf32>,
    %swap3A_16 = arith.constant 0 : index
    %swap3A_17 = arith.constant 0 : index
    %swap3A_18 = vector.load %arg4[%swap3A_16, %swap3A_17] : memref<1000x1xf32, #tpu.memory_space<vmem>>, vector<1000x1xf32>
    tpu.vector_store %arg4[%swap3A_16, %swap3A_17], %rsqrt3A {strides = array<i32>} : memref<1000x1xf32, #tpu.memory_space<vmem>>, vector<1000x1xf32>,
    return
  }
  func.func @transform_0(%arg0: i32) -> (i32, i32) {
    %c0_i32 = arith.constant 0 : i32
    %c0_i32_0 = arith.constant 0 : i32
    return %arg0, %c0_i32 : i32, i32
  }
  func.func @transform_1(%arg0: i32) -> (i32, i32) {
    %c0_i32 = arith.constant 0 : i32
    %c0_i32_0 = arith.constant 0 : i32
    return %arg0, %c0_i32 : i32, i32
  }
  func.func @transform_2(%arg0: i32) -> (i32, i32) {
    %c0_i32 = arith.constant 0 : i32
    %c0_i32_0 = arith.constant 0 : i32
    return %arg0, %c0_i32 : i32, i32
  }
  func.func @transform_3(%arg0: i32) -> (i32, i32) {
    %c0_i32 = arith.constant 0 : i32
    %c0_i32_0 = arith.constant 0 : i32
    return %arg0, %c0_i32 : i32, i32
  }
}

module attributes {stable_mosaic.version = 14 : i64} {
  func.func @body(%arg0: i32, %arg1: memref<2x1000x128xf32, #tpu.memory_space<vmem>>, %arg2: memref<1000x128xf32, #tpu.memory_space<vmem>>, %arg3: memref<1000x1xf32, #tpu.memory_space<vmem>>, %arg4: memref<128x256xf32, #tpu.memory_space<vmem>>, %arg5: memref<1x256xf32, #tpu.memory_space<vmem>>, %arg6: memref<2x1000x128xf32, #tpu.memory_space<vmem>>) attributes {dimension_semantics = [#tpu.dimension_semantics<arbitrary>], iteration_bounds = array<i64: 10>, scalar_prefetch = 0 : i64, scratch_operands = 0 : i64, tpu.core_type = #tpu.core_type<tc>, window_params = [{transform_indices = @transform_0, window_bounds = array<i64: 2, 1000, 128>}, {transform_indices = @transform_1, window_bounds = array<i64: 1000, 128>}, {transform_indices = @transform_2, window_bounds = array<i64: 1000, 1>}, {pipeline_mode = #tpu.pipeline_mode<synchronous>, transform_indices = @transform_3, window_bounds = array<i64: 128, 256>}, {pipeline_mode = #tpu.pipeline_mode<synchronous>, transform_indices = @transform_4, window_bounds = array<i64: 1, 256>}, {transform_indices = @transform_5, window_bounds = array<i64: 2, 1000, 128>}]} {
    %get3A = arith.constant 0 : index
    %get3A_0 = arith.constant 0 : index
    %get3A_1 = arith.constant 0 : index
    %get3A_2 = vector.load %arg1[%get3A, %get3A_0, %get3A_1] : memref<2x1000x128xf32, #tpu.memory_space<vmem>>, vector<1x1000x128xf32>
    %get3A_3 = vector.shape_cast %get3A_2 : vector<1x1000x128xf32> to vector<1000x128xf32>
    %get3A_4 = arith.constant 1 : index
    %get3A_5 = arith.constant 0 : index
    %get3A_6 = arith.constant 0 : index
    %get3A_7 = vector.load %arg1[%get3A_4, %get3A_5, %get3A_6] : memref<2x1000x128xf32, #tpu.memory_space<vmem>>, vector<1x1000x128xf32>
    %get3A_8 = vector.shape_cast %get3A_7 : vector<1x1000x128xf32> to vector<1000x128xf32>
    %add3A = arith.addf %get3A_3, %get3A_8 : vector<1000x128xf32>
    %get3A_9 = arith.constant 0 : index
    %get3A_10 = arith.constant 0 : index
    %get3A_11 = vector.load %arg2[%get3A_9, %get3A_10] : memref<1000x128xf32, #tpu.memory_space<vmem>>, vector<1000x128xf32>
    %sub3A = arith.subf %add3A, %get3A_11 : vector<1000x128xf32>
    %get3A_12 = arith.constant 0 : index
    %get3A_13 = arith.constant 0 : index
    %get3A_14 = vector.load %arg3[%get3A_12, %get3A_13] : memref<1000x1xf32, #tpu.memory_space<vmem>>, vector<1000x1xf32>
    %mul3A = vector.broadcast %get3A_14 : vector<1000x1xf32> to vector<1000x128xf32>
    %mul3A_15 = arith.mulf %sub3A, %mul3A : vector<1000x128xf32>
    %get3A_16 = arith.constant 0 : index
    %get3A_17 = arith.constant 0 : index
    %get3A_18 = vector.load %arg4[%get3A_16, %get3A_17] : memref<128x256xf32, #tpu.memory_space<vmem>>, vector<128x256xf32>
    %dot_general3A = arith.constant dense<0.000000e+00> : vector<1000x256xf32>
    %dot_general3A_19 = tpu.matmul %mul3A_15, %get3A_18, %dot_general3A {dimension_numbers = #tpu.dot_dimension_numbers<[1], [0], [0], [1], [0, 0, 1, 1], [], []>, transpose_lhs_hint = false} : vector<1000x128xf32>, vector<128x256xf32>, vector<1000x256xf32> -> vector<1000x256xf32>
    %get3A_20 = arith.constant 0 : index
    %get3A_21 = arith.constant 0 : index
    %get3A_22 = vector.load %arg5[%get3A_20, %get3A_21] : memref<1x256xf32, #tpu.memory_space<vmem>>, vector<1x256xf32>
    %add3A_23 = vector.broadcast %get3A_22 : vector<1x256xf32> to vector<1000x256xf32>
    %add3A_24 = arith.addf %dot_general3A_19, %add3A_23 : vector<1000x256xf32>
    %max3A = arith.constant 0.000000e+00 : f32
    %max3A_25 = vector.broadcast %max3A : f32 to vector<1000x256xf32>
    %max3A_26 = arith.maximumf %add3A_24, %max3A_25 : vector<1000x256xf32>
    %get3A_27 = arith.constant 0 : index
    %get3A_28 = arith.constant 0 : index
    %get3A_29 = vector.load %arg3[%get3A_27, %get3A_28] : memref<1000x1xf32, #tpu.memory_space<vmem>>, vector<1000x1xf32>
    %mul3A_30 = vector.broadcast %get3A_29 : vector<1000x1xf32> to vector<1000x256xf32>
    %mul3A_31 = arith.mulf %max3A_26, %mul3A_30 : vector<1000x256xf32>
    %slice3A = vector.extract_strided_slice %mul3A_31 {offsets = [0, 0], sizes = [1000, 128], strides = [1, 1]} : vector<1000x256xf32> to vector<1000x128xf32>
    %swap3A = arith.constant 0 : index
    %swap3A_32 = arith.constant 0 : index
    %swap3A_33 = arith.constant 0 : index
    %swap3A_34 = vector.load %arg6[%swap3A, %swap3A_32, %swap3A_33] : memref<2x1000x128xf32, #tpu.memory_space<vmem>>, vector<1x1000x128xf32>
    %swap3A_35 = vector.shape_cast %swap3A_34 : vector<1x1000x128xf32> to vector<1000x128xf32>
    %swap3A_36 = vector.shape_cast %slice3A : vector<1000x128xf32> to vector<1x1000x128xf32>
    tpu.vector_store %arg6[%swap3A, %swap3A_32, %swap3A_33], %swap3A_36 {strides = array<i32>} : memref<2x1000x128xf32, #tpu.memory_space<vmem>>, vector<1x1000x128xf32>,
    %slice3A_37 = vector.extract_strided_slice %mul3A_31 {offsets = [0, 128], sizes = [1000, 128], strides = [1, 1]} : vector<1000x256xf32> to vector<1000x128xf32>
    %swap3A_38 = arith.constant 1 : index
    %swap3A_39 = arith.constant 0 : index
    %swap3A_40 = arith.constant 0 : index
    %swap3A_41 = vector.load %arg6[%swap3A_38, %swap3A_39, %swap3A_40] : memref<2x1000x128xf32, #tpu.memory_space<vmem>>, vector<1x1000x128xf32>
    %swap3A_42 = vector.shape_cast %swap3A_41 : vector<1x1000x128xf32> to vector<1000x128xf32>
    %swap3A_43 = vector.shape_cast %slice3A_37 : vector<1000x128xf32> to vector<1x1000x128xf32>
    tpu.vector_store %arg6[%swap3A_38, %swap3A_39, %swap3A_40], %swap3A_43 {strides = array<i32>} : memref<2x1000x128xf32, #tpu.memory_space<vmem>>, vector<1x1000x128xf32>,
    return
  }
  func.func @transform_0(%arg0: i32) -> (i32, i32, i32) {
    %c0_i32 = arith.constant 0 : i32
    %c0_i32_0 = arith.constant 0 : i32
    %c0_i32_1 = arith.constant 0 : i32
    return %c0_i32, %arg0, %c0_i32_0 : i32, i32, i32
  }
  func.func @transform_1(%arg0: i32) -> (i32, i32) {
    %c0_i32 = arith.constant 0 : i32
    %c0_i32_0 = arith.constant 0 : i32
    return %arg0, %c0_i32 : i32, i32
  }
  func.func @transform_2(%arg0: i32) -> (i32, i32) {
    %c0_i32 = arith.constant 0 : i32
    %c0_i32_0 = arith.constant 0 : i32
    return %arg0, %c0_i32 : i32, i32
  }
  func.func @transform_3(%arg0: i32) -> (i32, i32) {
    %c0_i32 = arith.constant 0 : i32
    %c0_i32_0 = arith.constant 0 : i32
    %c0_i32_1 = arith.constant 0 : i32
    return %c0_i32, %c0_i32_0 : i32, i32
  }
  func.func @transform_4(%arg0: i32) -> (i32, i32) {
    %c0_i32 = arith.constant 0 : i32
    %c0_i32_0 = arith.constant 0 : i32
    %c0_i32_1 = arith.constant 0 : i32
    return %c0_i32, %c0_i32_0 : i32, i32
  }
  func.func @transform_5(%arg0: i32) -> (i32, i32, i32) {
    %c0_i32 = arith.constant 0 : i32
    %c0_i32_0 = arith.constant 0 : i32
    %c0_i32_1 = arith.constant 0 : i32
    return %c0_i32, %arg0, %c0_i32_0 : i32, i32, i32
  }
}

module attributes {stable_mosaic.version = 14 : i64} {
  func.func @body(%arg0: i32, %arg1: memref<2x1000x128xf32, #tpu.memory_space<vmem>>, %arg2: memref<1000x1xf32, #tpu.memory_space<vmem>>, %arg3: memref<256x256xf32, #tpu.memory_space<vmem>>, %arg4: memref<1x256xf32, #tpu.memory_space<vmem>>, %arg5: memref<1000x256xf32, #tpu.memory_space<vmem>>) attributes {dimension_semantics = [#tpu.dimension_semantics<arbitrary>], iteration_bounds = array<i64: 10>, scalar_prefetch = 0 : i64, scratch_operands = 0 : i64, tpu.core_type = #tpu.core_type<tc>, window_params = [{transform_indices = @transform_0, window_bounds = array<i64: 2, 1000, 128>}, {transform_indices = @transform_1, window_bounds = array<i64: 1000, 1>}, {pipeline_mode = #tpu.pipeline_mode<synchronous>, transform_indices = @transform_2, window_bounds = array<i64: 256, 256>}, {pipeline_mode = #tpu.pipeline_mode<synchronous>, transform_indices = @transform_3, window_bounds = array<i64: 1, 256>}, {transform_indices = @transform_4, window_bounds = array<i64: 1000, 256>}]} {
    %get3A = arith.constant 0 : index
    %get3A_0 = arith.constant 0 : index
    %get3A_1 = arith.constant 0 : index
    %get3A_2 = vector.load %arg1[%get3A, %get3A_0, %get3A_1] : memref<2x1000x128xf32, #tpu.memory_space<vmem>>, vector<1x1000x128xf32>
    %get3A_3 = vector.shape_cast %get3A_2 : vector<1x1000x128xf32> to vector<1000x128xf32>
    %get3A_4 = arith.constant 1 : index
    %get3A_5 = arith.constant 0 : index
    %get3A_6 = arith.constant 0 : index
    %get3A_7 = vector.load %arg1[%get3A_4, %get3A_5, %get3A_6] : memref<2x1000x128xf32, #tpu.memory_space<vmem>>, vector<1x1000x128xf32>
    %get3A_8 = vector.shape_cast %get3A_7 : vector<1x1000x128xf32> to vector<1000x128xf32>
    %concatenate3A = tpu.concatenate %get3A_3, %get3A_8 in 1 : vector<1000x128xf32>, vector<1000x128xf32> -> vector<1000x256xf32>
    %get3A_9 = arith.constant 0 : index
    %get3A_10 = arith.constant 0 : index
    %get3A_11 = vector.load %arg2[%get3A_9, %get3A_10] : memref<1000x1xf32, #tpu.memory_space<vmem>>, vector<1000x1xf32>
    %mul3A = vector.broadcast %get3A_11 : vector<1000x1xf32> to vector<1000x256xf32>
    %mul3A_12 = arith.mulf %concatenate3A, %mul3A : vector<1000x256xf32>
    %get3A_13 = arith.constant 0 : index
    %get3A_14 = arith.constant 0 : index
    %get3A_15 = vector.load %arg3[%get3A_13, %get3A_14] : memref<256x256xf32, #tpu.memory_space<vmem>>, vector<256x256xf32>
    %dot_general3A = arith.constant dense<0.000000e+00> : vector<1000x256xf32>
    %dot_general3A_16 = tpu.matmul %mul3A_12, %get3A_15, %dot_general3A {dimension_numbers = #tpu.dot_dimension_numbers<[1], [0], [0], [1], [0, 0, 1, 1], [], []>, transpose_lhs_hint = false} : vector<1000x256xf32>, vector<256x256xf32>, vector<1000x256xf32> -> vector<1000x256xf32>
    %get3A_17 = arith.constant 0 : index
    %get3A_18 = arith.constant 0 : index
    %get3A_19 = vector.load %arg4[%get3A_17, %get3A_18] : memref<1x256xf32, #tpu.memory_space<vmem>>, vector<1x256xf32>
    %add3A = vector.broadcast %get3A_19 : vector<1x256xf32> to vector<1000x256xf32>
    %add3A_20 = arith.addf %dot_general3A_16, %add3A : vector<1000x256xf32>
    %max3A = arith.constant 0.000000e+00 : f32
    %max3A_21 = vector.broadcast %max3A : f32 to vector<1000x256xf32>
    %max3A_22 = arith.maximumf %add3A_20, %max3A_21 : vector<1000x256xf32>
    %swap3A = arith.constant 0 : index
    %swap3A_23 = arith.constant 0 : index
    %swap3A_24 = vector.load %arg5[%swap3A, %swap3A_23] : memref<1000x256xf32, #tpu.memory_space<vmem>>, vector<1000x256xf32>
    tpu.vector_store %arg5[%swap3A, %swap3A_23], %max3A_22 {strides = array<i32>} : memref<1000x256xf32, #tpu.memory_space<vmem>>, vector<1000x256xf32>,
    return
  }
  func.func @transform_0(%arg0: i32) -> (i32, i32, i32) {
    %c0_i32 = arith.constant 0 : i32
    %c0_i32_0 = arith.constant 0 : i32
    %c0_i32_1 = arith.constant 0 : i32
    return %c0_i32, %arg0, %c0_i32_0 : i32, i32, i32
  }
  func.func @transform_1(%arg0: i32) -> (i32, i32) {
    %c0_i32 = arith.constant 0 : i32
    %c0_i32_0 = arith.constant 0 : i32
    return %arg0, %c0_i32 : i32, i32
  }
  func.func @transform_2(%arg0: i32) -> (i32, i32) {
    %c0_i32 = arith.constant 0 : i32
    %c0_i32_0 = arith.constant 0 : i32
    %c0_i32_1 = arith.constant 0 : i32
    return %c0_i32, %c0_i32_0 : i32, i32
  }
  func.func @transform_3(%arg0: i32) -> (i32, i32) {
    %c0_i32 = arith.constant 0 : i32
    %c0_i32_0 = arith.constant 0 : i32
    %c0_i32_1 = arith.constant 0 : i32
    return %c0_i32, %c0_i32_0 : i32, i32
  }
  func.func @transform_4(%arg0: i32) -> (i32, i32) {
    %c0_i32 = arith.constant 0 : i32
    %c0_i32_0 = arith.constant 0 : i32
    return %arg0, %c0_i32 : i32, i32
  }
}

</mosaic_0001>

<sc_bundles>
// kernel: kernel.11.cloned.1.call-start
scs
__scs_entry_jumppad:
0x0: {  	(pc) =	sbr.rel $0x88, $3  }
0x1: {  	(tag) =	ssettag $0x0;
	lr =	simm.s32 $0x1  }
0x2: {  	[smem:$0x3F9B] =	sst lr;
	_ =	strace $0xD0000000  }
0x3: {  	_ = 	snop  }
0x4: {  	_ = 	snop  }
0x5: {  	_ = 	snop  }
0x6: {  	_ = 	snop  }
0x7: {  	_ = 	snop  }
__scs_overlays_trampoline_lowered:
0x8: {  	[smem:$0x3FAA] =	sst s0  }
0x9: {  	[smem:$0x3FAB] =	sst s1  }
0xa: {  	[smem:$0x3FAC] =	sst s2  }
0xb: {  	[smem:$0x3FAD] =	sst s3  }
0xc: {  	[smem:$0x3FAE] =	sst s4  }
0xd: {  	[smem:$0x3FAF] =	sst s5  }
0xe: {  	[smem:$0x3FB0] =	sst s6  }
0xf: {  	[smem:$0x3FB1] =	sst s7  }
0x10: {  	[smem:$0x3FB2] =	sst s8  }
0x11: {  	[smem:$0x3FB3] =	sst s9;
	s0 =	simm.s32 @!p0 $0x0  }
0x12: {  	s1 =	sld [smem:$0x3F99];
	s0 =	simm.s32 @p0 $0x1  }
0x13: {  	[smem:$0x3FB4] =	sst s0;
	s0 =	simm.s32 @!p1 $0x0  }
0x14: {  	s2 =	sld [smem:$0x3F98];
	s0 =	simm.s32 @p1 $0x1  }
0x15: {  	[smem:$0x3FB5] =	sst s0;
	s0 =	simm.s32 @!p2 $0x0  }
0x16: {  	s3 =	sld [smem:$0x3FDB];
	s0 =	simm.s32 @p2 $0x1  }
0x17: {  	s4 =	simm.s32 $0x1BF5;
	[smem:$0x3FB7] =	sst s0  }
0x18: {  	s0 =	sld [smem:$0x3F9A];
	_ =	swait.ge [sflag:s4], $0x0  }
0x19: {  	s7 =	sld [smem:$0x3F9B]  }
0x1a: {  	s8 =	sadd.s32 $0xFFFFE003, lr  }
0x1b: {  	s9 =	sadd.s32 $0xFFFFFEF7, lr;
	s5 =	simm.s32 $0xFFFFFFFF;
	p2 =	slt.u32 s8, $0xFFFFF086  }
0x1c: {  	p1 =	slt.u32 s9, $0xF7A;
	s5 =	simm.s32 @!p2 $0x0  }
0x1d: {  	s5 =	simm.s32 @p1 $0x1;
	p0 =	seq.s32 s7, s2  }
0x1e: {  	s7 =	smul.u32 @!p0 $0xF7A, s2;
	p2 =	seq.s32 @!p0 s5, $0x0  }
0x1f: {  	s9 =	smul.u32 $0xF7A, s1;
	s8 =	simm.s32 @!p0 $0x1BF5;
	p2 =	por !p2, p0  }
0x20: {  	[sflag:s8] =	ssyncset.s32 @!p0 $0xFFFFF086;
	s6 =	sadd.s32 @!p0 s3, s7;
	s7 =	simm.s32 @!p0 $0x108  }
0x21: {  	s3 =	sadd.s32 s3, s9;
	s6 =	sadd.s32 @!p0 $0x88, s6;
	s7 =	simm.s32 @p2 $0x1082  }
0x22: {  	[simem:s7], [sflag:s8] =	dma.local @!p0 [hbm:s6], $0xF7A  }
0x23: {  	s9 =	sor.u32 $0xD0000000, s2;
	s6 =	simm.s32 $0x108;
	_ =	swait.ge @!p0 [sflag:s8], $0x0  }
0x24: {  	s3 =	sadd.s32 $0x88, s3;
	s6 =	simm.s32 @!p1 $0x1082;
	[sflag:s4] =	ssyncset.s32 $0xFFFFF086  }
0x25: {  	[simem:s6], [sflag:s4] =	dma.local [hbm:s3], $0xF7A  }
0x26: {  	[smem:$0x3F9B] =	sst s1;
	(tag) =	ssettag s2;
	_ =	strace s9  }
0x27: {  	s1 =	sld [smem:$0x3FAB]  }
0x28: {  	s2 =	sld [smem:$0x3FAC]  }
0x29: {  	s4 =	sld [smem:$0x3FAE]  }
0x2a: {  	p0 =	seq.s32 s5, $0x0;
	s5 =	sld [smem:$0x3FAF]  }
0x2b: {  	s6 =	sld [smem:$0x3FB0]  }
0x2c: {  	s7 =	sld [smem:$0x3FB1]  }
0x2d: {  	s3 =	simm.s32 $0x108;
	s8 =	sld [smem:$0x3FB2]  }
0x2e: {  	s3 =	simm.s32 @!p0 $0x1082;
	s9 =	sld [smem:$0x3FB3]  }
0x2f: {  	lr =	sadd.s32 s0, s3;
	s0 =	sld [smem:$0x3FAA]  }
0x30: {  	s3 =	sld [smem:$0x3FAD]  }
0x31: {  	[smem:$0x3FB6] =	sst s10  }
0x32: {  	s10 =	sld [smem:$0x3FB4];
	_ =	sdelay $0x3  }
0x33: {  	p0 =	seq.s32 s10, $0x1;
	s10 =	sld [smem:$0x3FB6];
	_ =	sdelay $0x3  }
0x34: {  	[smem:$0x3FB6] =	sst s10  }
0x35: {  	s10 =	sld [smem:$0x3FB5];
	_ =	sdelay $0x3  }
0x36: {  	p1 =	seq.s32 s10, $0x1;
	s10 =	sld [smem:$0x3FB6];
	_ =	sdelay $0x3  }
0x37: {  	[smem:$0x3FB6] =	sst s10  }
0x38: {  	s10 =	sld [smem:$0x3FB7]  }
0x39: {  	_ = 	snop;
	(pc) =	sbr.ind lr, $3  }
0x3a: {  	_ = 	snop  }
0x3b: {  	_ = 	snop  }
0x3c: {  	p2 =	seq.s32 s10, $0x1;
	s10 =	sld [smem:$0x3FB6]  }
0x3d: {  	_ =	shalt  }
0x3e: {  	_ =	shalt  }
0x3f: {  	_ =	shalt  }
0x40: {  	_ =	shalt  }
0x41: {  	_ =	shalt  }
0x42: {  	_ =	shalt  }
0x43: {  	_ =	shalt  }
0x44: {  	_ =	shalt  }
0x45: {  	_ =	shalt  }
0x46: {  	_ =	shalt  }
0x47: {  	_ =	shalt  }
0x48: {  	_ =	shalt  }
0x49: {  	_ =	shalt  }
0x4a: {  	_ =	shalt  }
0x4b: {  	_ =	shalt  }
0x4c: {  	_ =	shalt  }
0x4d: {  	_ =	shalt  }
0x4e: {  	_ =	shalt  }
0x4f: {  	_ =	shalt  }
0x50: {  	_ =	shalt  }
0x51: {  	_ =	shalt  }
0x52: {  	_ =	shalt  }
0x53: {  	_ =	shalt  }
0x54: {  	_ =	shalt  }
0x55: {  	_ =	shalt  }
0x56: {  	_ =	shalt  }
0x57: {  	_ =	shalt  }
0x58: {  	_ =	shalt  }
0x59: {  	_ =	shalt  }
0x5a: {  	_ =	shalt  }
0x5b: {  	_ =	shalt  }
0x5c: {  	_ =	shalt  }
0x5d: {  	_ =	shalt  }
0x5e: {  	_ =	shalt  }
0x5f: {  	_ =	shalt  }
0x60: {  	_ =	shalt  }
0x61: {  	_ =	shalt  }
0x62: {  	_ =	shalt  }
0x63: {  	_ =	shalt  }
0x64: {  	_ =	shalt  }
0x65: {  	_ =	shalt  }
0x66: {  	_ =	shalt  }
0x67: {  	_ =	shalt  }
0x68: {  	_ =	shalt  }
0x69: {  	_ =	shalt  }
0x6a: {  	_ =	shalt  }
0x6b: {  	_ =	shalt  }
0x6c: {  	_ =	shalt  }
0x6d: {  	_ =	shalt  }
0x6e: {  	_ =	shalt  }
0x6f: {  	_ =	shalt  }
0x70: {  	_ =	shalt  }
0x71: {  	_ =	shalt  }
0x72: {  	_ =	shalt  }
0x73: {  	_ =	shalt  }
0x74: {  	_ =	shalt  }
0x75: {  	_ =	shalt  }
0x76: {  	_ =	shalt  }
0x77: {  	_ =	shalt  }
0x78: {  	_ =	shalt  }
0x79: {  	_ =	shalt  }
0x7a: {  	_ =	shalt  }
0x7b: {  	_ =	shalt  }
0x7c: {  	_ =	shalt  }
0x7d: {  	_ =	shalt  }
0x7e: {  	_ =	shalt  }
0x7f: {  	_ =	shalt  }
0x80: {  	_ =	shalt  }
0x81: {  	_ =	shalt  }
0x82: {  	_ =	shalt  }
0x83: {  	_ =	shalt  }
0x84: {  	_ =	shalt  }
0x85: {  	_ =	shalt  }
0x86: {  	_ =	shalt  }
0x87: {  	_ =	shalt  }
.Lfunc_end0:
.L_simem_size_0:
called_computation.1_lowered:
.L_overlay_start_0:
0x88: {  	s2 =	sld [smem:$0x3FD9]  }
0x89: {  	s3 =	sld [smem:$0x3FFE];
	_ =	sdelay $0x1  }
0x8a: {  	s1 =	srdreg.scid  }
0x8b: {  	s0 =	sand.u32 $0x1, s1  }
0x8c: {  	s17 =	sshll.u32 s0, $0xA;
	s2 =	sadd.s32 s3, s2  }
0x8d: {  	s2 =	sadd.s32 s2, s17  }
0x8e: {  	[smem:$0x3FC2] =	sst s2  }
0x8f: {  	_ = 	snop  }
0x90: {  	s2 =	sld [smem:$0x3FD0];
	(tm) =	ssettm $0x1  }
0x91: {  	s18 =	sld [smem:$0x3FFB];
	_ =	sdelay $0x3  }
0x92: {  	_ =	strace s18  }
0x93: {  	s3 =	sld [smem:$0x3FFC];
	_ =	sdelay $0x3  }
0x94: {  	_ =	strace s3  }
0x95: {  	s3 =	sld [smem:$0x3FFD];
	_ =	sdelay $0x3  }
0x96: {  	_ =	strace s3  }
0x97: {  	_ =	strace $0x8FFFFFFF  }
0x98: {  	s19 =	sld [smem:$0x3FDB];
	_ =	sdelay $0x1  }
0x99: {  	s4 =	simm.s32 $_scs_section_size  }
0x9a: {  	s5 =	simm.s32 $_size__tile_overlayer_lowered;
	s6 =	simm.s32 $_tile_overlayer_lowered  }
0x9b: {  	s22 =	simm.s32 $0x1BFF;
	s21 =	sshll.u32 s6, $0x1;
	s3 =	sadd.s32 s4, s19  }
0x9c: {  	s7 =	simm.s32 $0x0;
	s20 =	sshll.u32 s5, $0x1;
	s5 =	sadd.s32 s21, s3  }
0x9d: {  	[timem:s7], [sflag:s22] =	dma.local [hbm:s5], s20  }
0x9e: {  	_ =	swait.ge [sflag:s22], s20  }
0x9f: {  	s4 =	ssub.s32 $0x0, s20;
	[sflag:s22] =	ssyncset.done $0x0  }
0xa0: {  	[sflag:s22] =	ssyncadd.s32 s4;
	_ =	sdelay $0x1  }
0xa1: {  	s23 =	simm.s32 $0x1B8B  }
0xa2: {  	_ =	swait.ge [sflag:s23], $0x1  }
0xa3: {  	[sflag:s23] =	ssyncset.done $0x0  }
0xa4: {  	s25 =	simm.s32 $0x1B8E;
	s24 =	sld [smem:$0x3FFE];
	[sflag:s23] =	ssyncadd.s32 $0xFFFFFFFF  }
0xa5: {  	s26 =	simm.s32 $execute0_lowered;
	[smem:$0x3FD2] =	sst s25  }
0xa6: {  	s5 =	sshll.u32 s26, $0x1;
	_ =	strace $0x80000049;
	[dreg:$0x1] =	wrdreg $0xFFFFFFFF  }
0xa7: {  	s28 =	simm.s32 $_size_execute0_lowered;
	s3 =	sadd.s32 s3, s5;
	[dreg:$0x0] =	wrdreg $0x0  }
0xa8: {  	s5 =	sshll.u32 s28, $0x1;
	[dreg:$0x2] =	wrdreg s3  }
0xa9: {  	[dreg:$0x3] =	wrdreg s5  }
0xaa: {  	[dreg:$0x4] =	wrdreg $0xC0  }
0xab: {  	_ =	task [dreg:s7], $0x5FFFF  }
0xac: {  	[dreg:$0x1] =	wrdreg $0xFFFFFFFF  }
0xad: {  	[dreg:$0x0] =	wrdreg $0x60  }
0xae: {  	[dreg:$0x2] =	wrdreg s2  }
0xaf: {  	[dreg:$0x3] =	wrdreg s24  }
0xb0: {  	[dreg:$0x4] =	wrdreg $0x66000  }
0xb1: {  	[dreg:$0x5] =	wrdreg $0x9  }
0xb2: {  	_ =	task.clear_ibuf [dreg:s7], $0x6FFFF;
	_ =	strace $0x90000049  }
0xb3: {  	s29 =	simm.s32 $0x9;
	_ =	strace $0x8000004B  }
0xb4: {  	_ =	swait.ge [sflag:s29], $0x1  }
0xb5: {  	[sflag:s29] =	ssyncadd.s32 $0xFFFFFFFF  }
0xb6: {  	_ =	strace $0x9000004B  }
0xb7: {  	_ =	sfence  }
0xb8: {  	s30 =	sld [smem:$0x0];
	_ =	sdelay $0x2  }
0xb9: {  	s31 =	sshll.u32 s1, $0xD;
	s1 =	sshrl.u32 s1, $0x2  }
0xba: {  	s3 =	sand.u32 $0x4000, s31;
	s1 =	sadd.s32 s1, s30  }
0xbb: {  	s0 =	sor.u32 s3, s0;
	s1 =	sshll.u32 s1, $0x11  }
0xbc: {  	s0 =	sor.u32 s1, s0  }
0xbd: {  	s0 =	sadd.s32 $0x8F2B, s0  }
0xbe: {  	[sflag:s0] =	ssyncadd.remote.s32 $0x1  }
0xbf: {  	_ =	sfence.sel $0xFFFF  }
0xc0: {  	[dreg:$0x0] =	wrdreg $0xFFFFFFFF;
	(pc) =	sbr.abs _section_cstart, $3  }
0xc1: {  	[dreg:$0x1] =	wrdreg $0xFFFFFFFF  }
0xc2: {  	_ =	task.clear_ibuf [dreg:s7], $0x2FFFF;
	_ =	strace $0x9FFFFFFF  }
0xc3: {  	(tm) =	ssettm $0x7FFFFFFF  }
tec
execute0_lowered:
.L_overlay_start_1:
0x0: {  	(tag) =	ssettag $0x1  }
0x1: {  	s0 =	rddreg [dreg:$0x0]  }
0x2: {  	s7 =	rddreg [dreg:$0x1];
	s1 =	srdreg.scid  }
0x3: {  	s3 =	rddreg [dreg:$0x2];
	s2 =	stileid.u32;
	s4 =	simm.s32 $0x0  }
0x4: {  	s18 =	simm.s32 $0x3;
	s19 =	simm.s32 $0xA00;
	s20 =	simm.s32 $0x50  }
0x5: {  	s21 =	simm.s32 $0x1;
	s22 =	simm.s32 $0x2;
	s6 =	smul.u32 $0x14000, s2  }
0x6: {  	s23 =	simm.s32 $0x0;
	s8 =	sand.u32 $0x1, s1;
	s31 =	smul.u32 $0x50000, s2  }
0x7: {  	[smem:$0x7FF] =	sst s4;
	s10 =	smul.u32 $0x2800, s2;
	s15 =	sadd.s32 $0x12C000, s3  }
0x8: {  	p0 =	seq.s32 s2, $0xF;
	s5 =	smul.u32 $0x140000, s8;
	_ =	strace $0x8000004A  }
0x9: {  	s30 =	sshll.u32 s8, $0x4;
	s8 =	ssub.s32 $0x2, s8;
	s16 =	sshll.u32 @!p0 s2, $0x6  }
0xa: {  	s15 =	sshrl.u32 @p0 s15, $0x3;
	s11 =	sshrl.u32 s8, $0x1;
	s9 =	sadd.s32 s6, s5  }
0xb: {  	s16 =	sor.u32 @!p0 $0x1C03, s16;
	s5 =	sadd.s32 $0xCA00, s7;
	s9 =	sshrl.u32 s9, $0x3  }
0xc: {  	s6 =	sadd.s32 $0x2A00, s7;
	s13 =	sadd.s32 s9, s7;
	s7 =	sor.u32 s2, s30  }
0xd: {  	s14 =	ssub.s32 s8, s11;
	s9 =	sshrl.u32 s31, $0x2;
	s7 =	smul.u32 $0x2800, s7  }
0xe: {  	s14 =	smax.u32 s14, $0x1;
	s8 =	sadd.s32 s9, s3;
	s9 =	sadd.s32 s0, s10  }
0xf: {  	s10 =	sadd.s32 $0x25800, s0;
	s13 =	sadd.s32 $0x16A00, s13;
	s12 =	sshrl.u32 s7, $0x3  }
0x10: {  	s17 =	sshrl.u32 @!p0 s8, $0x3;
	s11 =	sadd.s32 s5, s12;
	s12 =	sadd.s32 s6, s12  }
.LBB2_1:
0x11: {  	s24 =	simm.s32 @p0 $0x1FC3  }
0x12: {  	[spmem:s15], [sflag:s24] =	dma.local @p0 [hbm:s10], $0x1900  }
0x13: {  	s24 =	simm.s32 @p0 $0x3  }
0x14: {  	_ =	swait.ge @p0 [sflag:s24], $0x1900  }
0x15: {  	[sflag:s24] =	ssyncset.done @p0 $0x0  }
0x16: {  	[sflag:s24] =	ssyncadd.s32 @p0 $0xFFFFE700;
	s24 =	simm.s32 @!p0 $0x3  }
0x17: {  	[spmem:s17], [sflag:s16] =	dma.local @!p0 [hbm:s9], $0x2800  }
0x18: {  	_ =	swait.ge @!p0 [sflag:s24], $0x2800  }
0x19: {  	[sflag:s24] =	ssyncset.done @!p0 $0x0  }
0x1a: {  	p1 =	por $0x1, $0x1;
	[sflag:s24] =	ssyncadd.s32 @!p0 $0xFFFFD800;
	s24 =	sand.u32 $0x1F, s4  }
0x1b: {  	[tilespmem:s4], [sflag:$0x3] =	stream.linear.gather [hbm4b:s11+s4], $0xA00, $0x38;
	[tilespmem:$0x1A600] =	vst v63  }
0x1c: {  	p2 =	sne.s32 @!p1 s24, $0x0  }
0x1d: {  	_ =	swait.ge [sflag:s18], $0xA00;
	p1 =	por p2, p1  }
0x1e: {  	[sflag:s18] =	ssyncset.done $0x0;
	s25 =	simm.s32 @!p1 $0x0  }
0x1f: {  	[sflag:s18] =	ssyncadd.s32 $0xFFFFF600;
	s25 =	smul.u32 @!p1 $0xA00, s25  }
0x20: {  	[tilespmem:s19], [sflag:$0x3] =	stream.linear.gather [hbm4b:s12+s4], $0xA00, $0x38;
	[tilespmem:$0x1A600] =	vst v63  }
0x21: {  	_ =	swait.ge [sflag:s18], $0xA00  }
0x22: {  	s25 =	sadd.s32 @!p1 s7, s25;
	[sflag:s18] =	ssyncset.done $0x0  }
0x23: {  	s26 =	simm.s32 @!p1 $0x3;
	s25 =	sshrl.u32 @!p1 s25, $0x3;
	[sflag:s18] =	ssyncadd.s32 $0xFFFFF600  }
0x24: {  	s29 =	simm.s32 @!p1 $0x0;
	s28 =	sadd.s32 @!p1 s5, s25;
	[bflag:$0x0] =	sbarrier.arrive $0xFFFF  }
0x25: {  	[tilespmem:s29], [sflag:$0x3] =	stream.linear.gather @!p1 [hbm4b:s28+s29], $0xA00, $0x38;
	[tilespmem:$0x1A600] =	vst v63  }
0x26: {  	_ =	swait.ge @!p1 [sflag:s26], $0xA00  }
0x27: {  	[sflag:s26] =	ssyncset.done @!p1 $0x0  }
0x28: {  	s25 =	sadd.s32 @!p1 s6, s25;
	s28 =	simm.s32 @!p1 $0xA00;
	[sflag:s26] =	ssyncadd.s32 @!p1 $0xFFFFF600  }
0x29: {  	[tilespmem:s28], [sflag:$0x3] =	stream.linear.gather @!p1 [hbm4b:s25+s29], $0xA00, $0x38;
	[tilespmem:$0x1A600] =	vst v63  }
0x2a: {  	_ =	swait.ge @!p1 [sflag:s26], $0xA00  }
0x2b: {  	p2 =	por $0x1, $0x1;
	[sflag:s26] =	ssyncset.done @!p1 $0x0  }
0x2c: {  	s25 =	simm.s32 @!p2 $0x2;
	[sflag:s26] =	ssyncadd.s32 @!p1 $0xFFFFF600  }
0x2d: {  	_ =	swait.ge @!p2 [sflag:s25], $0x2800  }
0x2e: {  	s24 =	smul.u32 $0x50, s24;
	[sflag:s25] =	ssyncset.done @!p2 $0x0  }
0x2f: {  	[sflag:s25] =	ssyncadd.s32 @!p2 $0xFFFFD800  }
0x30: {  	v0 =	vld [tilespmem:s24+$0x0];
	_ =	sdelay $0x2  }
0x31: {  	s30 =	sand.u32 $0x1, s4  }
0x32: {  	s1 =	sshll.u32 s30, $0x7  }
0x33: {  	[tilespmem:s1+$0x1400] =	vst v0  }
0x34: {  	v0 =	vld [tilespmem:s24+$0xA00];
	_ =	sdelay $0x4  }
0x35: {  	[tilespmem:s1+$0x1500] =	vst v0  }
0x36: {  	v0 =	vld [tilespmem:s24+$0x10];
	_ =	sdelay $0x4  }
0x37: {  	[tilespmem:s1+$0x1410] =	vst v0  }
0x38: {  	v0 =	vld [tilespmem:s24+$0xA10];
	_ =	sdelay $0x4  }
0x39: {  	[tilespmem:s1+$0x1510] =	vst v0  }
0x3a: {  	v0 =	vld [tilespmem:s24+$0x20];
	_ =	sdelay $0x4  }
0x3b: {  	[tilespmem:s1+$0x1420] =	vst v0  }
0x3c: {  	v0 =	vld [tilespmem:s24+$0xA20];
	_ =	sdelay $0x4  }
0x3d: {  	[tilespmem:s1+$0x1520] =	vst v0  }
0x3e: {  	v0 =	vld [tilespmem:s24+$0x30];
	_ =	sdelay $0x4  }
0x3f: {  	[tilespmem:s1+$0x1430] =	vst v0  }
0x40: {  	v0 =	vld [tilespmem:s24+$0xA30];
	_ =	sdelay $0x4  }
0x41: {  	[tilespmem:s1+$0x1530] =	vst v0  }
0x42: {  	v0 =	vld [tilespmem:s24+$0x40];
	_ =	sdelay $0x4  }
0x43: {  	[tilespmem:s1+$0x1440] =	vst v0  }
0x44: {  	v0 =	vld [tilespmem:s24+$0xA40];
	_ =	sdelay $0x1  }
0x45: {  	s25 =	smul.u32 $0xA000, s30;
	s24 =	simm.s32 $0x1  }
0x46: {  	p1 =	por $0x0, $0x0;
	s28 =	sand.u32 $0x1F, s24  }
0x47: {  	s25 =	sshrl.u32 s25, $0x2;
	p2 =	sne.s32 @!p1 s28, $0x0  }
0x48: {  	s30 =	sor.u32 $0x1400, s1;
	s29 =	sadd.s32 $0x1600, s25;
	p2 =	por p2, p1;
	[tilespmem:s1+$0x1540] =	vst v0  }
0x49: {  	[tilespmem:s29], [sflag:$0x1] =	stream.indirect.gather [hbm4b:s0+s20], $0x80, s30, s20, $0xb8;
	[tilespmem:$0x1A600] =	vst v63  }
0x4a: {  	s30 =	simm.s32 @!p2 $0x0  }
0x4b: {  	s31 =	smul.u32 @!p2 $0xA00, s30  }
0x4c: {  	s26 =	sor.u32 $0x1500, s1;
	s25 =	simm.s32 $0x2;
	_ =	swait.ge [sflag:s21], $0x2800  }
.LBB2_2:
0x4d: {  	s30 =	sadd.s32 @!p2 s7, s31  }
0x4e: {  	[sflag:s21] =	ssyncset.done $0x0;
	s31 =	smov.u32 s25;
	s25 =	sadd.s32 $0x1, s25  }
0x4f: {  	s1 =	simm.s32 @!p2 $0x3;
	s30 =	sshrl.u32 @!p2 s30, $0x3;
	[sflag:s21] =	ssyncadd.s32 $0xFFFFD800  }
0x50: {  	[spmem:s3] =	stream.indirect.scatter.add.f32 [tilespmem:s29], [sflag:$0x2], $0x80, s26, s20, $0xb8;
	[tilespmem:$0x1A600] =	vst v63  }
0x51: {  	s26 =	sadd.s32 @!p2 s5, s30;
	s29 =	simm.s32 @!p2 $0x0;
	s30 =	sadd.s32 @!p2 s6, s30  }
0x52: {  	[tilespmem:s29], [sflag:$0x3] =	stream.linear.gather @!p2 [hbm4b:s26+s29], $0xA00, $0x38;
	[tilespmem:$0x1A600] =	vst v63  }
0x53: {  	p1 =	sne.s32 s25, $0x80;
	_ =	swait.ge @!p2 [sflag:s1], $0xA00  }
0x54: {  	[sflag:s1] =	ssyncset.done @!p2 $0x0  }
0x55: {  	s26 =	simm.s32 @!p2 $0xA00;
	[sflag:s1] =	ssyncadd.s32 @!p2 $0xFFFFF600  }
0x56: {  	[tilespmem:s26], [sflag:$0x3] =	stream.linear.gather @!p2 [hbm4b:s30+s29], $0xA00, $0x38;
	[tilespmem:$0x1A600] =	vst v63  }
0x57: {  	_ =	swait.ge @!p2 [sflag:s1], $0xA00  }
0x58: {  	p3 =	slt.u32 s24, $0x2;
	[sflag:s1] =	ssyncset.done @!p2 $0x0  }
0x59: {  	[sflag:s1] =	ssyncadd.s32 @!p2 $0xFFFFF600;
	s1 =	simm.s32 @!p3 $0x2  }
0x5a: {  	_ =	swait.ge @!p3 [sflag:s1], $0x2800  }
0x5b: {  	s28 =	smul.u32 $0x50, s28;
	[sflag:s1] =	ssyncset.done @!p3 $0x0  }
0x5c: {  	[sflag:s1] =	ssyncadd.s32 @!p3 $0xFFFFD800  }
0x5d: {  	v0 =	vld [tilespmem:s28+$0x0];
	_ =	sdelay $0x2  }
0x5e: {  	s1 =	sand.u32 $0x1, s24;
	s24 =	smov.u32 s31  }
0x5f: {  	s29 =	sshll.u32 s1, $0x7;
	s1 =	smul.u32 $0xA000, s1  }
0x60: {  	s26 =	sor.u32 $0x1500, s29;
	[tilespmem:s29+$0x1400] =	vst v0  }
0x61: {  	s30 =	sshrl.u32 s1, $0x2;
	v0 =	vld [tilespmem:s28+$0xA00];
	_ =	sdelay $0x4  }
0x62: {  	[tilespmem:s29+$0x1500] =	vst v0  }
0x63: {  	v0 =	vld [tilespmem:s28+$0x10];
	_ =	sdelay $0x4  }
0x64: {  	[tilespmem:s29+$0x1410] =	vst v0  }
0x65: {  	v0 =	vld [tilespmem:s28+$0xA10];
	_ =	sdelay $0x4  }
0x66: {  	[tilespmem:s29+$0x1510] =	vst v0  }
0x67: {  	v0 =	vld [tilespmem:s28+$0x20];
	_ =	sdelay $0x4  }
0x68: {  	[tilespmem:s29+$0x1420] =	vst v0  }
0x69: {  	v0 =	vld [tilespmem:s28+$0xA20];
	_ =	sdelay $0x4  }
0x6a: {  	[tilespmem:s29+$0x1520] =	vst v0  }
0x6b: {  	v0 =	vld [tilespmem:s28+$0x30];
	_ =	sdelay $0x4  }
0x6c: {  	[tilespmem:s29+$0x1430] =	vst v0  }
0x6d: {  	v0 =	vld [tilespmem:s28+$0xA30];
	_ =	sdelay $0x4  }
0x6e: {  	[tilespmem:s29+$0x1530] =	vst v0  }
0x6f: {  	v0 =	vld [tilespmem:s28+$0x40];
	_ =	sdelay $0x4  }
0x70: {  	[tilespmem:s29+$0x1440] =	vst v0  }
0x71: {  	v0 =	vld [tilespmem:s28+$0xA40]  }
0x72: {  	p2 =	seq.s32 s24, $0x0;
	s28 =	sand.u32 $0x1F, s24  }
0x73: {  	p3 =	sne.s32 @!p2 s28, $0x0  }
.Ltmp0:
0x74: {  	p2 =	por p3, p2;
	(pc) =	sbr.rel @p1 .LBB2_2-.Ltmp0, $4  }
0x75: {  	s1 =	sshrl.u32 @!p2 s24, $0x5  }
0x76: {  	s31 =	smul.u32 @!p2 $0xA00, s1;
	s1 =	sor.u32 $0x1400, s29;
	[tilespmem:s29+$0x1540] =	vst v0;
	s29 =	sadd.s32 $0x1600, s30  }
0x77: {  	[tilespmem:s29], [sflag:$0x1] =	stream.indirect.gather [hbm4b:s0+s20], $0x80, s1, s20, $0xb8;
	[tilespmem:$0x1A600] =	vst v63  }
0x78: {  	_ =	swait.ge [sflag:s21], $0x2800  }
0x79: {  	s1 =	sadd.s32 @!p2 s7, s31;
	[sflag:s21] =	ssyncset.done $0x0  }
0x7a: {  	s1 =	sshrl.u32 @!p2 s1, $0x3;
	[sflag:s21] =	ssyncadd.s32 $0xFFFFD800  }
0x7b: {  	[spmem:s3] =	stream.indirect.scatter.add.f32 [tilespmem:s29], [sflag:$0x2], $0x80, s26, s20, $0xb8;
	[tilespmem:$0x1A600] =	vst v63  }
0x7c: {  	s25 =	simm.s32 @!p2 $0x3;
	s26 =	sadd.s32 @!p2 s5, s1;
	s29 =	simm.s32 @!p2 $0x0  }
0x7d: {  	[tilespmem:s29], [sflag:$0x3] =	stream.linear.gather @!p2 [hbm4b:s26+s29], $0xA00, $0x38;
	[tilespmem:$0x1A600] =	vst v63  }
0x7e: {  	_ =	swait.ge @!p2 [sflag:s25], $0xA00  }
0x7f: {  	[sflag:s25] =	ssyncset.done @!p2 $0x0  }
0x80: {  	s1 =	sadd.s32 @!p2 s6, s1;
	s26 =	simm.s32 @!p2 $0xA00;
	[sflag:s25] =	ssyncadd.s32 @!p2 $0xFFFFF600  }
0x81: {  	[tilespmem:s26], [sflag:$0x3] =	stream.linear.gather @!p2 [hbm4b:s1+s29], $0xA00, $0x38;
	[tilespmem:$0x1A600] =	vst v63  }
0x82: {  	_ =	swait.ge @!p2 [sflag:s25], $0xA00  }
0x83: {  	p1 =	slt.u32 s24, $0x2;
	[sflag:s25] =	ssyncset.done @!p2 $0x0  }
0x84: {  	s1 =	simm.s32 @!p1 $0x2;
	[sflag:s25] =	ssyncadd.s32 @!p2 $0xFFFFF600  }
0x85: {  	_ =	swait.ge @!p1 [sflag:s1], $0x2800  }
0x86: {  	s26 =	smul.u32 $0x50, s28;
	[sflag:s1] =	ssyncset.done @!p1 $0x0  }
0x87: {  	[sflag:s1] =	ssyncadd.s32 @!p1 $0xFFFFD800  }
0x88: {  	v0 =	vld [tilespmem:s26+$0x0];
	_ =	sdelay $0x2  }
0x89: {  	s28 =	sand.u32 $0x1, s24  }
0x8a: {  	s24 =	sshll.u32 s28, $0x7  }
0x8b: {  	[tilespmem:s24+$0x1400] =	vst v0  }
0x8c: {  	v0 =	vld [tilespmem:s26+$0xA00];
	_ =	sdelay $0x4  }
0x8d: {  	[tilespmem:s24+$0x1500] =	vst v0  }
0x8e: {  	v0 =	vld [tilespmem:s26+$0x10];
	_ =	sdelay $0x4  }
0x8f: {  	[tilespmem:s24+$0x1410] =	vst v0  }
0x90: {  	v0 =	vld [tilespmem:s26+$0xA10];
	_ =	sdelay $0x4  }
0x91: {  	[tilespmem:s24+$0x1510] =	vst v0  }
0x92: {  	v0 =	vld [tilespmem:s26+$0x20];
	_ =	sdelay $0x4  }
0x93: {  	[tilespmem:s24+$0x1420] =	vst v0  }
0x94: {  	v0 =	vld [tilespmem:s26+$0xA20];
	_ =	sdelay $0x4  }
0x95: {  	[tilespmem:s24+$0x1520] =	vst v0  }
0x96: {  	v0 =	vld [tilespmem:s26+$0x30];
	_ =	sdelay $0x4  }
0x97: {  	[tilespmem:s24+$0x1430] =	vst v0  }
0x98: {  	v0 =	vld [tilespmem:s26+$0xA30];
	_ =	sdelay $0x4  }
0x99: {  	[tilespmem:s24+$0x1530] =	vst v0  }
0x9a: {  	v0 =	vld [tilespmem:s26+$0x40];
	_ =	sdelay $0x4  }
0x9b: {  	[tilespmem:s24+$0x1440] =	vst v0  }
0x9c: {  	v0 =	vld [tilespmem:s26+$0xA40];
	_ =	sdelay $0x1  }
0x9d: {  	s1 =	smul.u32 $0xA000, s28;
	_ =	sdelay $0x1  }
0x9e: {  	s1 =	sshrl.u32 s1, $0x2  }
0x9f: {  	s29 =	sor.u32 $0x1400, s24;
	s1 =	sadd.s32 $0x1600, s1;
	[tilespmem:s24+$0x1540] =	vst v0  }
0xa0: {  	[tilespmem:s1], [sflag:$0x1] =	stream.indirect.gather [hbm4b:s0+s20], $0x80, s29, s20, $0xb8;
	[tilespmem:$0x1A600] =	vst v63  }
0xa1: {  	_ =	swait.ge [sflag:s21], $0x2800  }
0xa2: {  	[sflag:s21] =	ssyncset.done $0x0  }
0xa3: {  	s24 =	sor.u32 $0x1500, s24;
	[sflag:s21] =	ssyncadd.s32 $0xFFFFD800  }
0xa4: {  	[spmem:s3] =	stream.indirect.scatter.add.f32 [tilespmem:s1], [sflag:$0x2], $0x80, s24, s20, $0xb8;
	[tilespmem:$0x1A600] =	vst v63  }
0xa5: {  	_ =	swait.ge [sflag:s22], $0x2800  }
0xa6: {  	[sflag:s22] =	ssyncset.done $0x0  }
0xa7: {  	[sflag:s22] =	ssyncadd.s32 $0xFFFFD800  }
0xa8: {  	_ =	swait.ge [sflag:s22], $0x2800  }
0xa9: {  	s30 =	sshll.u32 s2, $0x6;
	s23 =	sadd.s32 $0x1, s23;
	[sflag:s22] =	ssyncset.done $0x0  }
0xaa: {  	s31 =	sshrl.u32 s8, $0x3;
	p1 =	sne.s32 s23, s14;
	[sflag:s22] =	ssyncadd.s32 $0xFFFFD800  }
.Ltmp1:
0xab: {  	s1 =	sor.u32 $0x1C03, s30;
	[bflag:$0x0] =	sbarrier.arrive $0xFFFF;
	(pc) =	sbr.rel @p1 .LBB2_1-.Ltmp1, $4  }
0xac: {  	[hbm:s13], [sflag:s1] =	dma.local [spmem:s31], $0x2800  }
0xad: {  	_ =	swait.ge [sflag:s18], $0x2800  }
0xae: {  	[sflag:s18] =	ssyncset.done $0x0  }
0xaf: {  	[sflag:s18] =	ssyncadd.s32 $0xFFFFD800  }
0xb0: {  	_ =	sfence.sel $0x180000  }
0xb1: {  	[bflag:$0x0] =	sbarrier.arrive $0xFFFF  }
0xb2: {  	_ =	strace $0x9000004A  }
0xb3: {  	[bflag:$0x2] =	sbarrier.arrive $0xFFFF  }
0xb4: {  	p0 =	sne.s32 s2, $0x0;
	s0 =	rddreg [dreg:$0x3]  }
0xb5: {  	s0 =	sadd.s32 @!p0 $0x100000, s0  }
0xb6: {  	[sflag:s0] =	ssyncadd.tile.s32 @!p0 $0x1;
	_ =	shalt  }
.Lfunc_end2:
_tile_overlayer_lowered:
.L_overlay_start_2:
0xb7: {  	(tag) =	ssettag $0x2  }
0xb8: {  	s0 =	rddreg [dreg:$0x0];
	s2 =	stileid.u32  }
0xb9: {  	s1 =	rddreg [dreg:$0x1];
	p0 =	sne.s32 s2, $0x0  }
0xba: {  	s3 =	rddreg [dreg:$0x2];
	[bflag:$0x3] =	sbarrier.arrive $0xFFFF;
	s2 =	simm.s32 @!p0 $0x1C03  }
0xbb: {  	[timem:s3], [sflag:s2] =	dma.local @!p0 [hbm:s0], s1  }
0xbc: {  	s0 =	simm.s32 @!p0 $0x3  }
0xbd: {  	_ =	swait.ge @!p0 [sflag:s0], s1  }
0xbe: {  	s1 =	ssub.s32 @!p0 $0x0, s1;
	[sflag:s0] =	ssyncset.done @!p0 $0x0  }
0xbf: {  	[sflag:s0] =	ssyncadd.s32 @!p0 s1  }
0xc0: {  	[bflag:$0x3] =	sbarrier.arrive $0xFFFF  }
0xc1: {  	_ =	shalt  }

// kernel: kernel.14.cloned.1.call-start
scs
__scs_entry_jumppad:
0x0: {  	(pc) =	sbr.rel $0x88, $3  }
0x1: {  	(tag) =	ssettag $0x0;
	lr =	simm.s32 $0x1  }
0x2: {  	[smem:$0x3F9B] =	sst lr;
	_ =	strace $0xD0000000  }
0x3: {  	_ = 	snop  }
0x4: {  	_ = 	snop  }
0x5: {  	_ = 	snop  }
0x6: {  	_ = 	snop  }
0x7: {  	_ = 	snop  }
__scs_overlays_trampoline_lowered:
0x8: {  	[smem:$0x3FAA] =	sst s0  }
0x9: {  	[smem:$0x3FAB] =	sst s1  }
0xa: {  	[smem:$0x3FAC] =	sst s2  }
0xb: {  	[smem:$0x3FAD] =	sst s3  }
0xc: {  	[smem:$0x3FAE] =	sst s4  }
0xd: {  	[smem:$0x3FAF] =	sst s5  }
0xe: {  	[smem:$0x3FB0] =	sst s6  }
0xf: {  	[smem:$0x3FB1] =	sst s7  }
0x10: {  	[smem:$0x3FB2] =	sst s8  }
0x11: {  	[smem:$0x3FB3] =	sst s9;
	s0 =	simm.s32 @!p0 $0x0  }
0x12: {  	s1 =	sld [smem:$0x3F99];
	s0 =	simm.s32 @p0 $0x1  }
0x13: {  	[smem:$0x3FB4] =	sst s0;
	s0 =	simm.s32 @!p1 $0x0  }
0x14: {  	s2 =	sld [smem:$0x3F98];
	s0 =	simm.s32 @p1 $0x1  }
0x15: {  	[smem:$0x3FB5] =	sst s0;
	s0 =	simm.s32 @!p2 $0x0  }
0x16: {  	s3 =	sld [smem:$0x3FDB];
	s0 =	simm.s32 @p2 $0x1  }
0x17: {  	s4 =	simm.s32 $0x1BF5;
	[smem:$0x3FB7] =	sst s0  }
0x18: {  	s0 =	sld [smem:$0x3F9A];
	_ =	swait.ge [sflag:s4], $0x0  }
0x19: {  	s7 =	sld [smem:$0x3F9B]  }
0x1a: {  	s8 =	sadd.s32 $0xFFFFE003, lr  }
0x1b: {  	s9 =	sadd.s32 $0xFFFFFEF7, lr;
	s5 =	simm.s32 $0xFFFFFFFF;
	p2 =	slt.u32 s8, $0xFFFFF086  }
0x1c: {  	p1 =	slt.u32 s9, $0xF7A;
	s5 =	simm.s32 @!p2 $0x0  }
0x1d: {  	s5 =	simm.s32 @p1 $0x1;
	p0 =	seq.s32 s7, s2  }
0x1e: {  	s7 =	smul.u32 @!p0 $0xF7A, s2;
	p2 =	seq.s32 @!p0 s5, $0x0  }
0x1f: {  	s9 =	smul.u32 $0xF7A, s1;
	s8 =	simm.s32 @!p0 $0x1BF5;
	p2 =	por !p2, p0  }
0x20: {  	[sflag:s8] =	ssyncset.s32 @!p0 $0xFFFFF086;
	s6 =	sadd.s32 @!p0 s3, s7;
	s7 =	simm.s32 @!p0 $0x108  }
0x21: {  	s3 =	sadd.s32 s3, s9;
	s6 =	sadd.s32 @!p0 $0x88, s6;
	s7 =	simm.s32 @p2 $0x1082  }
0x22: {  	[simem:s7], [sflag:s8] =	dma.local @!p0 [hbm:s6], $0xF7A  }
0x23: {  	s9 =	sor.u32 $0xD0000000, s2;
	s6 =	simm.s32 $0x108;
	_ =	swait.ge @!p0 [sflag:s8], $0x0  }
0x24: {  	s3 =	sadd.s32 $0x88, s3;
	s6 =	simm.s32 @!p1 $0x1082;
	[sflag:s4] =	ssyncset.s32 $0xFFFFF086  }
0x25: {  	[simem:s6], [sflag:s4] =	dma.local [hbm:s3], $0xF7A  }
0x26: {  	[smem:$0x3F9B] =	sst s1;
	(tag) =	ssettag s2;
	_ =	strace s9  }
0x27: {  	s1 =	sld [smem:$0x3FAB]  }
0x28: {  	s2 =	sld [smem:$0x3FAC]  }
0x29: {  	s4 =	sld [smem:$0x3FAE]  }
0x2a: {  	p0 =	seq.s32 s5, $0x0;
	s5 =	sld [smem:$0x3FAF]  }
0x2b: {  	s6 =	sld [smem:$0x3FB0]  }
0x2c: {  	s7 =	sld [smem:$0x3FB1]  }
0x2d: {  	s3 =	simm.s32 $0x108;
	s8 =	sld [smem:$0x3FB2]  }
0x2e: {  	s3 =	simm.s32 @!p0 $0x1082;
	s9 =	sld [smem:$0x3FB3]  }
0x2f: {  	lr =	sadd.s32 s0, s3;
	s0 =	sld [smem:$0x3FAA]  }
0x30: {  	s3 =	sld [smem:$0x3FAD]  }
0x31: {  	[smem:$0x3FB6] =	sst s10  }
0x32: {  	s10 =	sld [smem:$0x3FB4];
	_ =	sdelay $0x3  }
0x33: {  	p0 =	seq.s32 s10, $0x1;
	s10 =	sld [smem:$0x3FB6];
	_ =	sdelay $0x3  }
0x34: {  	[smem:$0x3FB6] =	sst s10  }
0x35: {  	s10 =	sld [smem:$0x3FB5];
	_ =	sdelay $0x3  }
0x36: {  	p1 =	seq.s32 s10, $0x1;
	s10 =	sld [smem:$0x3FB6];
	_ =	sdelay $0x3  }
0x37: {  	[smem:$0x3FB6] =	sst s10  }
0x38: {  	s10 =	sld [smem:$0x3FB7]  }
0x39: {  	_ = 	snop;
	(pc) =	sbr.ind lr, $3  }
0x3a: {  	_ = 	snop  }
0x3b: {  	_ = 	snop  }
0x3c: {  	p2 =	seq.s32 s10, $0x1;
	s10 =	sld [smem:$0x3FB6]  }
0x3d: {  	_ =	shalt  }
0x3e: {  	_ =	shalt  }
0x3f: {  	_ =	shalt  }
0x40: {  	_ =	shalt  }
0x41: {  	_ =	shalt  }
0x42: {  	_ =	shalt  }
0x43: {  	_ =	shalt  }
0x44: {  	_ =	shalt  }
0x45: {  	_ =	shalt  }
0x46: {  	_ =	shalt  }
0x47: {  	_ =	shalt  }
0x48: {  	_ =	shalt  }
0x49: {  	_ =	shalt  }
0x4a: {  	_ =	shalt  }
0x4b: {  	_ =	shalt  }
0x4c: {  	_ =	shalt  }
0x4d: {  	_ =	shalt  }
0x4e: {  	_ =	shalt  }
0x4f: {  	_ =	shalt  }
0x50: {  	_ =	shalt  }
0x51: {  	_ =	shalt  }
0x52: {  	_ =	shalt  }
0x53: {  	_ =	shalt  }
0x54: {  	_ =	shalt  }
0x55: {  	_ =	shalt  }
0x56: {  	_ =	shalt  }
0x57: {  	_ =	shalt  }
0x58: {  	_ =	shalt  }
0x59: {  	_ =	shalt  }
0x5a: {  	_ =	shalt  }
0x5b: {  	_ =	shalt  }
0x5c: {  	_ =	shalt  }
0x5d: {  	_ =	shalt  }
0x5e: {  	_ =	shalt  }
0x5f: {  	_ =	shalt  }
0x60: {  	_ =	shalt  }
0x61: {  	_ =	shalt  }
0x62: {  	_ =	shalt  }
0x63: {  	_ =	shalt  }
0x64: {  	_ =	shalt  }
0x65: {  	_ =	shalt  }
0x66: {  	_ =	shalt  }
0x67: {  	_ =	shalt  }
0x68: {  	_ =	shalt  }
0x69: {  	_ =	shalt  }
0x6a: {  	_ =	shalt  }
0x6b: {  	_ =	shalt  }
0x6c: {  	_ =	shalt  }
0x6d: {  	_ =	shalt  }
0x6e: {  	_ =	shalt  }
0x6f: {  	_ =	shalt  }
0x70: {  	_ =	shalt  }
0x71: {  	_ =	shalt  }
0x72: {  	_ =	shalt  }
0x73: {  	_ =	shalt  }
0x74: {  	_ =	shalt  }
0x75: {  	_ =	shalt  }
0x76: {  	_ =	shalt  }
0x77: {  	_ =	shalt  }
0x78: {  	_ =	shalt  }
0x79: {  	_ =	shalt  }
0x7a: {  	_ =	shalt  }
0x7b: {  	_ =	shalt  }
0x7c: {  	_ =	shalt  }
0x7d: {  	_ =	shalt  }
0x7e: {  	_ =	shalt  }
0x7f: {  	_ =	shalt  }
0x80: {  	_ =	shalt  }
0x81: {  	_ =	shalt  }
0x82: {  	_ =	shalt  }
0x83: {  	_ =	shalt  }
0x84: {  	_ =	shalt  }
0x85: {  	_ =	shalt  }
0x86: {  	_ =	shalt  }
0x87: {  	_ =	shalt  }
.Lfunc_end0:
.L_simem_size_0:
called_computation.2_lowered:
.L_overlay_start_0:
0x88: {  	s2 =	sld [smem:$0x3FD9]  }
0x89: {  	s3 =	sld [smem:$0x3FFE];
	_ =	sdelay $0x1  }
0x8a: {  	s1 =	srdreg.scid  }
0x8b: {  	s0 =	sand.u32 $0x1, s1  }
0x8c: {  	s17 =	sshll.u32 s0, $0xA;
	s2 =	sadd.s32 s3, s2  }
0x8d: {  	s2 =	sadd.s32 s2, s17  }
0x8e: {  	[smem:$0x3FC2] =	sst s2  }
0x8f: {  	_ = 	snop  }
0x90: {  	s2 =	sld [smem:$0x3FD0];
	(tm) =	ssettm $0x1  }
0x91: {  	s18 =	sld [smem:$0x3FFB];
	_ =	sdelay $0x3  }
0x92: {  	_ =	strace s18  }
0x93: {  	s3 =	sld [smem:$0x3FFC];
	_ =	sdelay $0x3  }
0x94: {  	_ =	strace s3  }
0x95: {  	s3 =	sld [smem:$0x3FFD];
	_ =	sdelay $0x3  }
0x96: {  	_ =	strace s3  }
0x97: {  	_ =	strace $0x8FFFFFFF  }
0x98: {  	s19 =	sld [smem:$0x3FDB];
	_ =	sdelay $0x1  }
0x99: {  	s4 =	simm.s32 $_scs_section_size  }
0x9a: {  	s5 =	simm.s32 $_size__tile_overlayer_lowered;
	s6 =	simm.s32 $_tile_overlayer_lowered  }
0x9b: {  	s22 =	simm.s32 $0x1BFF;
	s21 =	sshll.u32 s6, $0x1;
	s3 =	sadd.s32 s4, s19  }
0x9c: {  	s7 =	simm.s32 $0x0;
	s20 =	sshll.u32 s5, $0x1;
	s5 =	sadd.s32 s21, s3  }
0x9d: {  	[timem:s7], [sflag:s22] =	dma.local [hbm:s5], s20  }
0x9e: {  	_ =	swait.ge [sflag:s22], s20  }
0x9f: {  	s4 =	ssub.s32 $0x0, s20;
	[sflag:s22] =	ssyncset.done $0x0  }
0xa0: {  	[sflag:s22] =	ssyncadd.s32 s4;
	_ =	sdelay $0x1  }
0xa1: {  	s23 =	simm.s32 $0x1B8B  }
0xa2: {  	_ =	swait.ge [sflag:s23], $0x1  }
0xa3: {  	[sflag:s23] =	ssyncset.done $0x0  }
0xa4: {  	s25 =	simm.s32 $0x1B8E;
	s24 =	sld [smem:$0x3FFE];
	[sflag:s23] =	ssyncadd.s32 $0xFFFFFFFF  }
0xa5: {  	s26 =	simm.s32 $execute0_lowered;
	[smem:$0x3FD2] =	sst s25  }
0xa6: {  	s5 =	sshll.u32 s26, $0x1;
	_ =	strace $0x8000004C;
	[dreg:$0x1] =	wrdreg $0xFFFFFFFF  }
0xa7: {  	s28 =	simm.s32 $_size_execute0_lowered;
	s3 =	sadd.s32 s3, s5;
	[dreg:$0x0] =	wrdreg $0x0  }
0xa8: {  	s5 =	sshll.u32 s28, $0x1;
	[dreg:$0x2] =	wrdreg s3  }
0xa9: {  	[dreg:$0x3] =	wrdreg s5  }
0xaa: {  	[dreg:$0x4] =	wrdreg $0xC0  }
0xab: {  	_ =	task [dreg:s7], $0x5FFFF  }
0xac: {  	[dreg:$0x1] =	wrdreg $0xFFFFFFFF  }
0xad: {  	[dreg:$0x0] =	wrdreg $0x60  }
0xae: {  	[dreg:$0x2] =	wrdreg s2  }
0xaf: {  	[dreg:$0x3] =	wrdreg s24  }
0xb0: {  	[dreg:$0x4] =	wrdreg $0x66000  }
0xb1: {  	[dreg:$0x5] =	wrdreg $0x9  }
0xb2: {  	_ =	task.clear_ibuf [dreg:s7], $0x6FFFF;
	_ =	strace $0x9000004C  }
0xb3: {  	s29 =	simm.s32 $0x9;
	_ =	strace $0x8000004E  }
0xb4: {  	_ =	swait.ge [sflag:s29], $0x1  }
0xb5: {  	[sflag:s29] =	ssyncadd.s32 $0xFFFFFFFF  }
0xb6: {  	_ =	strace $0x9000004E  }
0xb7: {  	_ =	sfence  }
0xb8: {  	s30 =	sld [smem:$0x0];
	_ =	sdelay $0x2  }
0xb9: {  	s31 =	sshll.u32 s1, $0xD;
	s1 =	sshrl.u32 s1, $0x2  }
0xba: {  	s3 =	sand.u32 $0x4000, s31;
	s1 =	sadd.s32 s1, s30  }
0xbb: {  	s0 =	sor.u32 s3, s0;
	s1 =	sshll.u32 s1, $0x11  }
0xbc: {  	s0 =	sor.u32 s1, s0  }
0xbd: {  	s0 =	sadd.s32 $0x8F2B, s0  }
0xbe: {  	[sflag:s0] =	ssyncadd.remote.s32 $0x1  }
0xbf: {  	_ =	sfence.sel $0xFFFF  }
0xc0: {  	[dreg:$0x0] =	wrdreg $0xFFFFFFFF;
	(pc) =	sbr.abs _section_cstart, $3  }
0xc1: {  	[dreg:$0x1] =	wrdreg $0xFFFFFFFF  }
0xc2: {  	_ =	task.clear_ibuf [dreg:s7], $0x2FFFF;
	_ =	strace $0x9FFFFFFF  }
0xc3: {  	(tm) =	ssettm $0x7FFFFFFF  }
tec
execute0_lowered:
.L_overlay_start_1:
0x0: {  	(tag) =	ssettag $0x1  }
0x1: {  	s1 =	rddreg [dreg:$0x0]  }
0x2: {  	s7 =	rddreg [dreg:$0x1]  }
0x3: {  	s2 =	rddreg [dreg:$0x2];
	s3 =	srdreg.scid  }
0x4: {  	s4 =	simm.s32 $0x0;
	s18 =	simm.s32 $0x3;
	s8 =	sand.u32 $0x1, s3  }
0x5: {  	s19 =	simm.s32 $0xA00;
	s3 =	stileid.u32;
	s9 =	smul.u32 $0x140000, s8  }
0x6: {  	s20 =	simm.s32 $0x50;
	s22 =	simm.s32 $0x2;
	s10 =	smul.u32 $0x14000, s3  }
0x7: {  	s23 =	simm.s32 $0x0;
	[smem:$0x7FF] =	sst s4;
	s21 =	smul.u32 $0x2710, s8  }
0x8: {  	s5 =	sadd.s32 $0xCA00, s7;
	s6 =	sadd.s32 $0x2A00, s7;
	s25 =	smul.u32 $0x50000, s3  }
0x9: {  	s15 =	sadd.s32 $0x12C000, s2;
	_ =	strace $0x8000004D;
	s12 =	smul.u32 $0x280, s3  }
0xa: {  	s11 =	ssub.s32 $0x2, s8;
	s8 =	smul.u32 $0x138800, s8;
	p0 =	seq.s32 s3, $0xF  }
0xb: {  	s26 =	sshrl.u32 s11, $0x1;
	s16 =	sshll.u32 @!p0 s3, $0x6;
	s15 =	sshrl.u32 @p0 s15, $0x3  }
0xc: {  	s9 =	sadd.s32 s10, s9;
	s14 =	ssub.s32 s11, s26;
	s28 =	sadd.s32 s12, s21  }
0xd: {  	s10 =	sshrl.u32 s25, $0x2;
	s29 =	sshrl.u32 s8, $0x3;
	s16 =	sor.u32 @!p0 $0x1C03, s16  }
0xe: {  	v0 =	vmov s21;
	s21 =	simm.s32 $0x1;
	s9 =	sshrl.u32 s9, $0x3;
	s8 =	sadd.s32 s10, s2  }
0xf: {  	s30 =	sadd.s32 s1, s29;
	s13 =	sadd.s32 s9, s7;
	s7 =	smul.u32 $0x5000, s3  }
0x10: {  	s14 =	smax.u32 s14, $0x1;
	s9 =	sshll.u32 s28, $0x4;
	s10 =	sadd.s32 $0x25800, s30  }
0x11: {  	s17 =	sshrl.u32 @!p0 s8, $0x3;
	s9 =	sadd.s32 s1, s9;
	s31 =	sshrl.u32 s7, $0x3  }
0x12: {  	s13 =	sadd.s32 $0x16A00, s13;
	s11 =	sadd.s32 s5, s31;
	s12 =	sadd.s32 s6, s31  }
.LBB2_1:
0x13: {  	s24 =	simm.s32 @p0 $0x1FC3  }
0x14: {  	[spmem:s15], [sflag:s24] =	dma.local @p0 [hbm:s10], $0x1900  }
0x15: {  	s24 =	simm.s32 @p0 $0x3  }
0x16: {  	_ =	swait.ge @p0 [sflag:s24], $0x1900  }
0x17: {  	[sflag:s24] =	ssyncset.done @p0 $0x0  }
0x18: {  	[sflag:s24] =	ssyncadd.s32 @p0 $0xFFFFE700;
	s24 =	simm.s32 @!p0 $0x3  }
0x19: {  	[spmem:s17], [sflag:s16] =	dma.local @!p0 [hbm:s9], $0x2800  }
0x1a: {  	_ =	swait.ge @!p0 [sflag:s24], $0x2800  }
0x1b: {  	[sflag:s24] =	ssyncset.done @!p0 $0x0  }
0x1c: {  	p1 =	por $0x1, $0x1;
	[sflag:s24] =	ssyncadd.s32 @!p0 $0xFFFFD800;
	s24 =	sand.u32 $0x1F, s4  }
0x1d: {  	[tilespmem:s4], [sflag:$0x3] =	stream.linear.gather [hbm4b:s11+s4], $0xA00, $0x38;
	[tilespmem:$0x1A600] =	vst v63  }
0x1e: {  	p2 =	sne.s32 @!p1 s24, $0x0  }
0x1f: {  	_ =	swait.ge [sflag:s18], $0xA00;
	p1 =	por p2, p1  }
0x20: {  	[sflag:s18] =	ssyncset.done $0x0;
	s25 =	simm.s32 @!p1 $0x0  }
0x21: {  	[sflag:s18] =	ssyncadd.s32 $0xFFFFF600;
	s25 =	smul.u32 @!p1 $0xA00, s25  }
0x22: {  	[tilespmem:s19], [sflag:$0x3] =	stream.linear.gather [hbm4b:s12+s4], $0xA00, $0x38;
	[tilespmem:$0x1A600] =	vst v63  }
0x23: {  	_ =	swait.ge [sflag:s18], $0xA00  }
0x24: {  	s25 =	sadd.s32 @!p1 s7, s25;
	[sflag:s18] =	ssyncset.done $0x0  }
0x25: {  	s26 =	simm.s32 @!p1 $0x3;
	s25 =	sshrl.u32 @!p1 s25, $0x3;
	[sflag:s18] =	ssyncadd.s32 $0xFFFFF600  }
0x26: {  	s29 =	simm.s32 @!p1 $0x0;
	s28 =	sadd.s32 @!p1 s5, s25;
	[bflag:$0x0] =	sbarrier.arrive $0xFFFF  }
0x27: {  	[tilespmem:s29], [sflag:$0x3] =	stream.linear.gather @!p1 [hbm4b:s28+s29], $0xA00, $0x38;
	[tilespmem:$0x1A600] =	vst v63  }
0x28: {  	_ =	swait.ge @!p1 [sflag:s26], $0xA00  }
0x29: {  	[sflag:s26] =	ssyncset.done @!p1 $0x0  }
0x2a: {  	s25 =	sadd.s32 @!p1 s6, s25;
	s28 =	simm.s32 @!p1 $0xA00;
	[sflag:s26] =	ssyncadd.s32 @!p1 $0xFFFFF600  }
0x2b: {  	[tilespmem:s28], [sflag:$0x3] =	stream.linear.gather @!p1 [hbm4b:s25+s29], $0xA00, $0x38;
	[tilespmem:$0x1A600] =	vst v63  }
0x2c: {  	_ =	swait.ge @!p1 [sflag:s26], $0xA00  }
0x2d: {  	p2 =	por $0x1, $0x1;
	[sflag:s26] =	ssyncset.done @!p1 $0x0  }
0x2e: {  	s25 =	simm.s32 @!p2 $0x2;
	[sflag:s26] =	ssyncadd.s32 @!p1 $0xFFFFF600  }
0x2f: {  	_ =	swait.ge @!p2 [sflag:s25], $0x2800  }
0x30: {  	s24 =	smul.u32 $0x50, s24;
	[sflag:s25] =	ssyncset.done @!p2 $0x0  }
0x31: {  	[sflag:s25] =	ssyncadd.s32 @!p2 $0xFFFFD800  }
0x32: {  	v1 =	vld [tilespmem:s24+$0x0];
	_ =	sdelay $0x3  }
0x33: {  	s30 =	sand.u32 $0x1, s4  }
0x34: {  	s0 =	sshll.u32 s30, $0x7;
	v1 =	vadd.s32 v0, v1  }
0x35: {  	[tilespmem:s0+$0x1400] =	vst v1  }
0x36: {  	v1 =	vld [tilespmem:s24+$0xA00];
	_ =	sdelay $0x4  }
0x37: {  	[tilespmem:s0+$0x1500] =	vst v1  }
0x38: {  	v1 =	vld [tilespmem:s24+$0x10];
	_ =	sdelay $0x4  }
0x39: {  	v1 =	vadd.s32 v0, v1  }
0x3a: {  	[tilespmem:s0+$0x1410] =	vst v1  }
0x3b: {  	v1 =	vld [tilespmem:s24+$0xA10];
	_ =	sdelay $0x4  }
0x3c: {  	[tilespmem:s0+$0x1510] =	vst v1  }
0x3d: {  	v1 =	vld [tilespmem:s24+$0x20];
	_ =	sdelay $0x4  }
0x3e: {  	v1 =	vadd.s32 v0, v1  }
0x3f: {  	[tilespmem:s0+$0x1420] =	vst v1  }
0x40: {  	v1 =	vld [tilespmem:s24+$0xA20];
	_ =	sdelay $0x4  }
0x41: {  	[tilespmem:s0+$0x1520] =	vst v1  }
0x42: {  	v1 =	vld [tilespmem:s24+$0x30];
	_ =	sdelay $0x4  }
0x43: {  	v1 =	vadd.s32 v0, v1  }
0x44: {  	[tilespmem:s0+$0x1430] =	vst v1  }
0x45: {  	v1 =	vld [tilespmem:s24+$0xA30];
	_ =	sdelay $0x4  }
0x46: {  	[tilespmem:s0+$0x1530] =	vst v1  }
0x47: {  	v1 =	vld [tilespmem:s24+$0x40];
	_ =	sdelay $0x4  }
0x48: {  	v1 =	vadd.s32 v0, v1  }
0x49: {  	[tilespmem:s0+$0x1440] =	vst v1  }
0x4a: {  	v1 =	vld [tilespmem:s24+$0xA40];
	_ =	sdelay $0x1  }
0x4b: {  	s25 =	smul.u32 $0xA000, s30;
	s24 =	simm.s32 $0x1  }
0x4c: {  	p1 =	por $0x0, $0x0;
	s28 =	sand.u32 $0x1F, s24  }
0x4d: {  	s25 =	sshrl.u32 s25, $0x2;
	p2 =	sne.s32 @!p1 s28, $0x0  }
0x4e: {  	s30 =	sor.u32 $0x1400, s0;
	s29 =	sadd.s32 $0x1600, s25;
	p2 =	por p2, p1;
	[tilespmem:s0+$0x1540] =	vst v1  }
0x4f: {  	[tilespmem:s29], [sflag:$0x1] =	stream.indirect.gather [hbm4b:s1+s20], $0x80, s30, s20, $0xb8;
	[tilespmem:$0x1A600] =	vst v63  }
0x50: {  	s30 =	simm.s32 @!p2 $0x0  }
0x51: {  	s31 =	smul.u32 @!p2 $0xA00, s30  }
0x52: {  	s26 =	sor.u32 $0x1500, s0;
	s25 =	simm.s32 $0x2;
	_ =	swait.ge [sflag:s21], $0x2800  }
.LBB2_2:
0x53: {  	s30 =	sadd.s32 @!p2 s7, s31  }
0x54: {  	[sflag:s21] =	ssyncset.done $0x0;
	s31 =	smov.u32 s25;
	s25 =	sadd.s32 $0x1, s25  }
0x55: {  	s0 =	simm.s32 @!p2 $0x3;
	s30 =	sshrl.u32 @!p2 s30, $0x3;
	[sflag:s21] =	ssyncadd.s32 $0xFFFFD800  }
0x56: {  	[spmem:s2] =	stream.indirect.scatter.add.f32 [tilespmem:s29], [sflag:$0x2], $0x80, s26, s20, $0xb8;
	[tilespmem:$0x1A600] =	vst v63  }
0x57: {  	s26 =	sadd.s32 @!p2 s5, s30;
	s29 =	simm.s32 @!p2 $0x0;
	s30 =	sadd.s32 @!p2 s6, s30  }
0x58: {  	[tilespmem:s29], [sflag:$0x3] =	stream.linear.gather @!p2 [hbm4b:s26+s29], $0xA00, $0x38;
	[tilespmem:$0x1A600] =	vst v63  }
0x59: {  	p1 =	sne.s32 s25, $0x100;
	_ =	swait.ge @!p2 [sflag:s0], $0xA00  }
0x5a: {  	[sflag:s0] =	ssyncset.done @!p2 $0x0  }
0x5b: {  	s26 =	simm.s32 @!p2 $0xA00;
	[sflag:s0] =	ssyncadd.s32 @!p2 $0xFFFFF600  }
0x5c: {  	[tilespmem:s26], [sflag:$0x3] =	stream.linear.gather @!p2 [hbm4b:s30+s29], $0xA00, $0x38;
	[tilespmem:$0x1A600] =	vst v63  }
0x5d: {  	_ =	swait.ge @!p2 [sflag:s0], $0xA00  }
0x5e: {  	p3 =	slt.u32 s24, $0x2;
	[sflag:s0] =	ssyncset.done @!p2 $0x0  }
0x5f: {  	[sflag:s0] =	ssyncadd.s32 @!p2 $0xFFFFF600;
	s0 =	simm.s32 @!p3 $0x2  }
0x60: {  	_ =	swait.ge @!p3 [sflag:s0], $0x2800  }
0x61: {  	s28 =	smul.u32 $0x50, s28;
	[sflag:s0] =	ssyncset.done @!p3 $0x0  }
0x62: {  	[sflag:s0] =	ssyncadd.s32 @!p3 $0xFFFFD800  }
0x63: {  	v1 =	vld [tilespmem:s28+$0x0];
	_ =	sdelay $0x3  }
0x64: {  	s0 =	sand.u32 $0x1, s24;
	s24 =	smov.u32 s31  }
0x65: {  	s29 =	sshll.u32 s0, $0x7;
	s0 =	smul.u32 $0xA000, s0;
	v1 =	vadd.s32 v0, v1  }
0x66: {  	s26 =	sor.u32 $0x1500, s29;
	[tilespmem:s29+$0x1400] =	vst v1  }
0x67: {  	s30 =	sshrl.u32 s0, $0x2;
	v1 =	vld [tilespmem:s28+$0xA00];
	_ =	sdelay $0x4  }
0x68: {  	[tilespmem:s29+$0x1500] =	vst v1  }
0x69: {  	v1 =	vld [tilespmem:s28+$0x10];
	_ =	sdelay $0x4  }
0x6a: {  	v1 =	vadd.s32 v0, v1  }
0x6b: {  	[tilespmem:s29+$0x1410] =	vst v1  }
0x6c: {  	v1 =	vld [tilespmem:s28+$0xA10];
	_ =	sdelay $0x4  }
0x6d: {  	[tilespmem:s29+$0x1510] =	vst v1  }
0x6e: {  	v1 =	vld [tilespmem:s28+$0x20];
	_ =	sdelay $0x4  }
0x6f: {  	v1 =	vadd.s32 v0, v1  }
0x70: {  	[tilespmem:s29+$0x1420] =	vst v1  }
0x71: {  	v1 =	vld [tilespmem:s28+$0xA20];
	_ =	sdelay $0x4  }
0x72: {  	[tilespmem:s29+$0x1520] =	vst v1  }
0x73: {  	v1 =	vld [tilespmem:s28+$0x30];
	_ =	sdelay $0x4  }
0x74: {  	v1 =	vadd.s32 v0, v1  }
0x75: {  	[tilespmem:s29+$0x1430] =	vst v1  }
0x76: {  	v1 =	vld [tilespmem:s28+$0xA30];
	_ =	sdelay $0x4  }
0x77: {  	[tilespmem:s29+$0x1530] =	vst v1  }
0x78: {  	v1 =	vld [tilespmem:s28+$0x40];
	_ =	sdelay $0x4  }
0x79: {  	v1 =	vadd.s32 v0, v1  }
0x7a: {  	[tilespmem:s29+$0x1440] =	vst v1  }
0x7b: {  	v1 =	vld [tilespmem:s28+$0xA40]  }
0x7c: {  	p2 =	seq.s32 s24, $0x0;
	s28 =	sand.u32 $0x1F, s24  }
0x7d: {  	p3 =	sne.s32 @!p2 s28, $0x0  }
.Ltmp0:
0x7e: {  	p2 =	por p3, p2;
	(pc) =	sbr.rel @p1 .LBB2_2-.Ltmp0, $4  }
0x7f: {  	s0 =	sshrl.u32 @!p2 s24, $0x5  }
0x80: {  	s31 =	smul.u32 @!p2 $0xA00, s0;
	s0 =	sor.u32 $0x1400, s29;
	[tilespmem:s29+$0x1540] =	vst v1;
	s29 =	sadd.s32 $0x1600, s30  }
0x81: {  	[tilespmem:s29], [sflag:$0x1] =	stream.indirect.gather [hbm4b:s1+s20], $0x80, s0, s20, $0xb8;
	[tilespmem:$0x1A600] =	vst v63  }
0x82: {  	_ =	swait.ge [sflag:s21], $0x2800  }
0x83: {  	s0 =	sadd.s32 @!p2 s7, s31;
	[sflag:s21] =	ssyncset.done $0x0  }
0x84: {  	s0 =	sshrl.u32 @!p2 s0, $0x3;
	[sflag:s21] =	ssyncadd.s32 $0xFFFFD800  }
0x85: {  	[spmem:s2] =	stream.indirect.scatter.add.f32 [tilespmem:s29], [sflag:$0x2], $0x80, s26, s20, $0xb8;
	[tilespmem:$0x1A600] =	vst v63  }
0x86: {  	s25 =	simm.s32 @!p2 $0x3;
	s26 =	sadd.s32 @!p2 s5, s0;
	s29 =	simm.s32 @!p2 $0x0  }
0x87: {  	[tilespmem:s29], [sflag:$0x3] =	stream.linear.gather @!p2 [hbm4b:s26+s29], $0xA00, $0x38;
	[tilespmem:$0x1A600] =	vst v63  }
0x88: {  	_ =	swait.ge @!p2 [sflag:s25], $0xA00  }
0x89: {  	[sflag:s25] =	ssyncset.done @!p2 $0x0  }
0x8a: {  	s0 =	sadd.s32 @!p2 s6, s0;
	s26 =	simm.s32 @!p2 $0xA00;
	[sflag:s25] =	ssyncadd.s32 @!p2 $0xFFFFF600  }
0x8b: {  	[tilespmem:s26], [sflag:$0x3] =	stream.linear.gather @!p2 [hbm4b:s0+s29], $0xA00, $0x38;
	[tilespmem:$0x1A600] =	vst v63  }
0x8c: {  	_ =	swait.ge @!p2 [sflag:s25], $0xA00  }
0x8d: {  	p1 =	slt.u32 s24, $0x2;
	[sflag:s25] =	ssyncset.done @!p2 $0x0  }
0x8e: {  	s0 =	simm.s32 @!p1 $0x2;
	[sflag:s25] =	ssyncadd.s32 @!p2 $0xFFFFF600  }
0x8f: {  	_ =	swait.ge @!p1 [sflag:s0], $0x2800  }
0x90: {  	s26 =	smul.u32 $0x50, s28;
	[sflag:s0] =	ssyncset.done @!p1 $0x0  }
0x91: {  	[sflag:s0] =	ssyncadd.s32 @!p1 $0xFFFFD800  }
0x92: {  	v1 =	vld [tilespmem:s26+$0x0];
	_ =	sdelay $0x3  }
0x93: {  	s28 =	sand.u32 $0x1, s24  }
0x94: {  	s24 =	sshll.u32 s28, $0x7;
	v1 =	vadd.s32 v0, v1  }
0x95: {  	[tilespmem:s24+$0x1400] =	vst v1  }
0x96: {  	v1 =	vld [tilespmem:s26+$0xA00];
	_ =	sdelay $0x4  }
0x97: {  	[tilespmem:s24+$0x1500] =	vst v1  }
0x98: {  	v1 =	vld [tilespmem:s26+$0x10];
	_ =	sdelay $0x4  }
0x99: {  	v1 =	vadd.s32 v0, v1  }
0x9a: {  	[tilespmem:s24+$0x1410] =	vst v1  }
0x9b: {  	v1 =	vld [tilespmem:s26+$0xA10];
	_ =	sdelay $0x4  }
0x9c: {  	[tilespmem:s24+$0x1510] =	vst v1  }
0x9d: {  	v1 =	vld [tilespmem:s26+$0x20];
	_ =	sdelay $0x4  }
0x9e: {  	v1 =	vadd.s32 v0, v1  }
0x9f: {  	[tilespmem:s24+$0x1420] =	vst v1  }
0xa0: {  	v1 =	vld [tilespmem:s26+$0xA20];
	_ =	sdelay $0x4  }
0xa1: {  	[tilespmem:s24+$0x1520] =	vst v1  }
0xa2: {  	v1 =	vld [tilespmem:s26+$0x30];
	_ =	sdelay $0x4  }
0xa3: {  	v1 =	vadd.s32 v0, v1  }
0xa4: {  	[tilespmem:s24+$0x1430] =	vst v1  }
0xa5: {  	v1 =	vld [tilespmem:s26+$0xA30];
	_ =	sdelay $0x4  }
0xa6: {  	[tilespmem:s24+$0x1530] =	vst v1  }
0xa7: {  	v1 =	vld [tilespmem:s26+$0x40];
	_ =	sdelay $0x4  }
0xa8: {  	v1 =	vadd.s32 v0, v1  }
0xa9: {  	[tilespmem:s24+$0x1440] =	vst v1  }
0xaa: {  	v1 =	vld [tilespmem:s26+$0xA40];
	_ =	sdelay $0x1  }
0xab: {  	s0 =	smul.u32 $0xA000, s28;
	_ =	sdelay $0x1  }
0xac: {  	s0 =	sshrl.u32 s0, $0x2  }
0xad: {  	s29 =	sor.u32 $0x1400, s24;
	s0 =	sadd.s32 $0x1600, s0;
	[tilespmem:s24+$0x1540] =	vst v1  }
0xae: {  	[tilespmem:s0], [sflag:$0x1] =	stream.indirect.gather [hbm4b:s1+s20], $0x80, s29, s20, $0xb8;
	[tilespmem:$0x1A600] =	vst v63  }
0xaf: {  	_ =	swait.ge [sflag:s21], $0x2800  }
0xb0: {  	[sflag:s21] =	ssyncset.done $0x0  }
0xb1: {  	s24 =	sor.u32 $0x1500, s24;
	[sflag:s21] =	ssyncadd.s32 $0xFFFFD800  }
0xb2: {  	[spmem:s2] =	stream.indirect.scatter.add.f32 [tilespmem:s0], [sflag:$0x2], $0x80, s24, s20, $0xb8;
	[tilespmem:$0x1A600] =	vst v63  }
0xb3: {  	_ =	swait.ge [sflag:s22], $0x2800  }
0xb4: {  	[sflag:s22] =	ssyncset.done $0x0  }
0xb5: {  	[sflag:s22] =	ssyncadd.s32 $0xFFFFD800  }
0xb6: {  	_ =	swait.ge [sflag:s22], $0x2800  }
0xb7: {  	s30 =	sshll.u32 s3, $0x6;
	s23 =	sadd.s32 $0x1, s23;
	[sflag:s22] =	ssyncset.done $0x0  }
0xb8: {  	s31 =	sshrl.u32 s8, $0x3;
	p1 =	sne.s32 s23, s14;
	[sflag:s22] =	ssyncadd.s32 $0xFFFFD800  }
.Ltmp1:
0xb9: {  	s0 =	sor.u32 $0x1C03, s30;
	[bflag:$0x0] =	sbarrier.arrive $0xFFFF;
	(pc) =	sbr.rel @p1 .LBB2_1-.Ltmp1, $4  }
0xba: {  	[hbm:s13], [sflag:s0] =	dma.local [spmem:s31], $0x2800  }
0xbb: {  	_ =	swait.ge [sflag:s18], $0x2800  }
0xbc: {  	[sflag:s18] =	ssyncset.done $0x0  }
0xbd: {  	[sflag:s18] =	ssyncadd.s32 $0xFFFFD800  }
0xbe: {  	_ =	sfence.sel $0x180000  }
0xbf: {  	[bflag:$0x0] =	sbarrier.arrive $0xFFFF  }
0xc0: {  	_ =	strace $0x9000004D  }
0xc1: {  	[bflag:$0x2] =	sbarrier.arrive $0xFFFF  }
0xc2: {  	p0 =	sne.s32 s3, $0x0;
	s0 =	rddreg [dreg:$0x3]  }
0xc3: {  	s0 =	sadd.s32 @!p0 $0x100000, s0  }
0xc4: {  	[sflag:s0] =	ssyncadd.tile.s32 @!p0 $0x1;
	_ =	shalt  }
.Lfunc_end2:
_tile_overlayer_lowered:
.L_overlay_start_2:
0xc5: {  	(tag) =	ssettag $0x2  }
0xc6: {  	s0 =	rddreg [dreg:$0x0];
	s2 =	stileid.u32  }
0xc7: {  	s1 =	rddreg [dreg:$0x1];
	p0 =	sne.s32 s2, $0x0  }
0xc8: {  	s3 =	rddreg [dreg:$0x2];
	[bflag:$0x3] =	sbarrier.arrive $0xFFFF;
	s2 =	simm.s32 @!p0 $0x1C03  }
0xc9: {  	[timem:s3], [sflag:s2] =	dma.local @!p0 [hbm:s0], s1  }
0xca: {  	s0 =	simm.s32 @!p0 $0x3  }
0xcb: {  	_ =	swait.ge @!p0 [sflag:s0], s1  }
0xcc: {  	s1 =	ssub.s32 @!p0 $0x0, s1;
	[sflag:s0] =	ssyncset.done @!p0 $0x0  }
0xcd: {  	[sflag:s0] =	ssyncadd.s32 @!p0 s1  }
0xce: {  	[bflag:$0x3] =	sbarrier.arrive $0xFFFF  }
0xcf: {  	_ =	shalt  }

// kernel: kernel.8.cloned.1.call-start
scs
__scs_entry_jumppad:
0x0: {  	(pc) =	sbr.rel $0x88, $3  }
0x1: {  	(tag) =	ssettag $0x0;
	lr =	simm.s32 $0x1  }
0x2: {  	[smem:$0x3F9B] =	sst lr;
	_ =	strace $0xD0000000  }
0x3: {  	_ = 	snop  }
0x4: {  	_ = 	snop  }
0x5: {  	_ = 	snop  }
0x6: {  	_ = 	snop  }
0x7: {  	_ = 	snop  }
__scs_overlays_trampoline_lowered:
0x8: {  	[smem:$0x3FAA] =	sst s0  }
0x9: {  	[smem:$0x3FAB] =	sst s1  }
0xa: {  	[smem:$0x3FAC] =	sst s2  }
0xb: {  	[smem:$0x3FAD] =	sst s3  }
0xc: {  	[smem:$0x3FAE] =	sst s4  }
0xd: {  	[smem:$0x3FAF] =	sst s5  }
0xe: {  	[smem:$0x3FB0] =	sst s6  }
0xf: {  	[smem:$0x3FB1] =	sst s7  }
0x10: {  	[smem:$0x3FB2] =	sst s8  }
0x11: {  	[smem:$0x3FB3] =	sst s9;
	s0 =	simm.s32 @!p0 $0x0  }
0x12: {  	s1 =	sld [smem:$0x3F99];
	s0 =	simm.s32 @p0 $0x1  }
0x13: {  	[smem:$0x3FB4] =	sst s0;
	s0 =	simm.s32 @!p1 $0x0  }
0x14: {  	s2 =	sld [smem:$0x3F98];
	s0 =	simm.s32 @p1 $0x1  }
0x15: {  	[smem:$0x3FB5] =	sst s0;
	s0 =	simm.s32 @!p2 $0x0  }
0x16: {  	s3 =	sld [smem:$0x3FDB];
	s0 =	simm.s32 @p2 $0x1  }
0x17: {  	s4 =	simm.s32 $0x1BF5;
	[smem:$0x3FB7] =	sst s0  }
0x18: {  	s0 =	sld [smem:$0x3F9A];
	_ =	swait.ge [sflag:s4], $0x0  }
0x19: {  	s7 =	sld [smem:$0x3F9B]  }
0x1a: {  	s8 =	sadd.s32 $0xFFFFE003, lr  }
0x1b: {  	s9 =	sadd.s32 $0xFFFFFEF7, lr;
	s5 =	simm.s32 $0xFFFFFFFF;
	p2 =	slt.u32 s8, $0xFFFFF086  }
0x1c: {  	p1 =	slt.u32 s9, $0xF7A;
	s5 =	simm.s32 @!p2 $0x0  }
0x1d: {  	s5 =	simm.s32 @p1 $0x1;
	p0 =	seq.s32 s7, s2  }
0x1e: {  	s7 =	smul.u32 @!p0 $0xF7A, s2;
	p2 =	seq.s32 @!p0 s5, $0x0  }
0x1f: {  	s9 =	smul.u32 $0xF7A, s1;
	s8 =	simm.s32 @!p0 $0x1BF5;
	p2 =	por !p2, p0  }
0x20: {  	[sflag:s8] =	ssyncset.s32 @!p0 $0xFFFFF086;
	s6 =	sadd.s32 @!p0 s3, s7;
	s7 =	simm.s32 @!p0 $0x108  }
0x21: {  	s3 =	sadd.s32 s3, s9;
	s6 =	sadd.s32 @!p0 $0x88, s6;
	s7 =	simm.s32 @p2 $0x1082  }
0x22: {  	[simem:s7], [sflag:s8] =	dma.local @!p0 [hbm:s6], $0xF7A  }
0x23: {  	s9 =	sor.u32 $0xD0000000, s2;
	s6 =	simm.s32 $0x108;
	_ =	swait.ge @!p0 [sflag:s8], $0x0  }
0x24: {  	s3 =	sadd.s32 $0x88, s3;
	s6 =	simm.s32 @!p1 $0x1082;
	[sflag:s4] =	ssyncset.s32 $0xFFFFF086  }
0x25: {  	[simem:s6], [sflag:s4] =	dma.local [hbm:s3], $0xF7A  }
0x26: {  	[smem:$0x3F9B] =	sst s1;
	(tag) =	ssettag s2;
	_ =	strace s9  }
0x27: {  	s1 =	sld [smem:$0x3FAB]  }
0x28: {  	s2 =	sld [smem:$0x3FAC]  }
0x29: {  	s4 =	sld [smem:$0x3FAE]  }
0x2a: {  	p0 =	seq.s32 s5, $0x0;
	s5 =	sld [smem:$0x3FAF]  }
0x2b: {  	s6 =	sld [smem:$0x3FB0]  }
0x2c: {  	s7 =	sld [smem:$0x3FB1]  }
0x2d: {  	s3 =	simm.s32 $0x108;
	s8 =	sld [smem:$0x3FB2]  }
0x2e: {  	s3 =	simm.s32 @!p0 $0x1082;
	s9 =	sld [smem:$0x3FB3]  }
0x2f: {  	lr =	sadd.s32 s0, s3;
	s0 =	sld [smem:$0x3FAA]  }
0x30: {  	s3 =	sld [smem:$0x3FAD]  }
0x31: {  	[smem:$0x3FB6] =	sst s10  }
0x32: {  	s10 =	sld [smem:$0x3FB4];
	_ =	sdelay $0x3  }
0x33: {  	p0 =	seq.s32 s10, $0x1;
	s10 =	sld [smem:$0x3FB6];
	_ =	sdelay $0x3  }
0x34: {  	[smem:$0x3FB6] =	sst s10  }
0x35: {  	s10 =	sld [smem:$0x3FB5];
	_ =	sdelay $0x3  }
0x36: {  	p1 =	seq.s32 s10, $0x1;
	s10 =	sld [smem:$0x3FB6];
	_ =	sdelay $0x3  }
0x37: {  	[smem:$0x3FB6] =	sst s10  }
0x38: {  	s10 =	sld [smem:$0x3FB7]  }
0x39: {  	_ = 	snop;
	(pc) =	sbr.ind lr, $3  }
0x3a: {  	_ = 	snop  }
0x3b: {  	_ = 	snop  }
0x3c: {  	p2 =	seq.s32 s10, $0x1;
	s10 =	sld [smem:$0x3FB6]  }
0x3d: {  	_ =	shalt  }
0x3e: {  	_ =	shalt  }
0x3f: {  	_ =	shalt  }
0x40: {  	_ =	shalt  }
0x41: {  	_ =	shalt  }
0x42: {  	_ =	shalt  }
0x43: {  	_ =	shalt  }
0x44: {  	_ =	shalt  }
0x45: {  	_ =	shalt  }
0x46: {  	_ =	shalt  }
0x47: {  	_ =	shalt  }
0x48: {  	_ =	shalt  }
0x49: {  	_ =	shalt  }
0x4a: {  	_ =	shalt  }
0x4b: {  	_ =	shalt  }
0x4c: {  	_ =	shalt  }
0x4d: {  	_ =	shalt  }
0x4e: {  	_ =	shalt  }
0x4f: {  	_ =	shalt  }
0x50: {  	_ =	shalt  }
0x51: {  	_ =	shalt  }
0x52: {  	_ =	shalt  }
0x53: {  	_ =	shalt  }
0x54: {  	_ =	shalt  }
0x55: {  	_ =	shalt  }
0x56: {  	_ =	shalt  }
0x57: {  	_ =	shalt  }
0x58: {  	_ =	shalt  }
0x59: {  	_ =	shalt  }
0x5a: {  	_ =	shalt  }
0x5b: {  	_ =	shalt  }
0x5c: {  	_ =	shalt  }
0x5d: {  	_ =	shalt  }
0x5e: {  	_ =	shalt  }
0x5f: {  	_ =	shalt  }
0x60: {  	_ =	shalt  }
0x61: {  	_ =	shalt  }
0x62: {  	_ =	shalt  }
0x63: {  	_ =	shalt  }
0x64: {  	_ =	shalt  }
0x65: {  	_ =	shalt  }
0x66: {  	_ =	shalt  }
0x67: {  	_ =	shalt  }
0x68: {  	_ =	shalt  }
0x69: {  	_ =	shalt  }
0x6a: {  	_ =	shalt  }
0x6b: {  	_ =	shalt  }
0x6c: {  	_ =	shalt  }
0x6d: {  	_ =	shalt  }
0x6e: {  	_ =	shalt  }
0x6f: {  	_ =	shalt  }
0x70: {  	_ =	shalt  }
0x71: {  	_ =	shalt  }
0x72: {  	_ =	shalt  }
0x73: {  	_ =	shalt  }
0x74: {  	_ =	shalt  }
0x75: {  	_ =	shalt  }
0x76: {  	_ =	shalt  }
0x77: {  	_ =	shalt  }
0x78: {  	_ =	shalt  }
0x79: {  	_ =	shalt  }
0x7a: {  	_ =	shalt  }
0x7b: {  	_ =	shalt  }
0x7c: {  	_ =	shalt  }
0x7d: {  	_ =	shalt  }
0x7e: {  	_ =	shalt  }
0x7f: {  	_ =	shalt  }
0x80: {  	_ =	shalt  }
0x81: {  	_ =	shalt  }
0x82: {  	_ =	shalt  }
0x83: {  	_ =	shalt  }
0x84: {  	_ =	shalt  }
0x85: {  	_ =	shalt  }
0x86: {  	_ =	shalt  }
0x87: {  	_ =	shalt  }
.Lfunc_end0:
.L_simem_size_0:
called_computation_lowered:
.L_overlay_start_0:
0x88: {  	s2 =	sld [smem:$0x3FD9]  }
0x89: {  	s3 =	sld [smem:$0x3FFE];
	_ =	sdelay $0x1  }
0x8a: {  	s1 =	srdreg.scid  }
0x8b: {  	s0 =	sand.u32 $0x1, s1  }
0x8c: {  	s17 =	sshll.u32 s0, $0xA;
	s2 =	sadd.s32 s3, s2  }
0x8d: {  	s2 =	sadd.s32 s2, s17  }
0x8e: {  	[smem:$0x3FC2] =	sst s2  }
0x8f: {  	_ = 	snop  }
0x90: {  	s2 =	sld [smem:$0x3FD0];
	(tm) =	ssettm $0x1  }
0x91: {  	s18 =	sld [smem:$0x3FFB];
	_ =	sdelay $0x3  }
0x92: {  	_ =	strace s18  }
0x93: {  	s3 =	sld [smem:$0x3FFC];
	_ =	sdelay $0x3  }
0x94: {  	_ =	strace s3  }
0x95: {  	s3 =	sld [smem:$0x3FFD];
	_ =	sdelay $0x3  }
0x96: {  	_ =	strace s3  }
0x97: {  	_ =	strace $0x8FFFFFFF  }
0x98: {  	s19 =	sld [smem:$0x3FDB];
	_ =	sdelay $0x1  }
0x99: {  	s4 =	simm.s32 $_scs_section_size  }
0x9a: {  	s5 =	simm.s32 $_size__tile_overlayer_lowered;
	s6 =	simm.s32 $_tile_overlayer_lowered  }
0x9b: {  	s22 =	simm.s32 $0x1BFF;
	s21 =	sshll.u32 s6, $0x1;
	s3 =	sadd.s32 s4, s19  }
0x9c: {  	s7 =	simm.s32 $0x0;
	s20 =	sshll.u32 s5, $0x1;
	s5 =	sadd.s32 s21, s3  }
0x9d: {  	[timem:s7], [sflag:s22] =	dma.local [hbm:s5], s20  }
0x9e: {  	_ =	swait.ge [sflag:s22], s20  }
0x9f: {  	s4 =	ssub.s32 $0x0, s20;
	[sflag:s22] =	ssyncset.done $0x0  }
0xa0: {  	[sflag:s22] =	ssyncadd.s32 s4;
	_ =	sdelay $0x1  }
0xa1: {  	s23 =	simm.s32 $0x1B8B  }
0xa2: {  	_ =	swait.ge [sflag:s23], $0x1  }
0xa3: {  	[sflag:s23] =	ssyncset.done $0x0  }
0xa4: {  	s25 =	simm.s32 $0x1B8E;
	s24 =	sld [smem:$0x3FFE];
	[sflag:s23] =	ssyncadd.s32 $0xFFFFFFFF  }
0xa5: {  	s26 =	simm.s32 $execute0_lowered;
	[smem:$0x3FD2] =	sst s25  }
0xa6: {  	s5 =	sshll.u32 s26, $0x1;
	_ =	strace $0x80000046;
	[dreg:$0x1] =	wrdreg $0xFFFFFFFF  }
0xa7: {  	s28 =	simm.s32 $_size_execute0_lowered;
	s3 =	sadd.s32 s3, s5;
	[dreg:$0x0] =	wrdreg $0x0  }
0xa8: {  	s5 =	sshll.u32 s28, $0x1;
	[dreg:$0x2] =	wrdreg s3  }
0xa9: {  	[dreg:$0x3] =	wrdreg s5  }
0xaa: {  	[dreg:$0x4] =	wrdreg $0xC0  }
0xab: {  	_ =	task [dreg:s7], $0x5FFFF  }
0xac: {  	[dreg:$0x1] =	wrdreg $0xFFFFFFFF  }
0xad: {  	[dreg:$0x0] =	wrdreg $0x60  }
0xae: {  	[dreg:$0x2] =	wrdreg s24  }
0xaf: {  	[dreg:$0x3] =	wrdreg s2  }
0xb0: {  	[dreg:$0x4] =	wrdreg $0x2B800  }
0xb1: {  	[dreg:$0x5] =	wrdreg $0x9  }
0xb2: {  	_ =	task.clear_ibuf [dreg:s7], $0x6FFFF;
	_ =	strace $0x90000046  }
0xb3: {  	s29 =	simm.s32 $0x9;
	_ =	strace $0x80000048  }
0xb4: {  	_ =	swait.ge [sflag:s29], $0x1  }
0xb5: {  	[sflag:s29] =	ssyncadd.s32 $0xFFFFFFFF  }
0xb6: {  	_ =	strace $0x90000048  }
0xb7: {  	_ =	sfence  }
0xb8: {  	s30 =	sld [smem:$0x0];
	_ =	sdelay $0x2  }
0xb9: {  	s31 =	sshll.u32 s1, $0xD;
	s1 =	sshrl.u32 s1, $0x2  }
0xba: {  	s3 =	sand.u32 $0x4000, s31;
	s1 =	sadd.s32 s1, s30  }
0xbb: {  	s0 =	sor.u32 s3, s0;
	s1 =	sshll.u32 s1, $0x11  }
0xbc: {  	s0 =	sor.u32 s1, s0  }
0xbd: {  	s0 =	sadd.s32 $0x8F2B, s0  }
0xbe: {  	[sflag:s0] =	ssyncadd.remote.s32 $0x1  }
0xbf: {  	_ =	sfence.sel $0xFFFF  }
0xc0: {  	[dreg:$0x0] =	wrdreg $0xFFFFFFFF;
	(pc) =	sbr.abs _section_cstart, $3  }
0xc1: {  	[dreg:$0x1] =	wrdreg $0xFFFFFFFF  }
0xc2: {  	_ =	task.clear_ibuf [dreg:s7], $0x2FFFF;
	_ =	strace $0x9FFFFFFF  }
0xc3: {  	(tm) =	ssettm $0x7FFFFFFF  }
tec
execute0_lowered:
.L_overlay_start_1:
0x0: {  	(tag) =	ssettag $0x1  }
0x1: {  	s4 =	rddreg [dreg:$0x0]  }
0x2: {  	s0 =	srdreg.scid;
	s6 =	rddreg [dreg:$0x1]  }
0x3: {  	s2 =	rddreg [dreg:$0x2];
	s1 =	stileid.u32  }
0x4: {  	s3 =	simm.s32 $0x0;
	s11 =	simm.s32 $0x2800;
	s12 =	simm.s32 $0x2880  }
0x5: {  	s15 =	simm.s32 $0x20;
	s16 =	simm.s32 $0x10;
	s17 =	simm.s32 $0x0  }
0x6: {  	s5 =	sand.u32 $0x1, s0;
	s0 =	rddreg [dreg:$0x3];
	s8 =	smul.u32 $0x500, s1  }
0x7: {  	[smem:$0x7FF] =	sst s3;
	s10 =	smul.u32 $0xA00, s1;
	s13 =	sshll.u32 s1, $0x6  }
0x8: {  	s7 =	sshll.u32 s5, $0x4;
	_ =	strace $0x80000047;
	s9 =	ssub.s32 $0x2, s5  }
0x9: {  	s5 =	sshll.u32 s5, $0x7;
	s13 =	sor.u32 $0x1C01, s13;
	s7 =	sor.u32 s1, s7  }
0xa: {  	s28 =	sshrl.u32 s9, $0x1;
	s5 =	sor.u32 s5, s8;
	s30 =	sshrl.u32 s10, $0x2  }
0xb: {  	s8 =	simm.s32 $0x2900;
	s10 =	simm.s32 $0x50;
	s7 =	smul.u32 $0x500, s7  }
0xc: {  	s29 =	ssub.s32 s9, s28;
	s31 =	sshrl.u32 s5, $0x3;
	s9 =	simm.s32 $0x1  }
0xd: {  	s6 =	sadd.s32 s6, s31;
	s7 =	sadd.s32 s7, s4;
	s4 =	sadd.s32 s30, s2  }
0xe: {  	v0 =	vimm.f32 $0.0e+00;
	v1 =	vimm.f32 $1.000000000e+00;
	s5 =	sadd.s32 $0x2A00, s7;
	s7 =	smax.u32 s29, $0x1;
	s14 =	sshrl.u32 s4, $0x3  }
.LBB2_1:
0xf: {  	[tilespmem:$0x2900] =	vst v0  }
0x10: {  	[tilespmem:$0x2910] =	vst v0  }
0x11: {  	[tilespmem:$0x2920] =	vst v0  }
0x12: {  	[tilespmem:$0x2930] =	vst v0  }
0x13: {  	[tilespmem:$0x2940] =	vst v0  }
0x14: {  	[tilespmem:$0x2950] =	vst v0  }
0x15: {  	[tilespmem:$0x2960] =	vst v0  }
0x16: {  	[tilespmem:$0x2970] =	vst v0  }
0x17: {  	[tilespmem:$0x2980] =	vst v0  }
0x18: {  	[tilespmem:$0x2990] =	vst v0  }
0x19: {  	[tilespmem:$0x29A0] =	vst v0  }
0x1a: {  	[tilespmem:$0x29B0] =	vst v0  }
0x1b: {  	[tilespmem:$0x29C0] =	vst v0  }
0x1c: {  	[tilespmem:$0x29D0] =	vst v0  }
0x1d: {  	[tilespmem:$0x29E0] =	vst v0  }
0x1e: {  	[tilespmem:$0x29F0] =	vst v0  }
0x1f: {  	[tilespmem:$0x2A00] =	vst v0  }
0x20: {  	[tilespmem:$0x2A10] =	vst v0  }
0x21: {  	[tilespmem:$0x2A20] =	vst v0  }
0x22: {  	[tilespmem:$0x2A30] =	vst v0  }
0x23: {  	[tilespmem:$0x2A40] =	vst v0  }
0x24: {  	[tilespmem:$0x2A50] =	vst v0  }
0x25: {  	[tilespmem:$0x2A60] =	vst v0  }
0x26: {  	[tilespmem:$0x2A70] =	vst v0  }
0x27: {  	[tilespmem:$0x2A80] =	vst v0  }
0x28: {  	[tilespmem:$0x2A90] =	vst v0  }
0x29: {  	[tilespmem:$0x2AA0] =	vst v0  }
0x2a: {  	[tilespmem:$0x2AB0] =	vst v0  }
0x2b: {  	[tilespmem:$0x2AC0] =	vst v0  }
0x2c: {  	[tilespmem:$0x2AD0] =	vst v0  }
0x2d: {  	[tilespmem:$0x2AE0] =	vst v0  }
0x2e: {  	[tilespmem:$0x2AF0] =	vst v0  }
0x2f: {  	[tilespmem:$0x2B00] =	vst v0  }
0x30: {  	[tilespmem:$0x2B10] =	vst v0  }
0x31: {  	[tilespmem:$0x2B20] =	vst v0  }
0x32: {  	[tilespmem:$0x2B30] =	vst v0  }
0x33: {  	[tilespmem:$0x2B40] =	vst v0  }
0x34: {  	[tilespmem:$0x2B50] =	vst v0  }
0x35: {  	[tilespmem:$0x2B60] =	vst v0  }
0x36: {  	[tilespmem:$0x2B70] =	vst v0  }
0x37: {  	[tilespmem:$0x2880] =	vst v1  }
0x38: {  	[tilespmem:$0x2890] =	vst v1  }
0x39: {  	[tilespmem:$0x28A0] =	vst v1  }
0x3a: {  	[tilespmem:$0x28B0] =	vst v1  }
0x3b: {  	[tilespmem:$0x28C0] =	vst v1  }
0x3c: {  	[spmem:s4] =	stream.linear.scatter [tilespmem:s8], [sflag:$0x1], $0x280, $0x38;
	[tilespmem:$0x2E00] =	vst v63  }
0x3d: {  	_ =	swait.ge [sflag:s9], $0x280  }
0x3e: {  	[sflag:s9] =	ssyncset.done $0x0  }
0x3f: {  	[sflag:s9] =	ssyncadd.s32 $0xFFFFFD80  }
0x40: {  	[tilespmem:s3], [sflag:$0x1] =	stream.linear.gather [hbm4b:s5+s3], $0x2800, $0x38;
	[tilespmem:$0x2E00] =	vst v63  }
0x41: {  	_ =	swait.ge [sflag:s9], $0x2800  }
0x42: {  	[sflag:s9] =	ssyncset.done $0x0  }
0x43: {  	[sflag:s9] =	ssyncadd.s32 $0xFFFFD800  }
0x44: {  	s18 =	simm.s32 $0x0;
	[bflag:$0x0] =	sbarrier.arrive $0xFFFF  }
0x45: {  	v2 =	vld [tilespmem:s18+$0x0];
	_ =	sdelay $0x4  }
0x46: {  	[tilespmem:$0x2800] =	vst v2  }
0x47: {  	v2 =	vld [tilespmem:s18+$0x10];
	_ =	sdelay $0x4  }
0x48: {  	[tilespmem:$0x2810] =	vst v2  }
0x49: {  	v2 =	vld [tilespmem:s18+$0x20];
	_ =	sdelay $0x4  }
0x4a: {  	[tilespmem:$0x2820] =	vst v2  }
0x4b: {  	v2 =	vld [tilespmem:s18+$0x30];
	_ =	sdelay $0x4  }
0x4c: {  	[tilespmem:$0x2830] =	vst v2  }
0x4d: {  	v2 =	vld [tilespmem:s18+$0x40];
	_ =	sdelay $0x4  }
0x4e: {  	[tilespmem:$0x2840] =	vst v2  }
0x4f: {  	[spmem:s2] =	stream.indirect.scatter.add.f32 [tilespmem:s12], [sflag:$0x1], $0x1, s11, s10, $0xb8;
	[tilespmem:$0x2E00] =	vst v63  }
0x50: {  	_ =	swait.ge [sflag:s9], $0x50  }
0x51: {  	s19 =	simm.s32 $0x280;
	s18 =	simm.s32 $0x140;
	[sflag:s9] =	ssyncset.done $0x0  }
.LBB2_2:
0x52: {  	s20 =	sshra.s32 s18, $0x2  }
0x53: {  	[sflag:s9] =	ssyncadd.s32 $0xFFFFFFB0;
	s18 =	smov.u32 s19;
	s21 =	sadd.s32 $0x140, s19  }
0x54: {  	p0 =	sne.s32 s19, $0x9EC0;
	v2 =	vld [tilespmem:s20+$0x0];
	_ =	sdelay $0x4  }
0x55: {  	[tilespmem:$0x2800] =	vst v2  }
0x56: {  	v2 =	vld [tilespmem:s20+$0x10];
	_ =	sdelay $0x4  }
0x57: {  	[tilespmem:$0x2810] =	vst v2  }
0x58: {  	v2 =	vld [tilespmem:s20+$0x20];
	_ =	sdelay $0x4  }
0x59: {  	[tilespmem:$0x2820] =	vst v2  }
0x5a: {  	v2 =	vld [tilespmem:s20+$0x30];
	_ =	sdelay $0x4  }
0x5b: {  	[tilespmem:$0x2830] =	vst v2  }
0x5c: {  	v2 =	vld [tilespmem:s20+$0x40];
	_ =	sdelay $0x3  }
.Ltmp0:
0x5d: {  	(pc) =	sbr.rel @p0 .LBB2_2-.Ltmp0, $4  }
0x5e: {  	[tilespmem:$0x2840] =	vst v2  }
0x5f: {  	[spmem:s2] =	stream.indirect.scatter.add.f32 [tilespmem:s12], [sflag:$0x1], $0x1, s11, s10, $0xb8;
	[tilespmem:$0x2E00] =	vst v63  }
0x60: {  	_ =	swait.ge [sflag:s9], $0x50  }
0x61: {  	s19 =	smov.u32 s21;
	[sflag:s9] =	ssyncset.done $0x0  }
0x62: {  	s18 =	sshra.s32 s18, $0x2;
	[sflag:s9] =	ssyncadd.s32 $0xFFFFFFB0  }
0x63: {  	v2 =	vld [tilespmem:s18+$0x0];
	_ =	sdelay $0x4  }
0x64: {  	[tilespmem:$0x2800] =	vst v2  }
0x65: {  	v2 =	vld [tilespmem:s18+$0x10];
	_ =	sdelay $0x4  }
0x66: {  	[tilespmem:$0x2810] =	vst v2  }
0x67: {  	v2 =	vld [tilespmem:s18+$0x20];
	_ =	sdelay $0x4  }
0x68: {  	[tilespmem:$0x2820] =	vst v2  }
0x69: {  	v2 =	vld [tilespmem:s18+$0x30];
	_ =	sdelay $0x4  }
0x6a: {  	[tilespmem:$0x2830] =	vst v2  }
0x6b: {  	v2 =	vld [tilespmem:s18+$0x40];
	_ =	sdelay $0x4  }
0x6c: {  	[tilespmem:$0x2840] =	vst v2  }
0x6d: {  	[spmem:s2] =	stream.indirect.scatter.add.f32 [tilespmem:s12], [sflag:$0x1], $0x1, s11, s10, $0xb8;
	[tilespmem:$0x2E00] =	vst v63  }
0x6e: {  	_ =	swait.ge [sflag:s9], $0x50  }
0x6f: {  	s17 =	sadd.s32 $0x1, s17;
	[sflag:s9] =	ssyncset.done $0x0  }
0x70: {  	p0 =	sne.s32 s17, s7;
	[sflag:s9] =	ssyncadd.s32 $0xFFFFFFB0  }
.Ltmp1:
0x71: {  	[bflag:$0x0] =	sbarrier.arrive $0xFFFF;
	(pc) =	sbr.rel @p0 .LBB2_1-.Ltmp1, $4  }
0x72: {  	[hbm:s6@s15], [sflag:s13] =	dma.strided [spmem:s14@s16], $0x50, s9, $0x10   }
0x73: {  	_ =	swait.ge [sflag:s9], $0x50  }
0x74: {  	[sflag:s9] =	ssyncset.done $0x0  }
0x75: {  	[sflag:s9] =	ssyncadd.s32 $0xFFFFFFB0  }
0x76: {  	_ =	sfence.sel $0x180000  }
0x77: {  	[bflag:$0x0] =	sbarrier.arrive $0xFFFF  }
0x78: {  	p0 =	sne.s32 s1, $0x0;
	_ =	strace $0x90000047  }
0x79: {  	s0 =	sadd.s32 @!p0 $0x100000, s0;
	[bflag:$0x2] =	sbarrier.arrive $0xFFFF  }
0x7a: {  	[sflag:s0] =	ssyncadd.tile.s32 @!p0 $0x1;
	_ =	shalt  }
.Lfunc_end2:
_tile_overlayer_lowered:
.L_overlay_start_2:
0x7b: {  	(tag) =	ssettag $0x2  }
0x7c: {  	s0 =	rddreg [dreg:$0x0];
	s2 =	stileid.u32  }
0x7d: {  	s1 =	rddreg [dreg:$0x1];
	p0 =	sne.s32 s2, $0x0  }
0x7e: {  	s3 =	rddreg [dreg:$0x2];
	[bflag:$0x3] =	sbarrier.arrive $0xFFFF;
	s2 =	simm.s32 @!p0 $0x1C01  }
0x7f: {  	[timem:s3], [sflag:s2] =	dma.local @!p0 [hbm:s0], s1  }
0x80: {  	s0 =	simm.s32 @!p0 $0x1  }
0x81: {  	_ =	swait.ge @!p0 [sflag:s0], s1  }
0x82: {  	s1 =	ssub.s32 @!p0 $0x0, s1;
	[sflag:s0] =	ssyncset.done @!p0 $0x0  }
0x83: {  	[sflag:s0] =	ssyncadd.s32 @!p0 s1  }
0x84: {  	[bflag:$0x3] =	sbarrier.arrive $0xFFFF  }
0x85: {  	_ =	shalt  }

</sc_bundles>
